<compile_context>
chip_gen: v7x
topology: tpu7x:2x2x1
jax: 0.10.2.dev20260603
libtpu: 0.0.44.dev20260713+nightly
codegen_flags: <defaults>
</compile_context>

<pallas_src>
import functools

import jax
import jax.numpy as jnp
from jax import lax
from jax.experimental import pallas as pl
from jax.experimental.pallas import tpu as pltpu
from jax.experimental.pallas import tpu_sc as plsc

N_NODES = 10000
N_EDGES = 320000
D_IN = 128
W = 16

NC = 2
NS = 16
NW = NC * NS

NP = 10240
ROWS_PER_TILE = NP // NS

CHUNK = 128
C0 = 78
C1 = 79
CMAX = max(C0, C1)
DUMMY = N_NODES

NBUF = 8
KAHEAD = 6

TCB1 = 2000
TCB = 2048
NTCB = NP // TCB



def _tc1_body(x_ref, w_ref, b_ref, o_ref):
    o_ref[...] = jnp.maximum(
        jnp.dot(x_ref[...], w_ref[...], preferred_element_type=jnp.float32)
        + b_ref[...], 0.0)


def _tc1(x, w1e, b1e):
    return pl.pallas_call(
        _tc1_body,
        grid=(N_NODES // TCB1,),
        in_specs=[
            pl.BlockSpec((TCB1, D_IN), lambda i: (i, 0)),
            pl.BlockSpec((D_IN, W), lambda i: (0, 0)),
            pl.BlockSpec((1, W), lambda i: (0, 0)),
        ],
        out_specs=pl.BlockSpec((TCB1, W), lambda i: (i, 0)),
        out_shape=jax.ShapeDtypeStruct((NP, W), jnp.float32),
    )(x, w1e, b1e)


def _tc2_body(acc_ref, deg_ref, hext_ref, wl_ref, bl_ref, wr_ref, h1_ref):
    a = acc_ref[0] + acc_ref[1]
    dgc = jnp.maximum(deg_ref[0] + deg_ref[1], 1.0).reshape(TCB, 1)
    mean = a / dgc
    h1_ref[...] = (
        jnp.dot(mean, wl_ref[...], preferred_element_type=jnp.float32)
        + bl_ref[...]
        + jnp.dot(hext_ref[...], wr_ref[...],
                  preferred_element_type=jnp.float32))


def _tc2(acc1, deg, hext, wl1, bl1, wr1):
    return pl.pallas_call(
        _tc2_body,
        grid=(NTCB,),
        in_specs=[
            pl.BlockSpec((NC, TCB, W), lambda i: (0, i, 0)),
            pl.BlockSpec((NC, TCB), lambda i: (0, i)),
            pl.BlockSpec((TCB, W), lambda i: (i, 0)),
            pl.BlockSpec((W, W), lambda i: (0, 0)),
            pl.BlockSpec((1, W), lambda i: (0, 0)),
            pl.BlockSpec((W, W), lambda i: (0, 0)),
        ],
        out_specs=pl.BlockSpec((TCB, W), lambda i: (i, 0)),
        out_shape=jax.ShapeDtypeStruct((NP, W), jnp.float32),
    )(acc1, deg, hext, wl1, bl1, wr1)


def _tc3_body(acc_ref, deg_ref, h1_ref, wl_ref, bl_ref, wr_ref, w2_ref,
              b2_ref, o_ref):
    a = acc_ref[0] + acc_ref[1]
    dgc = jnp.maximum(deg_ref[0] + deg_ref[1], 1.0).reshape(TCB, 1)
    mean = a / dgc
    h2 = (jnp.dot(mean, wl_ref[...], preferred_element_type=jnp.float32)
          + bl_ref[...]
          + jnp.dot(h1_ref[...], wr_ref[...],
                    preferred_element_type=jnp.float32))
    o_ref[...] = (jnp.dot(h2, w2_ref[...], preferred_element_type=jnp.float32)
                  + b2_ref[...])


def _tc3(acc2, deg, h1, wl2, bl2, wr2, w2e, b2e):
    return pl.pallas_call(
        _tc3_body,
        grid=(NTCB,),
        in_specs=[
            pl.BlockSpec((NC, TCB, W), lambda i: (0, i, 0)),
            pl.BlockSpec((NC, TCB), lambda i: (0, i)),
            pl.BlockSpec((TCB, W), lambda i: (i, 0)),
            pl.BlockSpec((W, W), lambda i: (0, 0)),
            pl.BlockSpec((1, W), lambda i: (0, 0)),
            pl.BlockSpec((W, W), lambda i: (0, 0)),
            pl.BlockSpec((W, 8), lambda i: (0, 0)),
            pl.BlockSpec((1, 8), lambda i: (0, 0)),
        ],
        out_specs=pl.BlockSpec((TCB, 8), lambda i: (i, 0)),
        out_shape=jax.ShapeDtypeStruct((NP, 8), jnp.float32),
    )(acc2, deg, h1, wl2, bl2, wr2, w2e, b2e)



def _sc_agg_body(with_deg, tab_hbm, eidx_hbm, *rest):
    if with_deg:
        (out_hbm, dout_hbm, src_v, dst_v, rows_v, ones_v, zdeg_v, zrow_v,
         acc_sh, deg_sh, tab_sh, gsem, ssem, dsem, isem) = rest
    else:
        (out_hbm, src_v, dst_v, rows_v, zrow_v,
         acc_sh, tab_sh, gsem, ssem, isem) = rest
    cid = lax.axis_index("c")
    sid = lax.axis_index("s")

    base = lax.select(cid == 0, sid * C0, NS * C0 + sid * C1)
    pltpu.async_copy(eidx_hbm.at[0, pl.ds(base, CMAX)], src_v, isem).wait()
    pltpu.async_copy(eidx_hbm.at[1, pl.ds(base, CMAX)], dst_v, isem).wait()

    def _z(i, c):
        zrow_v[i] = jnp.zeros((W,), jnp.float32)
        return c
    lax.fori_loop(0, ROWS_PER_TILE, _z, 0)
    if with_deg:
        def _z1(i, c):
            zdeg_v[pl.ds(i * W, W)] = jnp.zeros((W,), jnp.float32)
            return c
        lax.fori_loop(0, ROWS_PER_TILE // W, _z1, 0)
        for i in range(CHUNK // W):
            ones_v[pl.ds(i * W, W)] = jnp.ones((W,), jnp.float32)
    row0 = sid * ROWS_PER_TILE
    pltpu.sync_copy(tab_hbm.at[pl.ds(row0, ROWS_PER_TILE)],
                    tab_sh.at[pl.ds(row0, ROWS_PER_TILE)])
    pltpu.sync_copy(zrow_v, acc_sh.at[pl.ds(row0, ROWS_PER_TILE)])
    if with_deg:
        pltpu.sync_copy(zdeg_v, deg_sh.at[pl.ds(row0, ROWS_PER_TILE)])
    plsc.subcore_barrier()

    def _gather(j, b):
        pltpu.async_copy(tab_sh.at[src_v.at[j]], rows_v.at[b], gsem.at[b])

    def _gather_wait(b):
        pltpu.make_async_copy(tab_sh.at[src_v.at[0]], rows_v.at[b],
                              gsem.at[b]).wait()

    def _scatter(j, b):
        pltpu.async_copy(rows_v.at[b], acc_sh.at[dst_v.at[j]],
                         ssem.at[b], add=True)
        if with_deg:
            pltpu.async_copy(ones_v, deg_sh.at[dst_v.at[j]],
                             dsem.at[b], add=True)

    def _scatter_wait(b):
        pltpu.make_async_copy(rows_v.at[b], acc_sh.at[dst_v.at[0]],
                              ssem.at[b]).wait()
        if with_deg:
            pltpu.make_async_copy(ones_v, deg_sh.at[dst_v.at[0]],
                                  dsem.at[b]).wait()

    nche = lax.select(cid == 0, C0, C1)
    for j in range(KAHEAD):
        _gather(j, j)

    def _step(j, c):
        b = lax.rem(j, NBUF)
        jf = j + KAHEAD
        bf = lax.rem(jf, NBUF)

        @pl.when(jf < nche)
        def _prefetch():
            @pl.when(jf >= NBUF)
            def _drain():
                _scatter_wait(bf)
            _gather(jf, bf)

        _gather_wait(b)
        _scatter(j, b)
        return c

    lax.fori_loop(0, nche, _step, 0)

    for t in range(NBUF):
        _scatter_wait(t)
    plsc.subcore_barrier()
    pltpu.sync_copy(acc_sh.at[pl.ds(row0, ROWS_PER_TILE)],
                    out_hbm.at[cid, pl.ds(row0, ROWS_PER_TILE)])
    if with_deg:
        pltpu.sync_copy(deg_sh.at[pl.ds(row0, ROWS_PER_TILE)],
                        dout_hbm.at[cid, pl.ds(row0, ROWS_PER_TILE)])


def _sc_agg(table, eidx, with_deg):
    mesh = plsc.VectorSubcoreMesh(core_axis_name="c", subcore_axis_name="s")
    acc_t = jax.ShapeDtypeStruct((NC, NP, W), jnp.float32)
    if with_deg:
        out_type = (acc_t, jax.ShapeDtypeStruct((NC, NP), jnp.float32))
    else:
        out_type = acc_t
    scratch = [
        pltpu.VMEM((CMAX, CHUNK), jnp.int32),
        pltpu.VMEM((CMAX, CHUNK), jnp.int32),
        pltpu.VMEM((NBUF, CHUNK, W), jnp.float32),
    ]
    if with_deg:
        scratch.append(pltpu.VMEM((CHUNK,), jnp.float32))
        scratch.append(pltpu.VMEM((ROWS_PER_TILE,), jnp.float32))
    scratch.append(pltpu.VMEM((ROWS_PER_TILE, W), jnp.float32))
    scratch.append(pltpu.VMEM_SHARED((NP, W), jnp.float32))
    if with_deg:
        scratch.append(pltpu.VMEM_SHARED((NP,), jnp.float32))
    scratch.append(pltpu.VMEM_SHARED((NP, W), jnp.float32))
    scratch.append(pltpu.SemaphoreType.DMA((NBUF,)))
    scratch.append(pltpu.SemaphoreType.DMA((NBUF,)))
    if with_deg:
        scratch.append(pltpu.SemaphoreType.DMA((NBUF,)))
    scratch.append(pltpu.SemaphoreType.DMA)
    kfn = pl.kernel(
        functools.partial(_sc_agg_body, with_deg),
        out_type=out_type,
        mesh=mesh,
        scratch_types=scratch,
        compiler_params=pltpu.CompilerParams(use_tc_tiling_on_sc=False),
    )
    return kfn(table, eidx)



def kernel(x, edge_index, W1, b1, Wl1, bl1, Wr1, Wl2, bl2, Wr2, W2, b2):
    f32 = jnp.float32

    w1e = jnp.zeros((D_IN, W), f32).at[:, :10].set(W1)
    b1e = jnp.zeros((1, W), f32).at[0, :10].set(b1)

    pad16 = lambda w: jnp.zeros((W, W), f32).at[:10, :10].set(w)
    wl1 = pad16(Wl1)
    wr1 = pad16(Wr1)
    wl2 = pad16(Wl2)
    wr2 = pad16(Wr2)
    bl1e = jnp.zeros((1, W), f32).at[0, :10].set(bl1)
    bl2e = jnp.zeros((1, W), f32).at[0, :10].set(bl2)
    w2e = jnp.zeros((W, 8), f32).at[:10, :3].set(W2)
    b2e = jnp.zeros((1, 8), f32).at[0, :3].set(b2)

    totch = NS * (C0 + C1)
    eidx = jnp.pad(edge_index, ((0, 0), (0, totch * CHUNK - N_EDGES)),
                   constant_values=DUMMY).reshape(2, totch, CHUNK)

    hext = _tc1(x, w1e, b1e)
    acc1, deg = _sc_agg(hext, eidx, True)
    h1 = _tc2(acc1, deg, hext, wl1, bl1e, wr1)
    acc2 = _sc_agg(h1, eidx, False)
    out = _tc3(acc2, deg, h1, wl2, bl2e, wr2, w2e, b2e)
    return out[:N_NODES, :3]

# --- scband reference (transcript-rebuilt; emitter-appended) ---
"""Pipeline reference for scband-demo-ai-69329362092657 (READ-ONLY COPY).

The authoritative reference and input builder live on the scoring server;
editing this copy changes nothing except your own understanding.
"""

import jax, jax.numpy as jnp
import numpy as np

N_NODES = 10000
N_EDGES = 320000
D_IN = 128
D_HID = 10
D_OUT = 3


def setup_inputs(seed: int = 0) -> dict:
    key = jax.random.key(seed)
    ks = jax.random.split(key, 16)
    x = jax.random.normal(ks[0], (N_NODES, D_IN), dtype=jnp.float32)
    edge_index = jax.random.randint(ks[1], (2, N_EDGES), 0, N_NODES, dtype=jnp.int32)
    s = 0.05
    W1 = jax.random.normal(ks[2], (D_IN, D_HID), dtype=jnp.float32) * s
    b1 = jax.random.normal(ks[3], (D_HID,), dtype=jnp.float32) * s
    Wl1 = jax.random.normal(ks[4], (D_HID, D_HID), dtype=jnp.float32) * s
    bl1 = jax.random.normal(ks[5], (D_HID,), dtype=jnp.float32) * s
    Wr1 = jax.random.normal(ks[6], (D_HID, D_HID), dtype=jnp.float32) * s
    Wl2 = jax.random.normal(ks[7], (D_HID, D_HID), dtype=jnp.float32) * s
    bl2 = jax.random.normal(ks[8], (D_HID,), dtype=jnp.float32) * s
    Wr2 = jax.random.normal(ks[9], (D_HID, D_HID), dtype=jnp.float32) * s
    W2 = jax.random.normal(ks[10], (D_HID, D_OUT), dtype=jnp.float32) * s
    b2 = jax.random.normal(ks[11], (D_OUT,), dtype=jnp.float32) * s
    return {"x": x, "edge_index": edge_index, "W1": W1, "b1": b1,
            "Wl1": Wl1, "bl1": bl1, "Wr1": Wr1,
            "Wl2": Wl2, "bl2": bl2, "Wr2": Wr2,
            "W2": W2, "b2": b2}


def _sage_conv(h, src, dst, n_nodes, Wl, bl, Wr):
    # PyG SAGEConv with mean aggregation:
    # out = lin_l(mean_{j in N(i)} h_j) + lin_r(h_i)
    msg = h[src]  # gather source node features per edge
    agg = jax.ops.segment_sum(msg, dst, num_segments=n_nodes)
    deg = jax.ops.segment_sum(jnp.ones((msg.shape[0], 1), dtype=h.dtype), dst,
                              num_segments=n_nodes)
    agg = agg / jnp.clip(deg, 1.0, None)
    return agg @ Wl + bl + h @ Wr


def reference(x, edge_index, W1, b1, Wl1, bl1, Wr1, Wl2, bl2, Wr2, W2, b2):
    n_nodes = x.shape[0]
    src = edge_index[0]
    dst = edge_index[1]
    h = x @ W1 + b1
    h = jax.nn.relu(h)
    # dropout p=0.5 is identity in eval mode (self.training == False)
    h = _sage_conv(h, src, dst, n_nodes, Wl1, bl1, Wr1)
    h = _sage_conv(h, src, dst, n_nodes, Wl2, bl2, Wr2)
    out = h @ W2 + b2
    return out

if __name__ == "__main__":
    import jax
    _d = setup_inputs()
    print(jax.jit(kernel)(*tuple(_d.values())))

</pallas_src>

<mosaic_0001>
#map = affine_map<(d0, d1) -> (0, 0)>
#map1 = affine_map<(d0, d1) -> (0, 0, 0)>
module attributes {stable_mosaic.version = 14 : i64} {
  func.func @_sc_agg_body(%arg0: i32, %arg1: i32, %arg2: memref<10240x16xf32, #tpu.memory_space<hbm>>, %arg3: memref<2x2512x128xi32, #tpu.memory_space<hbm>>, %arg4: memref<2x10240x16xf32, #tpu.memory_space<hbm>>, %arg5: memref<2x10240xf32, #tpu.memory_space<hbm>>, %arg6: memref<79x128xi32, #tpu.memory_space<vmem>>, %arg7: memref<79x128xi32, #tpu.memory_space<vmem>>, %arg8: memref<8x128x16xf32, #tpu.memory_space<vmem>>, %arg9: memref<128xf32, #tpu.memory_space<vmem>>, %arg10: memref<640xf32, #tpu.memory_space<vmem>>, %arg11: memref<640x16xf32, #tpu.memory_space<vmem>>, %arg12: memref<10240x16xf32, #tpu.memory_space<vmem_shared>>, %arg13: memref<10240xf32, #tpu.memory_space<vmem_shared>>, %arg14: memref<10240x16xf32, #tpu.memory_space<vmem_shared>>, %arg15: memref<8x!tpu.dma_semaphore, #tpu.memory_space<semaphore_mem>>, %arg16: memref<8x!tpu.dma_semaphore, #tpu.memory_space<semaphore_mem>>, %arg17: memref<8x!tpu.dma_semaphore, #tpu.memory_space<semaphore_mem>>, %arg18: memref<!tpu.dma_semaphore, #tpu.memory_space<semaphore_mem>>) attributes {dimension_semantics = [#tpu.dimension_semantics<core_parallel>, #tpu.dimension_semantics<subcore_parallel>], iteration_bounds = array<i64: 2, 16>, scalar_prefetch = 0 : i64, scratch_operands = 13 : i64, tpu.core_type = #tpu.core_type<sc_vector_subcore>, window_params = [{transform_indices = #map}, {transform_indices = #map1}, {transform_indices = #map1}, {transform_indices = #map}]} {
    %eq3A = arith.constant 0 : i32
    %eq3A_0 = arith.cmpi eq, %arg0, %eq3A : i32
    %mul3A = arith.constant 78 : i32
    %mul3A_1 = arith.muli %arg1, %mul3A : i32
    %mul3A_2 = arith.constant 79 : i32
    %mul3A_3 = arith.muli %arg1, %mul3A_2 : i32
    %add3A = arith.constant 1248 : i32
    %add3A_4 = arith.addi %add3A, %mul3A_3 : i32
    %select_n3A = arith.select %eq3A_0, %mul3A_1, %add3A_4 : i32
    %dma_start3A = arith.constant 0 : i32
    %dma_start3A_5 = arith.constant 0 : i32
    %dma_start3A_6 = tpu.memref_slice %arg3[%dma_start3A, %select_n3A, %dma_start3A_5] : memref<2x2512x128xi32, #tpu.memory_space<hbm>> -> memref<1x79x128xi32, #tpu.memory_space<hbm>>
    %dma_start3A_7 = tpu.memref_squeeze %dma_start3A_6 : memref<1x79x128xi32, #tpu.memory_space<hbm>> -> memref<79x128xi32, #tpu.memory_space<hbm>>
    %dma_start3A_8 = arith.constant 0 : i32
    %dma_start3A_9 = tpu.memref_slice %arg3[%dma_start3A, %select_n3A, %dma_start3A_8] : memref<2x2512x128xi32, #tpu.memory_space<hbm>> -> memref<1x79x128xi32, #tpu.memory_space<hbm>>
    %dma_start3A_10 = tpu.memref_squeeze %dma_start3A_9 : memref<1x79x128xi32, #tpu.memory_space<hbm>> -> memref<79x128xi32, #tpu.memory_space<hbm>>
    tpu.enqueue_dma source(%dma_start3A_10 : memref<79x128xi32, #tpu.memory_space<hbm>>) target(%arg6 : memref<79x128xi32, #tpu.memory_space<vmem>>) target_semaphore(%arg18 : memref<!tpu.dma_semaphore, #tpu.memory_space<semaphore_mem>>)
    %dma_wait3A = arith.constant 0 : i32
    %dma_wait3A_11 = arith.constant 0 : i32
    %dma_wait3A_12 = tpu.memref_slice %arg3[%dma_wait3A, %select_n3A, %dma_wait3A_11] : memref<2x2512x128xi32, #tpu.memory_space<hbm>> -> memref<1x79x128xi32, #tpu.memory_space<hbm>>
    %dma_wait3A_13 = tpu.memref_squeeze %dma_wait3A_12 : memref<1x79x128xi32, #tpu.memory_space<hbm>> -> memref<79x128xi32, #tpu.memory_space<hbm>>
    %dma_wait3A_14 = arith.constant 0 : i32
    %dma_wait3A_15 = tpu.memref_slice %arg3[%dma_wait3A, %select_n3A, %dma_wait3A_14] : memref<2x2512x128xi32, #tpu.memory_space<hbm>> -> memref<1x79x128xi32, #tpu.memory_space<hbm>>
    %dma_wait3A_16 = tpu.memref_squeeze %dma_wait3A_15 : memref<1x79x128xi32, #tpu.memory_space<hbm>> -> memref<79x128xi32, #tpu.memory_space<hbm>>
    tpu.wait_dma2 semaphore(%arg18 : memref<!tpu.dma_semaphore, #tpu.memory_space<semaphore_mem>>) src(%dma_wait3A_16 : memref<79x128xi32, #tpu.memory_space<hbm>>) dst(%arg6 : memref<79x128xi32, #tpu.memory_space<vmem>>)
    %dma_start3A_17 = arith.constant 1 : i32
    %dma_start3A_18 = arith.constant 0 : i32
    %dma_start3A_19 = tpu.memref_slice %arg3[%dma_start3A_17, %select_n3A, %dma_start3A_18] : memref<2x2512x128xi32, #tpu.memory_space<hbm>> -> memref<1x79x128xi32, #tpu.memory_space<hbm>>
    %dma_start3A_20 = tpu.memref_squeeze %dma_start3A_19 : memref<1x79x128xi32, #tpu.memory_space<hbm>> -> memref<79x128xi32, #tpu.memory_space<hbm>>
    %dma_start3A_21 = arith.constant 0 : i32
    %dma_start3A_22 = tpu.memref_slice %arg3[%dma_start3A_17, %select_n3A, %dma_start3A_21] : memref<2x2512x128xi32, #tpu.memory_space<hbm>> -> memref<1x79x128xi32, #tpu.memory_space<hbm>>
    %dma_start3A_23 = tpu.memref_squeeze %dma_start3A_22 : memref<1x79x128xi32, #tpu.memory_space<hbm>> -> memref<79x128xi32, #tpu.memory_space<hbm>>
    tpu.enqueue_dma source(%dma_start3A_23 : memref<79x128xi32, #tpu.memory_space<hbm>>) target(%arg7 : memref<79x128xi32, #tpu.memory_space<vmem>>) target_semaphore(%arg18 : memref<!tpu.dma_semaphore, #tpu.memory_space<semaphore_mem>>)
    %dma_wait3A_24 = arith.constant 1 : i32
    %dma_wait3A_25 = arith.constant 0 : i32
    %dma_wait3A_26 = tpu.memref_slice %arg3[%dma_wait3A_24, %select_n3A, %dma_wait3A_25] : memref<2x2512x128xi32, #tpu.memory_space<hbm>> -> memref<1x79x128xi32, #tpu.memory_space<hbm>>
    %dma_wait3A_27 = tpu.memref_squeeze %dma_wait3A_26 : memref<1x79x128xi32, #tpu.memory_space<hbm>> -> memref<79x128xi32, #tpu.memory_space<hbm>>
    %dma_wait3A_28 = arith.constant 0 : i32
    %dma_wait3A_29 = tpu.memref_slice %arg3[%dma_wait3A_24, %select_n3A, %dma_wait3A_28] : memref<2x2512x128xi32, #tpu.memory_space<hbm>> -> memref<1x79x128xi32, #tpu.memory_space<hbm>>
    %dma_wait3A_30 = tpu.memref_squeeze %dma_wait3A_29 : memref<1x79x128xi32, #tpu.memory_space<hbm>> -> memref<79x128xi32, #tpu.memory_space<hbm>>
    tpu.wait_dma2 semaphore(%arg18 : memref<!tpu.dma_semaphore, #tpu.memory_space<semaphore_mem>>) src(%dma_wait3A_30 : memref<79x128xi32, #tpu.memory_space<hbm>>) dst(%arg7 : memref<79x128xi32, #tpu.memory_space<vmem>>)
    %scan3A = arith.constant 0 : i32
    %scan3A_31 = arith.constant 0 : i32
    %scan3A_32 = arith.constant 640 : i32
    %scan3A_33 = arith.addi %scan3A_31, %scan3A_32 : i32
    %scan3A_34 = arith.constant 1 : i32
    scf.for %scan3A_387 = %scan3A_31 to %scan3A_33 step %scan3A_34  : i32 {
      %broadcast_in_dim3A_388 = arith.constant 0.000000e+00 : f32
      %broadcast_in_dim3A_389 = vector.broadcast %broadcast_in_dim3A_388 : f32 to vector<16xf32>
      %swap3A_390 = arith.index_cast %scan3A_387 : i32 to index
      %swap3A_391 = arith.constant 0 : index
      %swap3A_392 = tpu.vector_load %arg11[%swap3A_390, %swap3A_391] {strides = array<i32>} : memref<640x16xf32, #tpu.memory_space<vmem>>, vector<1x16xf32>,
      %swap3A_393 = vector.shape_cast %swap3A_392 : vector<1x16xf32> to vector<16xf32>
      %swap3A_394 = vector.shape_cast %broadcast_in_dim3A_389 : vector<16xf32> to vector<1x16xf32>
      tpu.vector_store %arg11[%swap3A_390, %swap3A_391], %swap3A_394 {strides = array<i32>} : memref<640x16xf32, #tpu.memory_space<vmem>>, vector<1x16xf32>,
    }
    %scan3A_35 = arith.constant 640 : i32
    %scan3A_36 = arith.constant 0 : i32
    %scan3A_37 = arith.constant 0 : i32
    %scan3A_38 = arith.constant 40 : i32
    %scan3A_39 = arith.addi %scan3A_37, %scan3A_38 : i32
    %scan3A_40 = arith.constant 1 : i32
    scf.for %scan3A_387 = %scan3A_37 to %scan3A_39 step %scan3A_40  : i32 {
      %broadcast_in_dim3A_388 = arith.constant 0.000000e+00 : f32
      %broadcast_in_dim3A_389 = vector.broadcast %broadcast_in_dim3A_388 : f32 to vector<16xf32>
      %mul3A_390 = arith.constant 16 : i32
      %mul3A_391 = arith.muli %scan3A_387, %mul3A_390 : i32
      %swap3A_392 = arith.index_cast %mul3A_391 : i32 to index
      %swap3A_393 = tpu.vector_load %arg10[%swap3A_392] {strides = array<i32>} : memref<640xf32, #tpu.memory_space<vmem>>, vector<16xf32>,
      %swap3A_394 = vector.shape_cast %swap3A_393 : vector<16xf32> to vector<16xf32>
      %swap3A_395 = vector.shape_cast %broadcast_in_dim3A_389 : vector<16xf32> to vector<16xf32>
      tpu.vector_store %arg10[%swap3A_392], %swap3A_395 {strides = array<i32>} : memref<640xf32, #tpu.memory_space<vmem>>, vector<16xf32>,
    }
    %scan3A_41 = arith.constant 40 : i32
    %broadcast_in_dim3A = arith.constant 1.000000e+00 : f32
    %broadcast_in_dim3A_42 = vector.broadcast %broadcast_in_dim3A : f32 to vector<16xf32>
    %swap3A = arith.constant 0 : index
    %swap3A_43 = tpu.vector_load %arg9[%swap3A] {strides = array<i32>} : memref<128xf32, #tpu.memory_space<vmem>>, vector<16xf32>,
    %swap3A_44 = vector.shape_cast %swap3A_43 : vector<16xf32> to vector<16xf32>
    %swap3A_45 = vector.shape_cast %broadcast_in_dim3A_42 : vector<16xf32> to vector<16xf32>
    tpu.vector_store %arg9[%swap3A], %swap3A_45 {strides = array<i32>} : memref<128xf32, #tpu.memory_space<vmem>>, vector<16xf32>,
    %broadcast_in_dim3A_46 = arith.constant 1.000000e+00 : f32
    %broadcast_in_dim3A_47 = vector.broadcast %broadcast_in_dim3A_46 : f32 to vector<16xf32>
    %swap3A_48 = arith.constant 16 : index
    %swap3A_49 = tpu.vector_load %arg9[%swap3A_48] {strides = array<i32>} : memref<128xf32, #tpu.memory_space<vmem>>, vector<16xf32>,
    %swap3A_50 = vector.shape_cast %swap3A_49 : vector<16xf32> to vector<16xf32>
    %swap3A_51 = vector.shape_cast %broadcast_in_dim3A_47 : vector<16xf32> to vector<16xf32>
    tpu.vector_store %arg9[%swap3A_48], %swap3A_51 {strides = array<i32>} : memref<128xf32, #tpu.memory_space<vmem>>, vector<16xf32>,
    %broadcast_in_dim3A_52 = arith.constant 1.000000e+00 : f32
    %broadcast_in_dim3A_53 = vector.broadcast %broadcast_in_dim3A_52 : f32 to vector<16xf32>
    %swap3A_54 = arith.constant 32 : index
    %swap3A_55 = tpu.vector_load %arg9[%swap3A_54] {strides = array<i32>} : memref<128xf32, #tpu.memory_space<vmem>>, vector<16xf32>,
    %swap3A_56 = vector.shape_cast %swap3A_55 : vector<16xf32> to vector<16xf32>
    %swap3A_57 = vector.shape_cast %broadcast_in_dim3A_53 : vector<16xf32> to vector<16xf32>
    tpu.vector_store %arg9[%swap3A_54], %swap3A_57 {strides = array<i32>} : memref<128xf32, #tpu.memory_space<vmem>>, vector<16xf32>,
    %broadcast_in_dim3A_58 = arith.constant 1.000000e+00 : f32
    %broadcast_in_dim3A_59 = vector.broadcast %broadcast_in_dim3A_58 : f32 to vector<16xf32>
    %swap3A_60 = arith.constant 48 : index
    %swap3A_61 = tpu.vector_load %arg9[%swap3A_60] {strides = array<i32>} : memref<128xf32, #tpu.memory_space<vmem>>, vector<16xf32>,
    %swap3A_62 = vector.shape_cast %swap3A_61 : vector<16xf32> to vector<16xf32>
    %swap3A_63 = vector.shape_cast %broadcast_in_dim3A_59 : vector<16xf32> to vector<16xf32>
    tpu.vector_store %arg9[%swap3A_60], %swap3A_63 {strides = array<i32>} : memref<128xf32, #tpu.memory_space<vmem>>, vector<16xf32>,
    %broadcast_in_dim3A_64 = arith.constant 1.000000e+00 : f32
    %broadcast_in_dim3A_65 = vector.broadcast %broadcast_in_dim3A_64 : f32 to vector<16xf32>
    %swap3A_66 = arith.constant 64 : index
    %swap3A_67 = tpu.vector_load %arg9[%swap3A_66] {strides = array<i32>} : memref<128xf32, #tpu.memory_space<vmem>>, vector<16xf32>,
    %swap3A_68 = vector.shape_cast %swap3A_67 : vector<16xf32> to vector<16xf32>
    %swap3A_69 = vector.shape_cast %broadcast_in_dim3A_65 : vector<16xf32> to vector<16xf32>
    tpu.vector_store %arg9[%swap3A_66], %swap3A_69 {strides = array<i32>} : memref<128xf32, #tpu.memory_space<vmem>>, vector<16xf32>,
    %broadcast_in_dim3A_70 = arith.constant 1.000000e+00 : f32
    %broadcast_in_dim3A_71 = vector.broadcast %broadcast_in_dim3A_70 : f32 to vector<16xf32>
    %swap3A_72 = arith.constant 80 : index
    %swap3A_73 = tpu.vector_load %arg9[%swap3A_72] {strides = array<i32>} : memref<128xf32, #tpu.memory_space<vmem>>, vector<16xf32>,
    %swap3A_74 = vector.shape_cast %swap3A_73 : vector<16xf32> to vector<16xf32>
    %swap3A_75 = vector.shape_cast %broadcast_in_dim3A_71 : vector<16xf32> to vector<16xf32>
    tpu.vector_store %arg9[%swap3A_72], %swap3A_75 {strides = array<i32>} : memref<128xf32, #tpu.memory_space<vmem>>, vector<16xf32>,
    %broadcast_in_dim3A_76 = arith.constant 1.000000e+00 : f32
    %broadcast_in_dim3A_77 = vector.broadcast %broadcast_in_dim3A_76 : f32 to vector<16xf32>
    %swap3A_78 = arith.constant 96 : index
    %swap3A_79 = tpu.vector_load %arg9[%swap3A_78] {strides = array<i32>} : memref<128xf32, #tpu.memory_space<vmem>>, vector<16xf32>,
    %swap3A_80 = vector.shape_cast %swap3A_79 : vector<16xf32> to vector<16xf32>
    %swap3A_81 = vector.shape_cast %broadcast_in_dim3A_77 : vector<16xf32> to vector<16xf32>
    tpu.vector_store %arg9[%swap3A_78], %swap3A_81 {strides = array<i32>} : memref<128xf32, #tpu.memory_space<vmem>>, vector<16xf32>,
    %broadcast_in_dim3A_82 = arith.constant 1.000000e+00 : f32
    %broadcast_in_dim3A_83 = vector.broadcast %broadcast_in_dim3A_82 : f32 to vector<16xf32>
    %swap3A_84 = arith.constant 112 : index
    %swap3A_85 = tpu.vector_load %arg9[%swap3A_84] {strides = array<i32>} : memref<128xf32, #tpu.memory_space<vmem>>, vector<16xf32>,
    %swap3A_86 = vector.shape_cast %swap3A_85 : vector<16xf32> to vector<16xf32>
    %swap3A_87 = vector.shape_cast %broadcast_in_dim3A_83 : vector<16xf32> to vector<16xf32>
    tpu.vector_store %arg9[%swap3A_84], %swap3A_87 {strides = array<i32>} : memref<128xf32, #tpu.memory_space<vmem>>, vector<16xf32>,
    %mul3A_88 = arith.constant 640 : i32
    %mul3A_89 = arith.muli %arg1, %mul3A_88 : i32
    "tpu.region"() ({
      %run_scoped3A = tpu.sem_alloc : memref<!tpu.dma_semaphore, #tpu.memory_space<semaphore_mem>>
      %dma_start3A_387 = arith.constant 0 : i32
      %dma_start3A_388 = tpu.memref_slice %arg14[%mul3A_89, %dma_start3A_387] : memref<10240x16xf32, #tpu.memory_space<vmem_shared>> -> memref<640x16xf32, #tpu.memory_space<vmem_shared>>
      %dma_start3A_389 = arith.constant 0 : i32
      %dma_start3A_390 = tpu.memref_slice %arg2[%mul3A_89, %dma_start3A_389] : memref<10240x16xf32, #tpu.memory_space<hbm>> -> memref<640x16xf32, #tpu.memory_space<hbm>>
      tpu.enqueue_dma source(%dma_start3A_390 : memref<640x16xf32, #tpu.memory_space<hbm>>) target(%dma_start3A_388 : memref<640x16xf32, #tpu.memory_space<vmem_shared>>) target_semaphore(%run_scoped3A : memref<!tpu.dma_semaphore, #tpu.memory_space<semaphore_mem>>)
      %dma_wait3A_391 = arith.constant 0 : i32
      %dma_wait3A_392 = tpu.memref_slice %arg14[%mul3A_89, %dma_wait3A_391] : memref<10240x16xf32, #tpu.memory_space<vmem_shared>> -> memref<640x16xf32, #tpu.memory_space<vmem_shared>>
      %dma_wait3A_393 = arith.constant 0 : i32
      %dma_wait3A_394 = tpu.memref_slice %arg2[%mul3A_89, %dma_wait3A_393] : memref<10240x16xf32, #tpu.memory_space<hbm>> -> memref<640x16xf32, #tpu.memory_space<hbm>>
      tpu.wait_dma2 semaphore(%run_scoped3A : memref<!tpu.dma_semaphore, #tpu.memory_space<semaphore_mem>>) src(%dma_wait3A_394 : memref<640x16xf32, #tpu.memory_space<hbm>>) dst(%dma_wait3A_392 : memref<640x16xf32, #tpu.memory_space<vmem_shared>>)
      tpu.yield
    }) : () -> ()
    "tpu.region"() ({
      %run_scoped3A = tpu.sem_alloc : memref<!tpu.dma_semaphore, #tpu.memory_space<semaphore_mem>>
      %dma_start3A_387 = arith.constant 0 : i32
      %dma_start3A_388 = tpu.memref_slice %arg12[%mul3A_89, %dma_start3A_387] : memref<10240x16xf32, #tpu.memory_space<vmem_shared>> -> memref<640x16xf32, #tpu.memory_space<vmem_shared>>
      %dma_start3A_389 = arith.constant 0 : i32
      %dma_start3A_390 = tpu.memref_slice %arg12[%mul3A_89, %dma_start3A_389] : memref<10240x16xf32, #tpu.memory_space<vmem_shared>> -> memref<640x16xf32, #tpu.memory_space<vmem_shared>>
      tpu.enqueue_dma source(%arg11 : memref<640x16xf32, #tpu.memory_space<vmem>>) target(%dma_start3A_390 : memref<640x16xf32, #tpu.memory_space<vmem_shared>>) target_semaphore(%run_scoped3A : memref<!tpu.dma_semaphore, #tpu.memory_space<semaphore_mem>>)
      %dma_wait3A_391 = arith.constant 0 : i32
      %dma_wait3A_392 = tpu.memref_slice %arg12[%mul3A_89, %dma_wait3A_391] : memref<10240x16xf32, #tpu.memory_space<vmem_shared>> -> memref<640x16xf32, #tpu.memory_space<vmem_shared>>
      %dma_wait3A_393 = arith.constant 0 : i32
      %dma_wait3A_394 = tpu.memref_slice %arg12[%mul3A_89, %dma_wait3A_393] : memref<10240x16xf32, #tpu.memory_space<vmem_shared>> -> memref<640x16xf32, #tpu.memory_space<vmem_shared>>
      tpu.wait_dma2 semaphore(%run_scoped3A : memref<!tpu.dma_semaphore, #tpu.memory_space<semaphore_mem>>) src(%arg11 : memref<640x16xf32, #tpu.memory_space<vmem>>) dst(%dma_wait3A_394 : memref<640x16xf32, #tpu.memory_space<vmem_shared>>)
      tpu.yield
    }) : () -> ()
    "tpu.region"() ({
      %run_scoped3A = tpu.sem_alloc : memref<!tpu.dma_semaphore, #tpu.memory_space<semaphore_mem>>
      %dma_start3A_387 = tpu.memref_slice %arg13[%mul3A_89] : memref<10240xf32, #tpu.memory_space<vmem_shared>> -> memref<640xf32, #tpu.memory_space<vmem_shared>>
      %dma_start3A_388 = tpu.memref_slice %arg13[%mul3A_89] : memref<10240xf32, #tpu.memory_space<vmem_shared>> -> memref<640xf32, #tpu.memory_space<vmem_shared>>
      tpu.enqueue_dma source(%arg10 : memref<640xf32, #tpu.memory_space<vmem>>) target(%dma_start3A_388 : memref<640xf32, #tpu.memory_space<vmem_shared>>) target_semaphore(%run_scoped3A : memref<!tpu.dma_semaphore, #tpu.memory_space<semaphore_mem>>)
      %dma_wait3A_389 = tpu.memref_slice %arg13[%mul3A_89] : memref<10240xf32, #tpu.memory_space<vmem_shared>> -> memref<640xf32, #tpu.memory_space<vmem_shared>>
      %dma_wait3A_390 = tpu.memref_slice %arg13[%mul3A_89] : memref<10240xf32, #tpu.memory_space<vmem_shared>> -> memref<640xf32, #tpu.memory_space<vmem_shared>>
      tpu.wait_dma2 semaphore(%run_scoped3A : memref<!tpu.dma_semaphore, #tpu.memory_space<semaphore_mem>>) src(%arg10 : memref<640xf32, #tpu.memory_space<vmem>>) dst(%dma_wait3A_390 : memref<640xf32, #tpu.memory_space<vmem_shared>>)
      tpu.yield
    }) : () -> ()
    %barrier3A = arith.constant 0 : index
    tpu.barrier barrier_id(%barrier3A)
    %eq3A_90 = arith.constant 0 : i32
    %eq3A_91 = arith.cmpi eq, %arg0, %eq3A_90 : i32
    %select_n3A_92 = arith.constant 79 : i32
    %select_n3A_93 = arith.constant 78 : i32
    %select_n3A_94 = arith.select %eq3A_91, %select_n3A_93, %select_n3A_92 : i32
    %dma_start3A_95 = arith.constant 0 : i32
    %dma_start3A_96 = arith.constant 0 : i32
    %dma_start3A_97 = arith.constant 0 : i32
    %dma_start3A_98 = arith.constant 0 : i32
    %dma_start3A_99 = arith.constant 0 : i32
    %dma_start3A_100 = tpu.memref_slice %arg8[%dma_start3A_96, %dma_start3A_98, %dma_start3A_99] : memref<8x128x16xf32, #tpu.memory_space<vmem>> -> memref<1x128x16xf32, #tpu.memory_space<vmem>>
    %dma_start3A_101 = tpu.memref_squeeze %dma_start3A_100 : memref<1x128x16xf32, #tpu.memory_space<vmem>> -> memref<128x16xf32, #tpu.memory_space<vmem>>
    %dma_start3A_102 = arith.constant 0 : i32
    %dma_start3A_103 = tpu.memref_slice %arg6[%dma_start3A_95, %dma_start3A_102] : memref<79x128xi32, #tpu.memory_space<vmem>> -> memref<1x128xi32, #tpu.memory_space<vmem>>
    %dma_start3A_104 = tpu.memref_squeeze %dma_start3A_103 : memref<1x128xi32, #tpu.memory_space<vmem>> -> memref<128xi32, #tpu.memory_space<vmem>>
    %dma_start3A_105 = arith.constant 0 : i32
    %dma_start3A_106 = arith.constant 0 : i32
    %dma_start3A_107 = tpu.memref_slice %arg14[%dma_start3A_105, %dma_start3A_106] : memref<10240x16xf32, #tpu.memory_space<vmem_shared>> -> memref<10240x16xf32, #tpu.memory_space<vmem_shared>>
    %dma_start3A_108 = tpu.memref_slice %arg15[%dma_start3A_97] : memref<8x!tpu.dma_semaphore, #tpu.memory_space<semaphore_mem>> -> memref<1x!tpu.dma_semaphore, #tpu.memory_space<semaphore_mem>>
    %dma_start3A_109 = tpu.memref_squeeze %dma_start3A_108 : memref<1x!tpu.dma_semaphore, #tpu.memory_space<semaphore_mem>> -> memref<!tpu.dma_semaphore, #tpu.memory_space<semaphore_mem>>
    tpu.enqueue_indirect_dma source(%dma_start3A_107 : memref<10240x16xf32, #tpu.memory_space<vmem_shared>>) target(%dma_start3A_101 : memref<128x16xf32, #tpu.memory_space<vmem>>) offsets(%dma_start3A_104 : memref<128xi32, #tpu.memory_space<vmem>>) semaphore(%dma_start3A_109 : memref<!tpu.dma_semaphore, #tpu.memory_space<semaphore_mem>>)
    %dma_start3A_110 = arith.constant 1 : i32
    %dma_start3A_111 = arith.constant 1 : i32
    %dma_start3A_112 = arith.constant 1 : i32
    %dma_start3A_113 = arith.constant 0 : i32
    %dma_start3A_114 = arith.constant 0 : i32
    %dma_start3A_115 = tpu.memref_slice %arg8[%dma_start3A_111, %dma_start3A_113, %dma_start3A_114] : memref<8x128x16xf32, #tpu.memory_space<vmem>> -> memref<1x128x16xf32, #tpu.memory_space<vmem>>
    %dma_start3A_116 = tpu.memref_squeeze %dma_start3A_115 : memref<1x128x16xf32, #tpu.memory_space<vmem>> -> memref<128x16xf32, #tpu.memory_space<vmem>>
    %dma_start3A_117 = arith.constant 0 : i32
    %dma_start3A_118 = tpu.memref_slice %arg6[%dma_start3A_110, %dma_start3A_117] : memref<79x128xi32, #tpu.memory_space<vmem>> -> memref<1x128xi32, #tpu.memory_space<vmem>>
    %dma_start3A_119 = tpu.memref_squeeze %dma_start3A_118 : memref<1x128xi32, #tpu.memory_space<vmem>> -> memref<128xi32, #tpu.memory_space<vmem>>
    %dma_start3A_120 = arith.constant 0 : i32
    %dma_start3A_121 = arith.constant 0 : i32
    %dma_start3A_122 = tpu.memref_slice %arg14[%dma_start3A_120, %dma_start3A_121] : memref<10240x16xf32, #tpu.memory_space<vmem_shared>> -> memref<10240x16xf32, #tpu.memory_space<vmem_shared>>
    %dma_start3A_123 = tpu.memref_slice %arg15[%dma_start3A_112] : memref<8x!tpu.dma_semaphore, #tpu.memory_space<semaphore_mem>> -> memref<1x!tpu.dma_semaphore, #tpu.memory_space<semaphore_mem>>
    %dma_start3A_124 = tpu.memref_squeeze %dma_start3A_123 : memref<1x!tpu.dma_semaphore, #tpu.memory_space<semaphore_mem>> -> memref<!tpu.dma_semaphore, #tpu.memory_space<semaphore_mem>>
    tpu.enqueue_indirect_dma source(%dma_start3A_122 : memref<10240x16xf32, #tpu.memory_space<vmem_shared>>) target(%dma_start3A_116 : memref<128x16xf32, #tpu.memory_space<vmem>>) offsets(%dma_start3A_119 : memref<128xi32, #tpu.memory_space<vmem>>) semaphore(%dma_start3A_124 : memref<!tpu.dma_semaphore, #tpu.memory_space<semaphore_mem>>)
    %dma_start3A_125 = arith.constant 2 : i32
    %dma_start3A_126 = arith.constant 2 : i32
    %dma_start3A_127 = arith.constant 2 : i32
    %dma_start3A_128 = arith.constant 0 : i32
    %dma_start3A_129 = arith.constant 0 : i32
    %dma_start3A_130 = tpu.memref_slice %arg8[%dma_start3A_126, %dma_start3A_128, %dma_start3A_129] : memref<8x128x16xf32, #tpu.memory_space<vmem>> -> memref<1x128x16xf32, #tpu.memory_space<vmem>>
    %dma_start3A_131 = tpu.memref_squeeze %dma_start3A_130 : memref<1x128x16xf32, #tpu.memory_space<vmem>> -> memref<128x16xf32, #tpu.memory_space<vmem>>
    %dma_start3A_132 = arith.constant 0 : i32
    %dma_start3A_133 = tpu.memref_slice %arg6[%dma_start3A_125, %dma_start3A_132] : memref<79x128xi32, #tpu.memory_space<vmem>> -> memref<1x128xi32, #tpu.memory_space<vmem>>
    %dma_start3A_134 = tpu.memref_squeeze %dma_start3A_133 : memref<1x128xi32, #tpu.memory_space<vmem>> -> memref<128xi32, #tpu.memory_space<vmem>>
    %dma_start3A_135 = arith.constant 0 : i32
    %dma_start3A_136 = arith.constant 0 : i32
    %dma_start3A_137 = tpu.memref_slice %arg14[%dma_start3A_135, %dma_start3A_136] : memref<10240x16xf32, #tpu.memory_space<vmem_shared>> -> memref<10240x16xf32, #tpu.memory_space<vmem_shared>>
    %dma_start3A_138 = tpu.memref_slice %arg15[%dma_start3A_127] : memref<8x!tpu.dma_semaphore, #tpu.memory_space<semaphore_mem>> -> memref<1x!tpu.dma_semaphore, #tpu.memory_space<semaphore_mem>>
    %dma_start3A_139 = tpu.memref_squeeze %dma_start3A_138 : memref<1x!tpu.dma_semaphore, #tpu.memory_space<semaphore_mem>> -> memref<!tpu.dma_semaphore, #tpu.memory_space<semaphore_mem>>
    tpu.enqueue_indirect_dma source(%dma_start3A_137 : memref<10240x16xf32, #tpu.memory_space<vmem_shared>>) target(%dma_start3A_131 : memref<128x16xf32, #tpu.memory_space<vmem>>) offsets(%dma_start3A_134 : memref<128xi32, #tpu.memory_space<vmem>>) semaphore(%dma_start3A_139 : memref<!tpu.dma_semaphore, #tpu.memory_space<semaphore_mem>>)
    %dma_start3A_140 = arith.constant 3 : i32
    %dma_start3A_141 = arith.constant 3 : i32
    %dma_start3A_142 = arith.constant 3 : i32
    %dma_start3A_143 = arith.constant 0 : i32
    %dma_start3A_144 = arith.constant 0 : i32
    %dma_start3A_145 = tpu.memref_slice %arg8[%dma_start3A_141, %dma_start3A_143, %dma_start3A_144] : memref<8x128x16xf32, #tpu.memory_space<vmem>> -> memref<1x128x16xf32, #tpu.memory_space<vmem>>
    %dma_start3A_146 = tpu.memref_squeeze %dma_start3A_145 : memref<1x128x16xf32, #tpu.memory_space<vmem>> -> memref<128x16xf32, #tpu.memory_space<vmem>>
    %dma_start3A_147 = arith.constant 0 : i32
    %dma_start3A_148 = tpu.memref_slice %arg6[%dma_start3A_140, %dma_start3A_147] : memref<79x128xi32, #tpu.memory_space<vmem>> -> memref<1x128xi32, #tpu.memory_space<vmem>>
    %dma_start3A_149 = tpu.memref_squeeze %dma_start3A_148 : memref<1x128xi32, #tpu.memory_space<vmem>> -> memref<128xi32, #tpu.memory_space<vmem>>
    %dma_start3A_150 = arith.constant 0 : i32
    %dma_start3A_151 = arith.constant 0 : i32
    %dma_start3A_152 = tpu.memref_slice %arg14[%dma_start3A_150, %dma_start3A_151] : memref<10240x16xf32, #tpu.memory_space<vmem_shared>> -> memref<10240x16xf32, #tpu.memory_space<vmem_shared>>
    %dma_start3A_153 = tpu.memref_slice %arg15[%dma_start3A_142] : memref<8x!tpu.dma_semaphore, #tpu.memory_space<semaphore_mem>> -> memref<1x!tpu.dma_semaphore, #tpu.memory_space<semaphore_mem>>
    %dma_start3A_154 = tpu.memref_squeeze %dma_start3A_153 : memref<1x!tpu.dma_semaphore, #tpu.memory_space<semaphore_mem>> -> memref<!tpu.dma_semaphore, #tpu.memory_space<semaphore_mem>>
    tpu.enqueue_indirect_dma source(%dma_start3A_152 : memref<10240x16xf32, #tpu.memory_space<vmem_shared>>) target(%dma_start3A_146 : memref<128x16xf32, #tpu.memory_space<vmem>>) offsets(%dma_start3A_149 : memref<128xi32, #tpu.memory_space<vmem>>) semaphore(%dma_start3A_154 : memref<!tpu.dma_semaphore, #tpu.memory_space<semaphore_mem>>)
    %dma_start3A_155 = arith.constant 4 : i32
    %dma_start3A_156 = arith.constant 4 : i32
    %dma_start3A_157 = arith.constant 4 : i32
    %dma_start3A_158 = arith.constant 0 : i32
    %dma_start3A_159 = arith.constant 0 : i32
    %dma_start3A_160 = tpu.memref_slice %arg8[%dma_start3A_156, %dma_start3A_158, %dma_start3A_159] : memref<8x128x16xf32, #tpu.memory_space<vmem>> -> memref<1x128x16xf32, #tpu.memory_space<vmem>>
    %dma_start3A_161 = tpu.memref_squeeze %dma_start3A_160 : memref<1x128x16xf32, #tpu.memory_space<vmem>> -> memref<128x16xf32, #tpu.memory_space<vmem>>
    %dma_start3A_162 = arith.constant 0 : i32
    %dma_start3A_163 = tpu.memref_slice %arg6[%dma_start3A_155, %dma_start3A_162] : memref<79x128xi32, #tpu.memory_space<vmem>> -> memref<1x128xi32, #tpu.memory_space<vmem>>
    %dma_start3A_164 = tpu.memref_squeeze %dma_start3A_163 : memref<1x128xi32, #tpu.memory_space<vmem>> -> memref<128xi32, #tpu.memory_space<vmem>>
    %dma_start3A_165 = arith.constant 0 : i32
    %dma_start3A_166 = arith.constant 0 : i32
    %dma_start3A_167 = tpu.memref_slice %arg14[%dma_start3A_165, %dma_start3A_166] : memref<10240x16xf32, #tpu.memory_space<vmem_shared>> -> memref<10240x16xf32, #tpu.memory_space<vmem_shared>>
    %dma_start3A_168 = tpu.memref_slice %arg15[%dma_start3A_157] : memref<8x!tpu.dma_semaphore, #tpu.memory_space<semaphore_mem>> -> memref<1x!tpu.dma_semaphore, #tpu.memory_space<semaphore_mem>>
    %dma_start3A_169 = tpu.memref_squeeze %dma_start3A_168 : memref<1x!tpu.dma_semaphore, #tpu.memory_space<semaphore_mem>> -> memref<!tpu.dma_semaphore, #tpu.memory_space<semaphore_mem>>
    tpu.enqueue_indirect_dma source(%dma_start3A_167 : memref<10240x16xf32, #tpu.memory_space<vmem_shared>>) target(%dma_start3A_161 : memref<128x16xf32, #tpu.memory_space<vmem>>) offsets(%dma_start3A_164 : memref<128xi32, #tpu.memory_space<vmem>>) semaphore(%dma_start3A_169 : memref<!tpu.dma_semaphore, #tpu.memory_space<semaphore_mem>>)
    %dma_start3A_170 = arith.constant 5 : i32
    %dma_start3A_171 = arith.constant 5 : i32
    %dma_start3A_172 = arith.constant 5 : i32
    %dma_start3A_173 = arith.constant 0 : i32
    %dma_start3A_174 = arith.constant 0 : i32
    %dma_start3A_175 = tpu.memref_slice %arg8[%dma_start3A_171, %dma_start3A_173, %dma_start3A_174] : memref<8x128x16xf32, #tpu.memory_space<vmem>> -> memref<1x128x16xf32, #tpu.memory_space<vmem>>
    %dma_start3A_176 = tpu.memref_squeeze %dma_start3A_175 : memref<1x128x16xf32, #tpu.memory_space<vmem>> -> memref<128x16xf32, #tpu.memory_space<vmem>>
    %dma_start3A_177 = arith.constant 0 : i32
    %dma_start3A_178 = tpu.memref_slice %arg6[%dma_start3A_170, %dma_start3A_177] : memref<79x128xi32, #tpu.memory_space<vmem>> -> memref<1x128xi32, #tpu.memory_space<vmem>>
    %dma_start3A_179 = tpu.memref_squeeze %dma_start3A_178 : memref<1x128xi32, #tpu.memory_space<vmem>> -> memref<128xi32, #tpu.memory_space<vmem>>
    %dma_start3A_180 = arith.constant 0 : i32
    %dma_start3A_181 = arith.constant 0 : i32
    %dma_start3A_182 = tpu.memref_slice %arg14[%dma_start3A_180, %dma_start3A_181] : memref<10240x16xf32, #tpu.memory_space<vmem_shared>> -> memref<10240x16xf32, #tpu.memory_space<vmem_shared>>
    %dma_start3A_183 = tpu.memref_slice %arg15[%dma_start3A_172] : memref<8x!tpu.dma_semaphore, #tpu.memory_space<semaphore_mem>> -> memref<1x!tpu.dma_semaphore, #tpu.memory_space<semaphore_mem>>
    %dma_start3A_184 = tpu.memref_squeeze %dma_start3A_183 : memref<1x!tpu.dma_semaphore, #tpu.memory_space<semaphore_mem>> -> memref<!tpu.dma_semaphore, #tpu.memory_space<semaphore_mem>>
    tpu.enqueue_indirect_dma source(%dma_start3A_182 : memref<10240x16xf32, #tpu.memory_space<vmem_shared>>) target(%dma_start3A_176 : memref<128x16xf32, #tpu.memory_space<vmem>>) offsets(%dma_start3A_179 : memref<128xi32, #tpu.memory_space<vmem>>) semaphore(%dma_start3A_184 : memref<!tpu.dma_semaphore, #tpu.memory_space<semaphore_mem>>)
    %while3A = arith.constant 0 : i32
    %while3A_185 = arith.constant 0 : i32
    %while3A_186 = arith.subi %select_n3A_94, %while3A_185 : i32
    %while3A_187 = arith.addi %while3A_185, %while3A_186 : i32
    %while3A_188 = arith.constant 1 : i32
    %while3A_189 = arith.divsi %while3A_186, %while3A_188 : i32
    %while3A_190 = arith.muli %while3A_189, %while3A_188 : i32
    %while3A_191 = arith.addi %while3A_185, %while3A_190 : i32
    %while3A_192 = arith.constant 1 : i32
    scf.for %while3A_387 = %while3A_185 to %while3A_191 step %while3A_192  : i32 {
      %rem3A = arith.constant 8 : i32
      %rem3A_388 = arith.remsi %while3A_387, %rem3A : i32
      %add3A_389 = arith.constant 6 : i32
      %add3A_390 = arith.addi %while3A_387, %add3A_389 : i32
      %rem3A_391 = arith.constant 8 : i32
      %rem3A_392 = arith.remsi %add3A_390, %rem3A_391 : i32
      %lt3A = arith.cmpi slt, %add3A_390, %select_n3A_94 : i32
      %convert_element_type3A = arith.extui %lt3A : i1 to i32
      %cond3A = arith.constant 0 : i32
      %cond3A_393 = arith.cmpi ne, %convert_element_type3A, %cond3A : i32
      scf.if %cond3A_393 {
        %ge3A = arith.constant 8 : i32
        %ge3A_426 = arith.cmpi sge, %add3A_390, %ge3A : i32
        %convert_element_type3A_427 = arith.extui %ge3A_426 : i1 to i32
        %cond3A_428 = arith.constant 0 : i32
        %cond3A_429 = arith.cmpi ne, %convert_element_type3A_427, %cond3A_428 : i32
        scf.if %cond3A_429 {
          %dma_wait3A_442 = arith.constant 0 : i32
          %dma_wait3A_443 = arith.constant 0 : i32
          %dma_wait3A_444 = arith.constant 0 : i32
          %dma_wait3A_445 = tpu.memref_slice %arg8[%rem3A_392, %dma_wait3A_443, %dma_wait3A_444] : memref<8x128x16xf32, #tpu.memory_space<vmem>> -> memref<1x128x16xf32, #tpu.memory_space<vmem>>
          %dma_wait3A_446 = tpu.memref_squeeze %dma_wait3A_445 : memref<1x128x16xf32, #tpu.memory_space<vmem>> -> memref<128x16xf32, #tpu.memory_space<vmem>>
          %dma_wait3A_447 = arith.constant 0 : i32
          %dma_wait3A_448 = tpu.memref_slice %arg7[%dma_wait3A_442, %dma_wait3A_447] : memref<79x128xi32, #tpu.memory_space<vmem>> -> memref<1x128xi32, #tpu.memory_space<vmem>>
          %dma_wait3A_449 = tpu.memref_squeeze %dma_wait3A_448 : memref<1x128xi32, #tpu.memory_space<vmem>> -> memref<128xi32, #tpu.memory_space<vmem>>
          %dma_wait3A_450 = arith.constant 0 : i32
          %dma_wait3A_451 = arith.constant 0 : i32
          %dma_wait3A_452 = tpu.memref_slice %arg12[%dma_wait3A_450, %dma_wait3A_451] : memref<10240x16xf32, #tpu.memory_space<vmem_shared>> -> memref<10240x16xf32, #tpu.memory_space<vmem_shared>>
          %dma_wait3A_453 = tpu.memref_slice %arg16[%rem3A_392] : memref<8x!tpu.dma_semaphore, #tpu.memory_space<semaphore_mem>> -> memref<1x!tpu.dma_semaphore, #tpu.memory_space<semaphore_mem>>
          %dma_wait3A_454 = tpu.memref_squeeze %dma_wait3A_453 : memref<1x!tpu.dma_semaphore, #tpu.memory_space<semaphore_mem>> -> memref<!tpu.dma_semaphore, #tpu.memory_space<semaphore_mem>>
          tpu.wait_indirect_dma semaphore(%dma_wait3A_454 : memref<!tpu.dma_semaphore, #tpu.memory_space<semaphore_mem>>) src(%dma_wait3A_446 : memref<128x16xf32, #tpu.memory_space<vmem>>) dst(%dma_wait3A_452 : memref<10240x16xf32, #tpu.memory_space<vmem_shared>>)
          %dma_wait3A_455 = arith.constant 0 : i32
          %dma_wait3A_456 = arith.constant 0 : i32
          %dma_wait3A_457 = tpu.memref_slice %arg7[%dma_wait3A_455, %dma_wait3A_456] : memref<79x128xi32, #tpu.memory_space<vmem>> -> memref<1x128xi32, #tpu.memory_space<vmem>>
          %dma_wait3A_458 = tpu.memref_squeeze %dma_wait3A_457 : memref<1x128xi32, #tpu.memory_space<vmem>> -> memref<128xi32, #tpu.memory_space<vmem>>
          %dma_wait3A_459 = arith.constant 0 : i32
          %dma_wait3A_460 = tpu.memref_slice %arg13[%dma_wait3A_459] : memref<10240xf32, #tpu.memory_space<vmem_shared>> -> memref<10240xf32, #tpu.memory_space<vmem_shared>>
          %dma_wait3A_461 = tpu.memref_slice %arg17[%rem3A_392] : memref<8x!tpu.dma_semaphore, #tpu.memory_space<semaphore_mem>> -> memref<1x!tpu.dma_semaphore, #tpu.memory_space<semaphore_mem>>
          %dma_wait3A_462 = tpu.memref_squeeze %dma_wait3A_461 : memref<1x!tpu.dma_semaphore, #tpu.memory_space<semaphore_mem>> -> memref<!tpu.dma_semaphore, #tpu.memory_space<semaphore_mem>>
          tpu.wait_indirect_dma semaphore(%dma_wait3A_462 : memref<!tpu.dma_semaphore, #tpu.memory_space<semaphore_mem>>) src(%arg9 : memref<128xf32, #tpu.memory_space<vmem>>) dst(%dma_wait3A_460 : memref<10240xf32, #tpu.memory_space<vmem_shared>>)
        } else {
        }
        %dma_start3A_430 = arith.constant 0 : i32
        %dma_start3A_431 = arith.constant 0 : i32
        %dma_start3A_432 = tpu.memref_slice %arg8[%rem3A_392, %dma_start3A_430, %dma_start3A_431] : memref<8x128x16xf32, #tpu.memory_space<vmem>> -> memref<1x128x16xf32, #tpu.memory_space<vmem>>
        %dma_start3A_433 = tpu.memref_squeeze %dma_start3A_432 : memref<1x128x16xf32, #tpu.memory_space<vmem>> -> memref<128x16xf32, #tpu.memory_space<vmem>>
        %dma_start3A_434 = arith.constant 0 : i32
        %dma_start3A_435 = tpu.memref_slice %arg6[%add3A_390, %dma_start3A_434] : memref<79x128xi32, #tpu.memory_space<vmem>> -> memref<1x128xi32, #tpu.memory_space<vmem>>
        %dma_start3A_436 = tpu.memref_squeeze %dma_start3A_435 : memref<1x128xi32, #tpu.memory_space<vmem>> -> memref<128xi32, #tpu.memory_space<vmem>>
        %dma_start3A_437 = arith.constant 0 : i32
        %dma_start3A_438 = arith.constant 0 : i32
        %dma_start3A_439 = tpu.memref_slice %arg14[%dma_start3A_437, %dma_start3A_438] : memref<10240x16xf32, #tpu.memory_space<vmem_shared>> -> memref<10240x16xf32, #tpu.memory_space<vmem_shared>>
        %dma_start3A_440 = tpu.memref_slice %arg15[%rem3A_392] : memref<8x!tpu.dma_semaphore, #tpu.memory_space<semaphore_mem>> -> memref<1x!tpu.dma_semaphore, #tpu.memory_space<semaphore_mem>>
        %dma_start3A_441 = tpu.memref_squeeze %dma_start3A_440 : memref<1x!tpu.dma_semaphore, #tpu.memory_space<semaphore_mem>> -> memref<!tpu.dma_semaphore, #tpu.memory_space<semaphore_mem>>
        tpu.enqueue_indirect_dma source(%dma_start3A_439 : memref<10240x16xf32, #tpu.memory_space<vmem_shared>>) target(%dma_start3A_433 : memref<128x16xf32, #tpu.memory_space<vmem>>) offsets(%dma_start3A_436 : memref<128xi32, #tpu.memory_space<vmem>>) semaphore(%dma_start3A_441 : memref<!tpu.dma_semaphore, #tpu.memory_space<semaphore_mem>>)
      } else {
      }
      %dma_wait3A_394 = arith.constant 0 : i32
      %dma_wait3A_395 = arith.constant 0 : i32
      %dma_wait3A_396 = arith.constant 0 : i32
      %dma_wait3A_397 = tpu.memref_slice %arg8[%rem3A_388, %dma_wait3A_395, %dma_wait3A_396] : memref<8x128x16xf32, #tpu.memory_space<vmem>> -> memref<1x128x16xf32, #tpu.memory_space<vmem>>
      %dma_wait3A_398 = tpu.memref_squeeze %dma_wait3A_397 : memref<1x128x16xf32, #tpu.memory_space<vmem>> -> memref<128x16xf32, #tpu.memory_space<vmem>>
      %dma_wait3A_399 = arith.constant 0 : i32
      %dma_wait3A_400 = tpu.memref_slice %arg6[%dma_wait3A_394, %dma_wait3A_399] : memref<79x128xi32, #tpu.memory_space<vmem>> -> memref<1x128xi32, #tpu.memory_space<vmem>>
      %dma_wait3A_401 = tpu.memref_squeeze %dma_wait3A_400 : memref<1x128xi32, #tpu.memory_space<vmem>> -> memref<128xi32, #tpu.memory_space<vmem>>
      %dma_wait3A_402 = arith.constant 0 : i32
      %dma_wait3A_403 = arith.constant 0 : i32
      %dma_wait3A_404 = tpu.memref_slice %arg14[%dma_wait3A_402, %dma_wait3A_403] : memref<10240x16xf32, #tpu.memory_space<vmem_shared>> -> memref<10240x16xf32, #tpu.memory_space<vmem_shared>>
      %dma_wait3A_405 = tpu.memref_slice %arg15[%rem3A_388] : memref<8x!tpu.dma_semaphore, #tpu.memory_space<semaphore_mem>> -> memref<1x!tpu.dma_semaphore, #tpu.memory_space<semaphore_mem>>
      %dma_wait3A_406 = tpu.memref_squeeze %dma_wait3A_405 : memref<1x!tpu.dma_semaphore, #tpu.memory_space<semaphore_mem>> -> memref<!tpu.dma_semaphore, #tpu.memory_space<semaphore_mem>>
      tpu.wait_indirect_dma semaphore(%dma_wait3A_406 : memref<!tpu.dma_semaphore, #tpu.memory_space<semaphore_mem>>) src(%dma_wait3A_404 : memref<10240x16xf32, #tpu.memory_space<vmem_shared>>) dst(%dma_wait3A_398 : memref<128x16xf32, #tpu.memory_space<vmem>>)
      %dma_start3A_407 = arith.constant 0 : i32
      %dma_start3A_408 = arith.constant 0 : i32
      %dma_start3A_409 = tpu.memref_slice %arg8[%rem3A_388, %dma_start3A_407, %dma_start3A_408] : memref<8x128x16xf32, #tpu.memory_space<vmem>> -> memref<1x128x16xf32, #tpu.memory_space<vmem>>
      %dma_start3A_410 = tpu.memref_squeeze %dma_start3A_409 : memref<1x128x16xf32, #tpu.memory_space<vmem>> -> memref<128x16xf32, #tpu.memory_space<vmem>>
      %dma_start3A_411 = arith.constant 0 : i32
      %dma_start3A_412 = tpu.memref_slice %arg7[%while3A_387, %dma_start3A_411] : memref<79x128xi32, #tpu.memory_space<vmem>> -> memref<1x128xi32, #tpu.memory_space<vmem>>
      %dma_start3A_413 = tpu.memref_squeeze %dma_start3A_412 : memref<1x128xi32, #tpu.memory_space<vmem>> -> memref<128xi32, #tpu.memory_space<vmem>>
      %dma_start3A_414 = arith.constant 0 : i32
      %dma_start3A_415 = arith.constant 0 : i32
      %dma_start3A_416 = tpu.memref_slice %arg12[%dma_start3A_414, %dma_start3A_415] : memref<10240x16xf32, #tpu.memory_space<vmem_shared>> -> memref<10240x16xf32, #tpu.memory_space<vmem_shared>>
      %dma_start3A_417 = tpu.memref_slice %arg16[%rem3A_388] : memref<8x!tpu.dma_semaphore, #tpu.memory_space<semaphore_mem>> -> memref<1x!tpu.dma_semaphore, #tpu.memory_space<semaphore_mem>>
      %dma_start3A_418 = tpu.memref_squeeze %dma_start3A_417 : memref<1x!tpu.dma_semaphore, #tpu.memory_space<semaphore_mem>> -> memref<!tpu.dma_semaphore, #tpu.memory_space<semaphore_mem>>
      tpu.enqueue_indirect_dma source(%dma_start3A_410 : memref<128x16xf32, #tpu.memory_space<vmem>>) target(%dma_start3A_416 : memref<10240x16xf32, #tpu.memory_space<vmem_shared>>) offsets(%dma_start3A_413 : memref<128xi32, #tpu.memory_space<vmem>>) semaphore(%dma_start3A_418 : memref<!tpu.dma_semaphore, #tpu.memory_space<semaphore_mem>>) {add = true}
      %dma_start3A_419 = arith.constant 0 : i32
      %dma_start3A_420 = tpu.memref_slice %arg7[%while3A_387, %dma_start3A_419] : memref<79x128xi32, #tpu.memory_space<vmem>> -> memref<1x128xi32, #tpu.memory_space<vmem>>
      %dma_start3A_421 = tpu.memref_squeeze %dma_start3A_420 : memref<1x128xi32, #tpu.memory_space<vmem>> -> memref<128xi32, #tpu.memory_space<vmem>>
      %dma_start3A_422 = arith.constant 0 : i32
      %dma_start3A_423 = tpu.memref_slice %arg13[%dma_start3A_422] : memref<10240xf32, #tpu.memory_space<vmem_shared>> -> memref<10240xf32, #tpu.memory_space<vmem_shared>>
      %dma_start3A_424 = tpu.memref_slice %arg17[%rem3A_388] : memref<8x!tpu.dma_semaphore, #tpu.memory_space<semaphore_mem>> -> memref<1x!tpu.dma_semaphore, #tpu.memory_space<semaphore_mem>>
      %dma_start3A_425 = tpu.memref_squeeze %dma_start3A_424 : memref<1x!tpu.dma_semaphore, #tpu.memory_space<semaphore_mem>> -> memref<!tpu.dma_semaphore, #tpu.memory_space<semaphore_mem>>
      tpu.enqueue_indirect_dma source(%arg9 : memref<128xf32, #tpu.memory_space<vmem>>) target(%dma_start3A_423 : memref<10240xf32, #tpu.memory_space<vmem_shared>>) offsets(%dma_start3A_421 : memref<128xi32, #tpu.memory_space<vmem>>) semaphore(%dma_start3A_425 : memref<!tpu.dma_semaphore, #tpu.memory_space<semaphore_mem>>) {add = true}
    }
    %while3A_193 = arith.constant 1 : i32
    scf.for %while3A_387 = %while3A_191 to %while3A_187 step %while3A_193  : i32 {
      %rem3A = arith.constant 8 : i32
      %rem3A_388 = arith.remsi %while3A_387, %rem3A : i32
      %add3A_389 = arith.constant 6 : i32
      %add3A_390 = arith.addi %while3A_387, %add3A_389 : i32
      %rem3A_391 = arith.constant 8 : i32
      %rem3A_392 = arith.remsi %add3A_390, %rem3A_391 : i32
      %lt3A = arith.cmpi slt, %add3A_390, %select_n3A_94 : i32
      %convert_element_type3A = arith.extui %lt3A : i1 to i32
      %cond3A = arith.constant 0 : i32
      %cond3A_393 = arith.cmpi ne, %convert_element_type3A, %cond3A : i32
      scf.if %cond3A_393 {
        %ge3A = arith.constant 8 : i32
        %ge3A_426 = arith.cmpi sge, %add3A_390, %ge3A : i32
        %convert_element_type3A_427 = arith.extui %ge3A_426 : i1 to i32
        %cond3A_428 = arith.constant 0 : i32
        %cond3A_429 = arith.cmpi ne, %convert_element_type3A_427, %cond3A_428 : i32
        scf.if %cond3A_429 {
          %dma_wait3A_442 = arith.constant 0 : i32
          %dma_wait3A_443 = arith.constant 0 : i32
          %dma_wait3A_444 = arith.constant 0 : i32
          %dma_wait3A_445 = tpu.memref_slice %arg8[%rem3A_392, %dma_wait3A_443, %dma_wait3A_444] : memref<8x128x16xf32, #tpu.memory_space<vmem>> -> memref<1x128x16xf32, #tpu.memory_space<vmem>>
          %dma_wait3A_446 = tpu.memref_squeeze %dma_wait3A_445 : memref<1x128x16xf32, #tpu.memory_space<vmem>> -> memref<128x16xf32, #tpu.memory_space<vmem>>
          %dma_wait3A_447 = arith.constant 0 : i32
          %dma_wait3A_448 = tpu.memref_slice %arg7[%dma_wait3A_442, %dma_wait3A_447] : memref<79x128xi32, #tpu.memory_space<vmem>> -> memref<1x128xi32, #tpu.memory_space<vmem>>
          %dma_wait3A_449 = tpu.memref_squeeze %dma_wait3A_448 : memref<1x128xi32, #tpu.memory_space<vmem>> -> memref<128xi32, #tpu.memory_space<vmem>>
          %dma_wait3A_450 = arith.constant 0 : i32
          %dma_wait3A_451 = arith.constant 0 : i32
          %dma_wait3A_452 = tpu.memref_slice %arg12[%dma_wait3A_450, %dma_wait3A_451] : memref<10240x16xf32, #tpu.memory_space<vmem_shared>> -> memref<10240x16xf32, #tpu.memory_space<vmem_shared>>
          %dma_wait3A_453 = tpu.memref_slice %arg16[%rem3A_392] : memref<8x!tpu.dma_semaphore, #tpu.memory_space<semaphore_mem>> -> memref<1x!tpu.dma_semaphore, #tpu.memory_space<semaphore_mem>>
          %dma_wait3A_454 = tpu.memref_squeeze %dma_wait3A_453 : memref<1x!tpu.dma_semaphore, #tpu.memory_space<semaphore_mem>> -> memref<!tpu.dma_semaphore, #tpu.memory_space<semaphore_mem>>
          tpu.wait_indirect_dma semaphore(%dma_wait3A_454 : memref<!tpu.dma_semaphore, #tpu.memory_space<semaphore_mem>>) src(%dma_wait3A_446 : memref<128x16xf32, #tpu.memory_space<vmem>>) dst(%dma_wait3A_452 : memref<10240x16xf32, #tpu.memory_space<vmem_shared>>)
          %dma_wait3A_455 = arith.constant 0 : i32
          %dma_wait3A_456 = arith.constant 0 : i32
          %dma_wait3A_457 = tpu.memref_slice %arg7[%dma_wait3A_455, %dma_wait3A_456] : memref<79x128xi32, #tpu.memory_space<vmem>> -> memref<1x128xi32, #tpu.memory_space<vmem>>
          %dma_wait3A_458 = tpu.memref_squeeze %dma_wait3A_457 : memref<1x128xi32, #tpu.memory_space<vmem>> -> memref<128xi32, #tpu.memory_space<vmem>>
          %dma_wait3A_459 = arith.constant 0 : i32
          %dma_wait3A_460 = tpu.memref_slice %arg13[%dma_wait3A_459] : memref<10240xf32, #tpu.memory_space<vmem_shared>> -> memref<10240xf32, #tpu.memory_space<vmem_shared>>
          %dma_wait3A_461 = tpu.memref_slice %arg17[%rem3A_392] : memref<8x!tpu.dma_semaphore, #tpu.memory_space<semaphore_mem>> -> memref<1x!tpu.dma_semaphore, #tpu.memory_space<semaphore_mem>>
          %dma_wait3A_462 = tpu.memref_squeeze %dma_wait3A_461 : memref<1x!tpu.dma_semaphore, #tpu.memory_space<semaphore_mem>> -> memref<!tpu.dma_semaphore, #tpu.memory_space<semaphore_mem>>
          tpu.wait_indirect_dma semaphore(%dma_wait3A_462 : memref<!tpu.dma_semaphore, #tpu.memory_space<semaphore_mem>>) src(%arg9 : memref<128xf32, #tpu.memory_space<vmem>>) dst(%dma_wait3A_460 : memref<10240xf32, #tpu.memory_space<vmem_shared>>)
        } else {
        }
        %dma_start3A_430 = arith.constant 0 : i32
        %dma_start3A_431 = arith.constant 0 : i32
        %dma_start3A_432 = tpu.memref_slice %arg8[%rem3A_392, %dma_start3A_430, %dma_start3A_431] : memref<8x128x16xf32, #tpu.memory_space<vmem>> -> memref<1x128x16xf32, #tpu.memory_space<vmem>>
        %dma_start3A_433 = tpu.memref_squeeze %dma_start3A_432 : memref<1x128x16xf32, #tpu.memory_space<vmem>> -> memref<128x16xf32, #tpu.memory_space<vmem>>
        %dma_start3A_434 = arith.constant 0 : i32
        %dma_start3A_435 = tpu.memref_slice %arg6[%add3A_390, %dma_start3A_434] : memref<79x128xi32, #tpu.memory_space<vmem>> -> memref<1x128xi32, #tpu.memory_space<vmem>>
        %dma_start3A_436 = tpu.memref_squeeze %dma_start3A_435 : memref<1x128xi32, #tpu.memory_space<vmem>> -> memref<128xi32, #tpu.memory_space<vmem>>
        %dma_start3A_437 = arith.constant 0 : i32
        %dma_start3A_438 = arith.constant 0 : i32
        %dma_start3A_439 = tpu.memref_slice %arg14[%dma_start3A_437, %dma_start3A_438] : memref<10240x16xf32, #tpu.memory_space<vmem_shared>> -> memref<10240x16xf32, #tpu.memory_space<vmem_shared>>
        %dma_start3A_440 = tpu.memref_slice %arg15[%rem3A_392] : memref<8x!tpu.dma_semaphore, #tpu.memory_space<semaphore_mem>> -> memref<1x!tpu.dma_semaphore, #tpu.memory_space<semaphore_mem>>
        %dma_start3A_441 = tpu.memref_squeeze %dma_start3A_440 : memref<1x!tpu.dma_semaphore, #tpu.memory_space<semaphore_mem>> -> memref<!tpu.dma_semaphore, #tpu.memory_space<semaphore_mem>>
        tpu.enqueue_indirect_dma source(%dma_start3A_439 : memref<10240x16xf32, #tpu.memory_space<vmem_shared>>) target(%dma_start3A_433 : memref<128x16xf32, #tpu.memory_space<vmem>>) offsets(%dma_start3A_436 : memref<128xi32, #tpu.memory_space<vmem>>) semaphore(%dma_start3A_441 : memref<!tpu.dma_semaphore, #tpu.memory_space<semaphore_mem>>)
      } else {
      }
      %dma_wait3A_394 = arith.constant 0 : i32
      %dma_wait3A_395 = arith.constant 0 : i32
      %dma_wait3A_396 = arith.constant 0 : i32
      %dma_wait3A_397 = tpu.memref_slice %arg8[%rem3A_388, %dma_wait3A_395, %dma_wait3A_396] : memref<8x128x16xf32, #tpu.memory_space<vmem>> -> memref<1x128x16xf32, #tpu.memory_space<vmem>>
      %dma_wait3A_398 = tpu.memref_squeeze %dma_wait3A_397 : memref<1x128x16xf32, #tpu.memory_space<vmem>> -> memref<128x16xf32, #tpu.memory_space<vmem>>
      %dma_wait3A_399 = arith.constant 0 : i32
      %dma_wait3A_400 = tpu.memref_slice %arg6[%dma_wait3A_394, %dma_wait3A_399] : memref<79x128xi32, #tpu.memory_space<vmem>> -> memref<1x128xi32, #tpu.memory_space<vmem>>
      %dma_wait3A_401 = tpu.memref_squeeze %dma_wait3A_400 : memref<1x128xi32, #tpu.memory_space<vmem>> -> memref<128xi32, #tpu.memory_space<vmem>>
      %dma_wait3A_402 = arith.constant 0 : i32
      %dma_wait3A_403 = arith.constant 0 : i32
      %dma_wait3A_404 = tpu.memref_slice %arg14[%dma_wait3A_402, %dma_wait3A_403] : memref<10240x16xf32, #tpu.memory_space<vmem_shared>> -> memref<10240x16xf32, #tpu.memory_space<vmem_shared>>
      %dma_wait3A_405 = tpu.memref_slice %arg15[%rem3A_388] : memref<8x!tpu.dma_semaphore, #tpu.memory_space<semaphore_mem>> -> memref<1x!tpu.dma_semaphore, #tpu.memory_space<semaphore_mem>>
      %dma_wait3A_406 = tpu.memref_squeeze %dma_wait3A_405 : memref<1x!tpu.dma_semaphore, #tpu.memory_space<semaphore_mem>> -> memref<!tpu.dma_semaphore, #tpu.memory_space<semaphore_mem>>
      tpu.wait_indirect_dma semaphore(%dma_wait3A_406 : memref<!tpu.dma_semaphore, #tpu.memory_space<semaphore_mem>>) src(%dma_wait3A_404 : memref<10240x16xf32, #tpu.memory_space<vmem_shared>>) dst(%dma_wait3A_398 : memref<128x16xf32, #tpu.memory_space<vmem>>)
      %dma_start3A_407 = arith.constant 0 : i32
      %dma_start3A_408 = arith.constant 0 : i32
      %dma_start3A_409 = tpu.memref_slice %arg8[%rem3A_388, %dma_start3A_407, %dma_start3A_408] : memref<8x128x16xf32, #tpu.memory_space<vmem>> -> memref<1x128x16xf32, #tpu.memory_space<vmem>>
      %dma_start3A_410 = tpu.memref_squeeze %dma_start3A_409 : memref<1x128x16xf32, #tpu.memory_space<vmem>> -> memref<128x16xf32, #tpu.memory_space<vmem>>
      %dma_start3A_411 = arith.constant 0 : i32
      %dma_start3A_412 = tpu.memref_slice %arg7[%while3A_387, %dma_start3A_411] : memref<79x128xi32, #tpu.memory_space<vmem>> -> memref<1x128xi32, #tpu.memory_space<vmem>>
      %dma_start3A_413 = tpu.memref_squeeze %dma_start3A_412 : memref<1x128xi32, #tpu.memory_space<vmem>> -> memref<128xi32, #tpu.memory_space<vmem>>
      %dma_start3A_414 = arith.constant 0 : i32
      %dma_start3A_415 = arith.constant 0 : i32
      %dma_start3A_416 = tpu.memref_slice %arg12[%dma_start3A_414, %dma_start3A_415] : memref<10240x16xf32, #tpu.memory_space<vmem_shared>> -> memref<10240x16xf32, #tpu.memory_space<vmem_shared>>
      %dma_start3A_417 = tpu.memref_slice %arg16[%rem3A_388] : memref<8x!tpu.dma_semaphore, #tpu.memory_space<semaphore_mem>> -> memref<1x!tpu.dma_semaphore, #tpu.memory_space<semaphore_mem>>
      %dma_start3A_418 = tpu.memref_squeeze %dma_start3A_417 : memref<1x!tpu.dma_semaphore, #tpu.memory_space<semaphore_mem>> -> memref<!tpu.dma_semaphore, #tpu.memory_space<semaphore_mem>>
      tpu.enqueue_indirect_dma source(%dma_start3A_410 : memref<128x16xf32, #tpu.memory_space<vmem>>) target(%dma_start3A_416 : memref<10240x16xf32, #tpu.memory_space<vmem_shared>>) offsets(%dma_start3A_413 : memref<128xi32, #tpu.memory_space<vmem>>) semaphore(%dma_start3A_418 : memref<!tpu.dma_semaphore, #tpu.memory_space<semaphore_mem>>) {add = true}
      %dma_start3A_419 = arith.constant 0 : i32
      %dma_start3A_420 = tpu.memref_slice %arg7[%while3A_387, %dma_start3A_419] : memref<79x128xi32, #tpu.memory_space<vmem>> -> memref<1x128xi32, #tpu.memory_space<vmem>>
      %dma_start3A_421 = tpu.memref_squeeze %dma_start3A_420 : memref<1x128xi32, #tpu.memory_space<vmem>> -> memref<128xi32, #tpu.memory_space<vmem>>
      %dma_start3A_422 = arith.constant 0 : i32
      %dma_start3A_423 = tpu.memref_slice %arg13[%dma_start3A_422] : memref<10240xf32, #tpu.memory_space<vmem_shared>> -> memref<10240xf32, #tpu.memory_space<vmem_shared>>
      %dma_start3A_424 = tpu.memref_slice %arg17[%rem3A_388] : memref<8x!tpu.dma_semaphore, #tpu.memory_space<semaphore_mem>> -> memref<1x!tpu.dma_semaphore, #tpu.memory_space<semaphore_mem>>
      %dma_start3A_425 = tpu.memref_squeeze %dma_start3A_424 : memref<1x!tpu.dma_semaphore, #tpu.memory_space<semaphore_mem>> -> memref<!tpu.dma_semaphore, #tpu.memory_space<semaphore_mem>>
      tpu.enqueue_indirect_dma source(%arg9 : memref<128xf32, #tpu.memory_space<vmem>>) target(%dma_start3A_423 : memref<10240xf32, #tpu.memory_space<vmem_shared>>) offsets(%dma_start3A_421 : memref<128xi32, #tpu.memory_space<vmem>>) semaphore(%dma_start3A_425 : memref<!tpu.dma_semaphore, #tpu.memory_space<semaphore_mem>>) {add = true}
    }
    %dma_wait3A_194 = arith.constant 0 : i32
    %dma_wait3A_195 = arith.constant 0 : i32
    %dma_wait3A_196 = arith.constant 0 : i32
    %dma_wait3A_197 = arith.constant 0 : i32
    %dma_wait3A_198 = arith.constant 0 : i32
    %dma_wait3A_199 = tpu.memref_slice %arg8[%dma_wait3A_194, %dma_wait3A_197, %dma_wait3A_198] : memref<8x128x16xf32, #tpu.memory_space<vmem>> -> memref<1x128x16xf32, #tpu.memory_space<vmem>>
    %dma_wait3A_200 = tpu.memref_squeeze %dma_wait3A_199 : memref<1x128x16xf32, #tpu.memory_space<vmem>> -> memref<128x16xf32, #tpu.memory_space<vmem>>
    %dma_wait3A_201 = arith.constant 0 : i32
    %dma_wait3A_202 = tpu.memref_slice %arg7[%dma_wait3A_195, %dma_wait3A_201] : memref<79x128xi32, #tpu.memory_space<vmem>> -> memref<1x128xi32, #tpu.memory_space<vmem>>
    %dma_wait3A_203 = tpu.memref_squeeze %dma_wait3A_202 : memref<1x128xi32, #tpu.memory_space<vmem>> -> memref<128xi32, #tpu.memory_space<vmem>>
    %dma_wait3A_204 = arith.constant 0 : i32
    %dma_wait3A_205 = arith.constant 0 : i32
    %dma_wait3A_206 = tpu.memref_slice %arg12[%dma_wait3A_204, %dma_wait3A_205] : memref<10240x16xf32, #tpu.memory_space<vmem_shared>> -> memref<10240x16xf32, #tpu.memory_space<vmem_shared>>
    %dma_wait3A_207 = tpu.memref_slice %arg16[%dma_wait3A_196] : memref<8x!tpu.dma_semaphore, #tpu.memory_space<semaphore_mem>> -> memref<1x!tpu.dma_semaphore, #tpu.memory_space<semaphore_mem>>
    %dma_wait3A_208 = tpu.memref_squeeze %dma_wait3A_207 : memref<1x!tpu.dma_semaphore, #tpu.memory_space<semaphore_mem>> -> memref<!tpu.dma_semaphore, #tpu.memory_space<semaphore_mem>>
    tpu.wait_indirect_dma semaphore(%dma_wait3A_208 : memref<!tpu.dma_semaphore, #tpu.memory_space<semaphore_mem>>) src(%dma_wait3A_200 : memref<128x16xf32, #tpu.memory_space<vmem>>) dst(%dma_wait3A_206 : memref<10240x16xf32, #tpu.memory_space<vmem_shared>>)
    %dma_wait3A_209 = arith.constant 0 : i32
    %dma_wait3A_210 = arith.constant 0 : i32
    %dma_wait3A_211 = arith.constant 0 : i32
    %dma_wait3A_212 = tpu.memref_slice %arg7[%dma_wait3A_209, %dma_wait3A_211] : memref<79x128xi32, #tpu.memory_space<vmem>> -> memref<1x128xi32, #tpu.memory_space<vmem>>
    %dma_wait3A_213 = tpu.memref_squeeze %dma_wait3A_212 : memref<1x128xi32, #tpu.memory_space<vmem>> -> memref<128xi32, #tpu.memory_space<vmem>>
    %dma_wait3A_214 = arith.constant 0 : i32
    %dma_wait3A_215 = tpu.memref_slice %arg13[%dma_wait3A_214] : memref<10240xf32, #tpu.memory_space<vmem_shared>> -> memref<10240xf32, #tpu.memory_space<vmem_shared>>
    %dma_wait3A_216 = tpu.memref_slice %arg17[%dma_wait3A_210] : memref<8x!tpu.dma_semaphore, #tpu.memory_space<semaphore_mem>> -> memref<1x!tpu.dma_semaphore, #tpu.memory_space<semaphore_mem>>
    %dma_wait3A_217 = tpu.memref_squeeze %dma_wait3A_216 : memref<1x!tpu.dma_semaphore, #tpu.memory_space<semaphore_mem>> -> memref<!tpu.dma_semaphore, #tpu.memory_space<semaphore_mem>>
    tpu.wait_indirect_dma semaphore(%dma_wait3A_217 : memref<!tpu.dma_semaphore, #tpu.memory_space<semaphore_mem>>) src(%arg9 : memref<128xf32, #tpu.memory_space<vmem>>) dst(%dma_wait3A_215 : memref<10240xf32, #tpu.memory_space<vmem_shared>>)
    %dma_wait3A_218 = arith.constant 1 : i32
    %dma_wait3A_219 = arith.constant 0 : i32
    %dma_wait3A_220 = arith.constant 1 : i32
    %dma_wait3A_221 = arith.constant 0 : i32
    %dma_wait3A_222 = arith.constant 0 : i32
    %dma_wait3A_223 = tpu.memref_slice %arg8[%dma_wait3A_218, %dma_wait3A_221, %dma_wait3A_222] : memref<8x128x16xf32, #tpu.memory_space<vmem>> -> memref<1x128x16xf32, #tpu.memory_space<vmem>>
    %dma_wait3A_224 = tpu.memref_squeeze %dma_wait3A_223 : memref<1x128x16xf32, #tpu.memory_space<vmem>> -> memref<128x16xf32, #tpu.memory_space<vmem>>
    %dma_wait3A_225 = arith.constant 0 : i32
    %dma_wait3A_226 = tpu.memref_slice %arg7[%dma_wait3A_219, %dma_wait3A_225] : memref<79x128xi32, #tpu.memory_space<vmem>> -> memref<1x128xi32, #tpu.memory_space<vmem>>
    %dma_wait3A_227 = tpu.memref_squeeze %dma_wait3A_226 : memref<1x128xi32, #tpu.memory_space<vmem>> -> memref<128xi32, #tpu.memory_space<vmem>>
    %dma_wait3A_228 = arith.constant 0 : i32
    %dma_wait3A_229 = arith.constant 0 : i32
    %dma_wait3A_230 = tpu.memref_slice %arg12[%dma_wait3A_228, %dma_wait3A_229] : memref<10240x16xf32, #tpu.memory_space<vmem_shared>> -> memref<10240x16xf32, #tpu.memory_space<vmem_shared>>
    %dma_wait3A_231 = tpu.memref_slice %arg16[%dma_wait3A_220] : memref<8x!tpu.dma_semaphore, #tpu.memory_space<semaphore_mem>> -> memref<1x!tpu.dma_semaphore, #tpu.memory_space<semaphore_mem>>
    %dma_wait3A_232 = tpu.memref_squeeze %dma_wait3A_231 : memref<1x!tpu.dma_semaphore, #tpu.memory_space<semaphore_mem>> -> memref<!tpu.dma_semaphore, #tpu.memory_space<semaphore_mem>>
    tpu.wait_indirect_dma semaphore(%dma_wait3A_232 : memref<!tpu.dma_semaphore, #tpu.memory_space<semaphore_mem>>) src(%dma_wait3A_224 : memref<128x16xf32, #tpu.memory_space<vmem>>) dst(%dma_wait3A_230 : memref<10240x16xf32, #tpu.memory_space<vmem_shared>>)
    %dma_wait3A_233 = arith.constant 0 : i32
    %dma_wait3A_234 = arith.constant 1 : i32
    %dma_wait3A_235 = arith.constant 0 : i32
    %dma_wait3A_236 = tpu.memref_slice %arg7[%dma_wait3A_233, %dma_wait3A_235] : memref<79x128xi32, #tpu.memory_space<vmem>> -> memref<1x128xi32, #tpu.memory_space<vmem>>
    %dma_wait3A_237 = tpu.memref_squeeze %dma_wait3A_236 : memref<1x128xi32, #tpu.memory_space<vmem>> -> memref<128xi32, #tpu.memory_space<vmem>>
    %dma_wait3A_238 = arith.constant 0 : i32
    %dma_wait3A_239 = tpu.memref_slice %arg13[%dma_wait3A_238] : memref<10240xf32, #tpu.memory_space<vmem_shared>> -> memref<10240xf32, #tpu.memory_space<vmem_shared>>
    %dma_wait3A_240 = tpu.memref_slice %arg17[%dma_wait3A_234] : memref<8x!tpu.dma_semaphore, #tpu.memory_space<semaphore_mem>> -> memref<1x!tpu.dma_semaphore, #tpu.memory_space<semaphore_mem>>
    %dma_wait3A_241 = tpu.memref_squeeze %dma_wait3A_240 : memref<1x!tpu.dma_semaphore, #tpu.memory_space<semaphore_mem>> -> memref<!tpu.dma_semaphore, #tpu.memory_space<semaphore_mem>>
    tpu.wait_indirect_dma semaphore(%dma_wait3A_241 : memref<!tpu.dma_semaphore, #tpu.memory_space<semaphore_mem>>) src(%arg9 : memref<128xf32, #tpu.memory_space<vmem>>) dst(%dma_wait3A_239 : memref<10240xf32, #tpu.memory_space<vmem_shared>>)
    %dma_wait3A_242 = arith.constant 2 : i32
    %dma_wait3A_243 = arith.constant 0 : i32
    %dma_wait3A_244 = arith.constant 2 : i32
    %dma_wait3A_245 = arith.constant 0 : i32
    %dma_wait3A_246 = arith.constant 0 : i32
    %dma_wait3A_247 = tpu.memref_slice %arg8[%dma_wait3A_242, %dma_wait3A_245, %dma_wait3A_246] : memref<8x128x16xf32, #tpu.memory_space<vmem>> -> memref<1x128x16xf32, #tpu.memory_space<vmem>>
    %dma_wait3A_248 = tpu.memref_squeeze %dma_wait3A_247 : memref<1x128x16xf32, #tpu.memory_space<vmem>> -> memref<128x16xf32, #tpu.memory_space<vmem>>
    %dma_wait3A_249 = arith.constant 0 : i32
    %dma_wait3A_250 = tpu.memref_slice %arg7[%dma_wait3A_243, %dma_wait3A_249] : memref<79x128xi32, #tpu.memory_space<vmem>> -> memref<1x128xi32, #tpu.memory_space<vmem>>
    %dma_wait3A_251 = tpu.memref_squeeze %dma_wait3A_250 : memref<1x128xi32, #tpu.memory_space<vmem>> -> memref<128xi32, #tpu.memory_space<vmem>>
    %dma_wait3A_252 = arith.constant 0 : i32
    %dma_wait3A_253 = arith.constant 0 : i32
    %dma_wait3A_254 = tpu.memref_slice %arg12[%dma_wait3A_252, %dma_wait3A_253] : memref<10240x16xf32, #tpu.memory_space<vmem_shared>> -> memref<10240x16xf32, #tpu.memory_space<vmem_shared>>
    %dma_wait3A_255 = tpu.memref_slice %arg16[%dma_wait3A_244] : memref<8x!tpu.dma_semaphore, #tpu.memory_space<semaphore_mem>> -> memref<1x!tpu.dma_semaphore, #tpu.memory_space<semaphore_mem>>
    %dma_wait3A_256 = tpu.memref_squeeze %dma_wait3A_255 : memref<1x!tpu.dma_semaphore, #tpu.memory_space<semaphore_mem>> -> memref<!tpu.dma_semaphore, #tpu.memory_space<semaphore_mem>>
    tpu.wait_indirect_dma semaphore(%dma_wait3A_256 : memref<!tpu.dma_semaphore, #tpu.memory_space<semaphore_mem>>) src(%dma_wait3A_248 : memref<128x16xf32, #tpu.memory_space<vmem>>) dst(%dma_wait3A_254 : memref<10240x16xf32, #tpu.memory_space<vmem_shared>>)
    %dma_wait3A_257 = arith.constant 0 : i32
    %dma_wait3A_258 = arith.constant 2 : i32
    %dma_wait3A_259 = arith.constant 0 : i32
    %dma_wait3A_260 = tpu.memref_slice %arg7[%dma_wait3A_257, %dma_wait3A_259] : memref<79x128xi32, #tpu.memory_space<vmem>> -> memref<1x128xi32, #tpu.memory_space<vmem>>
    %dma_wait3A_261 = tpu.memref_squeeze %dma_wait3A_260 : memref<1x128xi32, #tpu.memory_space<vmem>> -> memref<128xi32, #tpu.memory_space<vmem>>
    %dma_wait3A_262 = arith.constant 0 : i32
    %dma_wait3A_263 = tpu.memref_slice %arg13[%dma_wait3A_262] : memref<10240xf32, #tpu.memory_space<vmem_shared>> -> memref<10240xf32, #tpu.memory_space<vmem_shared>>
    %dma_wait3A_264 = tpu.memref_slice %arg17[%dma_wait3A_258] : memref<8x!tpu.dma_semaphore, #tpu.memory_space<semaphore_mem>> -> memref<1x!tpu.dma_semaphore, #tpu.memory_space<semaphore_mem>>
    %dma_wait3A_265 = tpu.memref_squeeze %dma_wait3A_264 : memref<1x!tpu.dma_semaphore, #tpu.memory_space<semaphore_mem>> -> memref<!tpu.dma_semaphore, #tpu.memory_space<semaphore_mem>>
    tpu.wait_indirect_dma semaphore(%dma_wait3A_265 : memref<!tpu.dma_semaphore, #tpu.memory_space<semaphore_mem>>) src(%arg9 : memref<128xf32, #tpu.memory_space<vmem>>) dst(%dma_wait3A_263 : memref<10240xf32, #tpu.memory_space<vmem_shared>>)
    %dma_wait3A_266 = arith.constant 3 : i32
    %dma_wait3A_267 = arith.constant 0 : i32
    %dma_wait3A_268 = arith.constant 3 : i32
    %dma_wait3A_269 = arith.constant 0 : i32
    %dma_wait3A_270 = arith.constant 0 : i32
    %dma_wait3A_271 = tpu.memref_slice %arg8[%dma_wait3A_266, %dma_wait3A_269, %dma_wait3A_270] : memref<8x128x16xf32, #tpu.memory_space<vmem>> -> memref<1x128x16xf32, #tpu.memory_space<vmem>>
    %dma_wait3A_272 = tpu.memref_squeeze %dma_wait3A_271 : memref<1x128x16xf32, #tpu.memory_space<vmem>> -> memref<128x16xf32, #tpu.memory_space<vmem>>
    %dma_wait3A_273 = arith.constant 0 : i32
    %dma_wait3A_274 = tpu.memref_slice %arg7[%dma_wait3A_267, %dma_wait3A_273] : memref<79x128xi32, #tpu.memory_space<vmem>> -> memref<1x128xi32, #tpu.memory_space<vmem>>
    %dma_wait3A_275 = tpu.memref_squeeze %dma_wait3A_274 : memref<1x128xi32, #tpu.memory_space<vmem>> -> memref<128xi32, #tpu.memory_space<vmem>>
    %dma_wait3A_276 = arith.constant 0 : i32
    %dma_wait3A_277 = arith.constant 0 : i32
    %dma_wait3A_278 = tpu.memref_slice %arg12[%dma_wait3A_276, %dma_wait3A_277] : memref<10240x16xf32, #tpu.memory_space<vmem_shared>> -> memref<10240x16xf32, #tpu.memory_space<vmem_shared>>
    %dma_wait3A_279 = tpu.memref_slice %arg16[%dma_wait3A_268] : memref<8x!tpu.dma_semaphore, #tpu.memory_space<semaphore_mem>> -> memref<1x!tpu.dma_semaphore, #tpu.memory_space<semaphore_mem>>
    %dma_wait3A_280 = tpu.memref_squeeze %dma_wait3A_279 : memref<1x!tpu.dma_semaphore, #tpu.memory_space<semaphore_mem>> -> memref<!tpu.dma_semaphore, #tpu.memory_space<semaphore_mem>>
    tpu.wait_indirect_dma semaphore(%dma_wait3A_280 : memref<!tpu.dma_semaphore, #tpu.memory_space<semaphore_mem>>) src(%dma_wait3A_272 : memref<128x16xf32, #tpu.memory_space<vmem>>) dst(%dma_wait3A_278 : memref<10240x16xf32, #tpu.memory_space<vmem_shared>>)
    %dma_wait3A_281 = arith.constant 0 : i32
    %dma_wait3A_282 = arith.constant 3 : i32
    %dma_wait3A_283 = arith.constant 0 : i32
    %dma_wait3A_284 = tpu.memref_slice %arg7[%dma_wait3A_281, %dma_wait3A_283] : memref<79x128xi32, #tpu.memory_space<vmem>> -> memref<1x128xi32, #tpu.memory_space<vmem>>
    %dma_wait3A_285 = tpu.memref_squeeze %dma_wait3A_284 : memref<1x128xi32, #tpu.memory_space<vmem>> -> memref<128xi32, #tpu.memory_space<vmem>>
    %dma_wait3A_286 = arith.constant 0 : i32
    %dma_wait3A_287 = tpu.memref_slice %arg13[%dma_wait3A_286] : memref<10240xf32, #tpu.memory_space<vmem_shared>> -> memref<10240xf32, #tpu.memory_space<vmem_shared>>
    %dma_wait3A_288 = tpu.memref_slice %arg17[%dma_wait3A_282] : memref<8x!tpu.dma_semaphore, #tpu.memory_space<semaphore_mem>> -> memref<1x!tpu.dma_semaphore, #tpu.memory_space<semaphore_mem>>
    %dma_wait3A_289 = tpu.memref_squeeze %dma_wait3A_288 : memref<1x!tpu.dma_semaphore, #tpu.memory_space<semaphore_mem>> -> memref<!tpu.dma_semaphore, #tpu.memory_space<semaphore_mem>>
    tpu.wait_indirect_dma semaphore(%dma_wait3A_289 : memref<!tpu.dma_semaphore, #tpu.memory_space<semaphore_mem>>) src(%arg9 : memref<128xf32, #tpu.memory_space<vmem>>) dst(%dma_wait3A_287 : memref<10240xf32, #tpu.memory_space<vmem_shared>>)
    %dma_wait3A_290 = arith.constant 4 : i32
    %dma_wait3A_291 = arith.constant 0 : i32
    %dma_wait3A_292 = arith.constant 4 : i32
    %dma_wait3A_293 = arith.constant 0 : i32
    %dma_wait3A_294 = arith.constant 0 : i32
    %dma_wait3A_295 = tpu.memref_slice %arg8[%dma_wait3A_290, %dma_wait3A_293, %dma_wait3A_294] : memref<8x128x16xf32, #tpu.memory_space<vmem>> -> memref<1x128x16xf32, #tpu.memory_space<vmem>>
    %dma_wait3A_296 = tpu.memref_squeeze %dma_wait3A_295 : memref<1x128x16xf32, #tpu.memory_space<vmem>> -> memref<128x16xf32, #tpu.memory_space<vmem>>
    %dma_wait3A_297 = arith.constant 0 : i32
    %dma_wait3A_298 = tpu.memref_slice %arg7[%dma_wait3A_291, %dma_wait3A_297] : memref<79x128xi32, #tpu.memory_space<vmem>> -> memref<1x128xi32, #tpu.memory_space<vmem>>
    %dma_wait3A_299 = tpu.memref_squeeze %dma_wait3A_298 : memref<1x128xi32, #tpu.memory_space<vmem>> -> memref<128xi32, #tpu.memory_space<vmem>>
    %dma_wait3A_300 = arith.constant 0 : i32
    %dma_wait3A_301 = arith.constant 0 : i32
    %dma_wait3A_302 = tpu.memref_slice %arg12[%dma_wait3A_300, %dma_wait3A_301] : memref<10240x16xf32, #tpu.memory_space<vmem_shared>> -> memref<10240x16xf32, #tpu.memory_space<vmem_shared>>
    %dma_wait3A_303 = tpu.memref_slice %arg16[%dma_wait3A_292] : memref<8x!tpu.dma_semaphore, #tpu.memory_space<semaphore_mem>> -> memref<1x!tpu.dma_semaphore, #tpu.memory_space<semaphore_mem>>
    %dma_wait3A_304 = tpu.memref_squeeze %dma_wait3A_303 : memref<1x!tpu.dma_semaphore, #tpu.memory_space<semaphore_mem>> -> memref<!tpu.dma_semaphore, #tpu.memory_space<semaphore_mem>>
    tpu.wait_indirect_dma semaphore(%dma_wait3A_304 : memref<!tpu.dma_semaphore, #tpu.memory_space<semaphore_mem>>) src(%dma_wait3A_296 : memref<128x16xf32, #tpu.memory_space<vmem>>) dst(%dma_wait3A_302 : memref<10240x16xf32, #tpu.memory_space<vmem_shared>>)
    %dma_wait3A_305 = arith.constant 0 : i32
    %dma_wait3A_306 = arith.constant 4 : i32
    %dma_wait3A_307 = arith.constant 0 : i32
    %dma_wait3A_308 = tpu.memref_slice %arg7[%dma_wait3A_305, %dma_wait3A_307] : memref<79x128xi32, #tpu.memory_space<vmem>> -> memref<1x128xi32, #tpu.memory_space<vmem>>
    %dma_wait3A_309 = tpu.memref_squeeze %dma_wait3A_308 : memref<1x128xi32, #tpu.memory_space<vmem>> -> memref<128xi32, #tpu.memory_space<vmem>>
    %dma_wait3A_310 = arith.constant 0 : i32
    %dma_wait3A_311 = tpu.memref_slice %arg13[%dma_wait3A_310] : memref<10240xf32, #tpu.memory_space<vmem_shared>> -> memref<10240xf32, #tpu.memory_space<vmem_shared>>
    %dma_wait3A_312 = tpu.memref_slice %arg17[%dma_wait3A_306] : memref<8x!tpu.dma_semaphore, #tpu.memory_space<semaphore_mem>> -> memref<1x!tpu.dma_semaphore, #tpu.memory_space<semaphore_mem>>
    %dma_wait3A_313 = tpu.memref_squeeze %dma_wait3A_312 : memref<1x!tpu.dma_semaphore, #tpu.memory_space<semaphore_mem>> -> memref<!tpu.dma_semaphore, #tpu.memory_space<semaphore_mem>>
    tpu.wait_indirect_dma semaphore(%dma_wait3A_313 : memref<!tpu.dma_semaphore, #tpu.memory_space<semaphore_mem>>) src(%arg9 : memref<128xf32, #tpu.memory_space<vmem>>) dst(%dma_wait3A_311 : memref<10240xf32, #tpu.memory_space<vmem_shared>>)
    %dma_wait3A_314 = arith.constant 5 : i32
    %dma_wait3A_315 = arith.constant 0 : i32
    %dma_wait3A_316 = arith.constant 5 : i32
    %dma_wait3A_317 = arith.constant 0 : i32
    %dma_wait3A_318 = arith.constant 0 : i32
    %dma_wait3A_319 = tpu.memref_slice %arg8[%dma_wait3A_314, %dma_wait3A_317, %dma_wait3A_318] : memref<8x128x16xf32, #tpu.memory_space<vmem>> -> memref<1x128x16xf32, #tpu.memory_space<vmem>>
    %dma_wait3A_320 = tpu.memref_squeeze %dma_wait3A_319 : memref<1x128x16xf32, #tpu.memory_space<vmem>> -> memref<128x16xf32, #tpu.memory_space<vmem>>
    %dma_wait3A_321 = arith.constant 0 : i32
    %dma_wait3A_322 = tpu.memref_slice %arg7[%dma_wait3A_315, %dma_wait3A_321] : memref<79x128xi32, #tpu.memory_space<vmem>> -> memref<1x128xi32, #tpu.memory_space<vmem>>
    %dma_wait3A_323 = tpu.memref_squeeze %dma_wait3A_322 : memref<1x128xi32, #tpu.memory_space<vmem>> -> memref<128xi32, #tpu.memory_space<vmem>>
    %dma_wait3A_324 = arith.constant 0 : i32
    %dma_wait3A_325 = arith.constant 0 : i32
    %dma_wait3A_326 = tpu.memref_slice %arg12[%dma_wait3A_324, %dma_wait3A_325] : memref<10240x16xf32, #tpu.memory_space<vmem_shared>> -> memref<10240x16xf32, #tpu.memory_space<vmem_shared>>
    %dma_wait3A_327 = tpu.memref_slice %arg16[%dma_wait3A_316] : memref<8x!tpu.dma_semaphore, #tpu.memory_space<semaphore_mem>> -> memref<1x!tpu.dma_semaphore, #tpu.memory_space<semaphore_mem>>
    %dma_wait3A_328 = tpu.memref_squeeze %dma_wait3A_327 : memref<1x!tpu.dma_semaphore, #tpu.memory_space<semaphore_mem>> -> memref<!tpu.dma_semaphore, #tpu.memory_space<semaphore_mem>>
    tpu.wait_indirect_dma semaphore(%dma_wait3A_328 : memref<!tpu.dma_semaphore, #tpu.memory_space<semaphore_mem>>) src(%dma_wait3A_320 : memref<128x16xf32, #tpu.memory_space<vmem>>) dst(%dma_wait3A_326 : memref<10240x16xf32, #tpu.memory_space<vmem_shared>>)
    %dma_wait3A_329 = arith.constant 0 : i32
    %dma_wait3A_330 = arith.constant 5 : i32
    %dma_wait3A_331 = arith.constant 0 : i32
    %dma_wait3A_332 = tpu.memref_slice %arg7[%dma_wait3A_329, %dma_wait3A_331] : memref<79x128xi32, #tpu.memory_space<vmem>> -> memref<1x128xi32, #tpu.memory_space<vmem>>
    %dma_wait3A_333 = tpu.memref_squeeze %dma_wait3A_332 : memref<1x128xi32, #tpu.memory_space<vmem>> -> memref<128xi32, #tpu.memory_space<vmem>>
    %dma_wait3A_334 = arith.constant 0 : i32
    %dma_wait3A_335 = tpu.memref_slice %arg13[%dma_wait3A_334] : memref<10240xf32, #tpu.memory_space<vmem_shared>> -> memref<10240xf32, #tpu.memory_space<vmem_shared>>
    %dma_wait3A_336 = tpu.memref_slice %arg17[%dma_wait3A_330] : memref<8x!tpu.dma_semaphore, #tpu.memory_space<semaphore_mem>> -> memref<1x!tpu.dma_semaphore, #tpu.memory_space<semaphore_mem>>
    %dma_wait3A_337 = tpu.memref_squeeze %dma_wait3A_336 : memref<1x!tpu.dma_semaphore, #tpu.memory_space<semaphore_mem>> -> memref<!tpu.dma_semaphore, #tpu.memory_space<semaphore_mem>>
    tpu.wait_indirect_dma semaphore(%dma_wait3A_337 : memref<!tpu.dma_semaphore, #tpu.memory_space<semaphore_mem>>) src(%arg9 : memref<128xf32, #tpu.memory_space<vmem>>) dst(%dma_wait3A_335 : memref<10240xf32, #tpu.memory_space<vmem_shared>>)
    %dma_wait3A_338 = arith.constant 6 : i32
    %dma_wait3A_339 = arith.constant 0 : i32
    %dma_wait3A_340 = arith.constant 6 : i32
    %dma_wait3A_341 = arith.constant 0 : i32
    %dma_wait3A_342 = arith.constant 0 : i32
    %dma_wait3A_343 = tpu.memref_slice %arg8[%dma_wait3A_338, %dma_wait3A_341, %dma_wait3A_342] : memref<8x128x16xf32, #tpu.memory_space<vmem>> -> memref<1x128x16xf32, #tpu.memory_space<vmem>>
    %dma_wait3A_344 = tpu.memref_squeeze %dma_wait3A_343 : memref<1x128x16xf32, #tpu.memory_space<vmem>> -> memref<128x16xf32, #tpu.memory_space<vmem>>
    %dma_wait3A_345 = arith.constant 0 : i32
    %dma_wait3A_346 = tpu.memref_slice %arg7[%dma_wait3A_339, %dma_wait3A_345] : memref<79x128xi32, #tpu.memory_space<vmem>> -> memref<1x128xi32, #tpu.memory_space<vmem>>
    %dma_wait3A_347 = tpu.memref_squeeze %dma_wait3A_346 : memref<1x128xi32, #tpu.memory_space<vmem>> -> memref<128xi32, #tpu.memory_space<vmem>>
    %dma_wait3A_348 = arith.constant 0 : i32
    %dma_wait3A_349 = arith.constant 0 : i32
    %dma_wait3A_350 = tpu.memref_slice %arg12[%dma_wait3A_348, %dma_wait3A_349] : memref<10240x16xf32, #tpu.memory_space<vmem_shared>> -> memref<10240x16xf32, #tpu.memory_space<vmem_shared>>
    %dma_wait3A_351 = tpu.memref_slice %arg16[%dma_wait3A_340] : memref<8x!tpu.dma_semaphore, #tpu.memory_space<semaphore_mem>> -> memref<1x!tpu.dma_semaphore, #tpu.memory_space<semaphore_mem>>
    %dma_wait3A_352 = tpu.memref_squeeze %dma_wait3A_351 : memref<1x!tpu.dma_semaphore, #tpu.memory_space<semaphore_mem>> -> memref<!tpu.dma_semaphore, #tpu.memory_space<semaphore_mem>>
    tpu.wait_indirect_dma semaphore(%dma_wait3A_352 : memref<!tpu.dma_semaphore, #tpu.memory_space<semaphore_mem>>) src(%dma_wait3A_344 : memref<128x16xf32, #tpu.memory_space<vmem>>) dst(%dma_wait3A_350 : memref<10240x16xf32, #tpu.memory_space<vmem_shared>>)
    %dma_wait3A_353 = arith.constant 0 : i32
    %dma_wait3A_354 = arith.constant 6 : i32
    %dma_wait3A_355 = arith.constant 0 : i32
    %dma_wait3A_356 = tpu.memref_slice %arg7[%dma_wait3A_353, %dma_wait3A_355] : memref<79x128xi32, #tpu.memory_space<vmem>> -> memref<1x128xi32, #tpu.memory_space<vmem>>
    %dma_wait3A_357 = tpu.memref_squeeze %dma_wait3A_356 : memref<1x128xi32, #tpu.memory_space<vmem>> -> memref<128xi32, #tpu.memory_space<vmem>>
    %dma_wait3A_358 = arith.constant 0 : i32
    %dma_wait3A_359 = tpu.memref_slice %arg13[%dma_wait3A_358] : memref<10240xf32, #tpu.memory_space<vmem_shared>> -> memref<10240xf32, #tpu.memory_space<vmem_shared>>
    %dma_wait3A_360 = tpu.memref_slice %arg17[%dma_wait3A_354] : memref<8x!tpu.dma_semaphore, #tpu.memory_space<semaphore_mem>> -> memref<1x!tpu.dma_semaphore, #tpu.memory_space<semaphore_mem>>
    %dma_wait3A_361 = tpu.memref_squeeze %dma_wait3A_360 : memref<1x!tpu.dma_semaphore, #tpu.memory_space<semaphore_mem>> -> memref<!tpu.dma_semaphore, #tpu.memory_space<semaphore_mem>>
    tpu.wait_indirect_dma semaphore(%dma_wait3A_361 : memref<!tpu.dma_semaphore, #tpu.memory_space<semaphore_mem>>) src(%arg9 : memref<128xf32, #tpu.memory_space<vmem>>) dst(%dma_wait3A_359 : memref<10240xf32, #tpu.memory_space<vmem_shared>>)
    %dma_wait3A_362 = arith.constant 7 : i32
    %dma_wait3A_363 = arith.constant 0 : i32
    %dma_wait3A_364 = arith.constant 7 : i32
    %dma_wait3A_365 = arith.constant 0 : i32
    %dma_wait3A_366 = arith.constant 0 : i32
    %dma_wait3A_367 = tpu.memref_slice %arg8[%dma_wait3A_362, %dma_wait3A_365, %dma_wait3A_366] : memref<8x128x16xf32, #tpu.memory_space<vmem>> -> memref<1x128x16xf32, #tpu.memory_space<vmem>>
    %dma_wait3A_368 = tpu.memref_squeeze %dma_wait3A_367 : memref<1x128x16xf32, #tpu.memory_space<vmem>> -> memref<128x16xf32, #tpu.memory_space<vmem>>
    %dma_wait3A_369 = arith.constant 0 : i32
    %dma_wait3A_370 = tpu.memref_slice %arg7[%dma_wait3A_363, %dma_wait3A_369] : memref<79x128xi32, #tpu.memory_space<vmem>> -> memref<1x128xi32, #tpu.memory_space<vmem>>
    %dma_wait3A_371 = tpu.memref_squeeze %dma_wait3A_370 : memref<1x128xi32, #tpu.memory_space<vmem>> -> memref<128xi32, #tpu.memory_space<vmem>>
    %dma_wait3A_372 = arith.constant 0 : i32
    %dma_wait3A_373 = arith.constant 0 : i32
    %dma_wait3A_374 = tpu.memref_slice %arg12[%dma_wait3A_372, %dma_wait3A_373] : memref<10240x16xf32, #tpu.memory_space<vmem_shared>> -> memref<10240x16xf32, #tpu.memory_space<vmem_shared>>
    %dma_wait3A_375 = tpu.memref_slice %arg16[%dma_wait3A_364] : memref<8x!tpu.dma_semaphore, #tpu.memory_space<semaphore_mem>> -> memref<1x!tpu.dma_semaphore, #tpu.memory_space<semaphore_mem>>
    %dma_wait3A_376 = tpu.memref_squeeze %dma_wait3A_375 : memref<1x!tpu.dma_semaphore, #tpu.memory_space<semaphore_mem>> -> memref<!tpu.dma_semaphore, #tpu.memory_space<semaphore_mem>>
    tpu.wait_indirect_dma semaphore(%dma_wait3A_376 : memref<!tpu.dma_semaphore, #tpu.memory_space<semaphore_mem>>) src(%dma_wait3A_368 : memref<128x16xf32, #tpu.memory_space<vmem>>) dst(%dma_wait3A_374 : memref<10240x16xf32, #tpu.memory_space<vmem_shared>>)
    %dma_wait3A_377 = arith.constant 0 : i32
    %dma_wait3A_378 = arith.constant 7 : i32
    %dma_wait3A_379 = arith.constant 0 : i32
    %dma_wait3A_380 = tpu.memref_slice %arg7[%dma_wait3A_377, %dma_wait3A_379] : memref<79x128xi32, #tpu.memory_space<vmem>> -> memref<1x128xi32, #tpu.memory_space<vmem>>
    %dma_wait3A_381 = tpu.memref_squeeze %dma_wait3A_380 : memref<1x128xi32, #tpu.memory_space<vmem>> -> memref<128xi32, #tpu.memory_space<vmem>>
    %dma_wait3A_382 = arith.constant 0 : i32
    %dma_wait3A_383 = tpu.memref_slice %arg13[%dma_wait3A_382] : memref<10240xf32, #tpu.memory_space<vmem_shared>> -> memref<10240xf32, #tpu.memory_space<vmem_shared>>
    %dma_wait3A_384 = tpu.memref_slice %arg17[%dma_wait3A_378] : memref<8x!tpu.dma_semaphore, #tpu.memory_space<semaphore_mem>> -> memref<1x!tpu.dma_semaphore, #tpu.memory_space<semaphore_mem>>
    %dma_wait3A_385 = tpu.memref_squeeze %dma_wait3A_384 : memref<1x!tpu.dma_semaphore, #tpu.memory_space<semaphore_mem>> -> memref<!tpu.dma_semaphore, #tpu.memory_space<semaphore_mem>>
    tpu.wait_indirect_dma semaphore(%dma_wait3A_385 : memref<!tpu.dma_semaphore, #tpu.memory_space<semaphore_mem>>) src(%arg9 : memref<128xf32, #tpu.memory_space<vmem>>) dst(%dma_wait3A_383 : memref<10240xf32, #tpu.memory_space<vmem_shared>>)
    %barrier3A_386 = arith.constant 0 : index
    tpu.barrier barrier_id(%barrier3A_386)
    "tpu.region"() ({
      %run_scoped3A = tpu.sem_alloc : memref<!tpu.dma_semaphore, #tpu.memory_space<semaphore_mem>>
      %dma_start3A_387 = arith.constant 0 : i32
      %dma_start3A_388 = tpu.memref_slice %arg4[%arg0, %mul3A_89, %dma_start3A_387] : memref<2x10240x16xf32, #tpu.memory_space<hbm>> -> memref<1x640x16xf32, #tpu.memory_space<hbm>>
      %dma_start3A_389 = tpu.memref_squeeze %dma_start3A_388 : memref<1x640x16xf32, #tpu.memory_space<hbm>> -> memref<640x16xf32, #tpu.memory_space<hbm>>
      %dma_start3A_390 = arith.constant 0 : i32
      %dma_start3A_391 = tpu.memref_slice %arg12[%mul3A_89, %dma_start3A_390] : memref<10240x16xf32, #tpu.memory_space<vmem_shared>> -> memref<640x16xf32, #tpu.memory_space<vmem_shared>>
      tpu.enqueue_dma source(%dma_start3A_391 : memref<640x16xf32, #tpu.memory_space<vmem_shared>>) target(%dma_start3A_389 : memref<640x16xf32, #tpu.memory_space<hbm>>) target_semaphore(%run_scoped3A : memref<!tpu.dma_semaphore, #tpu.memory_space<semaphore_mem>>)
      %dma_wait3A_392 = arith.constant 0 : i32
      %dma_wait3A_393 = tpu.memref_slice %arg4[%arg0, %mul3A_89, %dma_wait3A_392] : memref<2x10240x16xf32, #tpu.memory_space<hbm>> -> memref<1x640x16xf32, #tpu.memory_space<hbm>>
      %dma_wait3A_394 = tpu.memref_squeeze %dma_wait3A_393 : memref<1x640x16xf32, #tpu.memory_space<hbm>> -> memref<640x16xf32, #tpu.memory_space<hbm>>
      %dma_wait3A_395 = arith.constant 0 : i32
      %dma_wait3A_396 = tpu.memref_slice %arg12[%mul3A_89, %dma_wait3A_395] : memref<10240x16xf32, #tpu.memory_space<vmem_shared>> -> memref<640x16xf32, #tpu.memory_space<vmem_shared>>
      tpu.wait_dma2 semaphore(%run_scoped3A : memref<!tpu.dma_semaphore, #tpu.memory_space<semaphore_mem>>) src(%dma_wait3A_396 : memref<640x16xf32, #tpu.memory_space<vmem_shared>>) dst(%dma_wait3A_394 : memref<640x16xf32, #tpu.memory_space<hbm>>)
      tpu.yield
    }) : () -> ()
    "tpu.region"() ({
      %run_scoped3A = tpu.sem_alloc : memref<!tpu.dma_semaphore, #tpu.memory_space<semaphore_mem>>
      %dma_start3A_387 = tpu.memref_slice %arg5[%arg0, %mul3A_89] : memref<2x10240xf32, #tpu.memory_space<hbm>> -> memref<1x640xf32, #tpu.memory_space<hbm>>
      %dma_start3A_388 = tpu.memref_squeeze %dma_start3A_387 : memref<1x640xf32, #tpu.memory_space<hbm>> -> memref<640xf32, #tpu.memory_space<hbm>>
      %dma_start3A_389 = tpu.memref_slice %arg13[%mul3A_89] : memref<10240xf32, #tpu.memory_space<vmem_shared>> -> memref<640xf32, #tpu.memory_space<vmem_shared>>
      tpu.enqueue_dma source(%dma_start3A_389 : memref<640xf32, #tpu.memory_space<vmem_shared>>) target(%dma_start3A_388 : memref<640xf32, #tpu.memory_space<hbm>>) target_semaphore(%run_scoped3A : memref<!tpu.dma_semaphore, #tpu.memory_space<semaphore_mem>>)
      %dma_wait3A_390 = tpu.memref_slice %arg5[%arg0, %mul3A_89] : memref<2x10240xf32, #tpu.memory_space<hbm>> -> memref<1x640xf32, #tpu.memory_space<hbm>>
      %dma_wait3A_391 = tpu.memref_squeeze %dma_wait3A_390 : memref<1x640xf32, #tpu.memory_space<hbm>> -> memref<640xf32, #tpu.memory_space<hbm>>
      %dma_wait3A_392 = tpu.memref_slice %arg13[%mul3A_89] : memref<10240xf32, #tpu.memory_space<vmem_shared>> -> memref<640xf32, #tpu.memory_space<vmem_shared>>
      tpu.wait_dma2 semaphore(%run_scoped3A : memref<!tpu.dma_semaphore, #tpu.memory_space<semaphore_mem>>) src(%dma_wait3A_392 : memref<640xf32, #tpu.memory_space<vmem_shared>>) dst(%dma_wait3A_391 : memref<640xf32, #tpu.memory_space<hbm>>)
      tpu.yield
    }) : () -> ()
    return
  }
}

#map = affine_map<(d0, d1) -> (0, 0)>
#map1 = affine_map<(d0, d1) -> (0, 0, 0)>
module attributes {stable_mosaic.version = 14 : i64} {
  func.func @_sc_agg_body(%arg0: i32, %arg1: i32, %arg2: memref<10240x16xf32, #tpu.memory_space<hbm>>, %arg3: memref<2x2512x128xi32, #tpu.memory_space<hbm>>, %arg4: memref<2x10240x16xf32, #tpu.memory_space<hbm>>, %arg5: memref<79x128xi32, #tpu.memory_space<vmem>>, %arg6: memref<79x128xi32, #tpu.memory_space<vmem>>, %arg7: memref<8x128x16xf32, #tpu.memory_space<vmem>>, %arg8: memref<640x16xf32, #tpu.memory_space<vmem>>, %arg9: memref<10240x16xf32, #tpu.memory_space<vmem_shared>>, %arg10: memref<10240x16xf32, #tpu.memory_space<vmem_shared>>, %arg11: memref<8x!tpu.dma_semaphore, #tpu.memory_space<semaphore_mem>>, %arg12: memref<8x!tpu.dma_semaphore, #tpu.memory_space<semaphore_mem>>, %arg13: memref<!tpu.dma_semaphore, #tpu.memory_space<semaphore_mem>>) attributes {dimension_semantics = [#tpu.dimension_semantics<core_parallel>, #tpu.dimension_semantics<subcore_parallel>], iteration_bounds = array<i64: 2, 16>, scalar_prefetch = 0 : i64, scratch_operands = 9 : i64, tpu.core_type = #tpu.core_type<sc_vector_subcore>, window_params = [{transform_indices = #map}, {transform_indices = #map1}, {transform_indices = #map1}]} {
    %eq3A = arith.constant 0 : i32
    %eq3A_0 = arith.cmpi eq, %arg0, %eq3A : i32
    %mul3A = arith.constant 78 : i32
    %mul3A_1 = arith.muli %arg1, %mul3A : i32
    %mul3A_2 = arith.constant 79 : i32
    %mul3A_3 = arith.muli %arg1, %mul3A_2 : i32
    %add3A = arith.constant 1248 : i32
    %add3A_4 = arith.addi %add3A, %mul3A_3 : i32
    %select_n3A = arith.select %eq3A_0, %mul3A_1, %add3A_4 : i32
    %dma_start3A = arith.constant 0 : i32
    %dma_start3A_5 = arith.constant 0 : i32
    %dma_start3A_6 = tpu.memref_slice %arg3[%dma_start3A, %select_n3A, %dma_start3A_5] : memref<2x2512x128xi32, #tpu.memory_space<hbm>> -> memref<1x79x128xi32, #tpu.memory_space<hbm>>
    %dma_start3A_7 = tpu.memref_squeeze %dma_start3A_6 : memref<1x79x128xi32, #tpu.memory_space<hbm>> -> memref<79x128xi32, #tpu.memory_space<hbm>>
    %dma_start3A_8 = arith.constant 0 : i32
    %dma_start3A_9 = tpu.memref_slice %arg3[%dma_start3A, %select_n3A, %dma_start3A_8] : memref<2x2512x128xi32, #tpu.memory_space<hbm>> -> memref<1x79x128xi32, #tpu.memory_space<hbm>>
    %dma_start3A_10 = tpu.memref_squeeze %dma_start3A_9 : memref<1x79x128xi32, #tpu.memory_space<hbm>> -> memref<79x128xi32, #tpu.memory_space<hbm>>
    tpu.enqueue_dma source(%dma_start3A_10 : memref<79x128xi32, #tpu.memory_space<hbm>>) target(%arg5 : memref<79x128xi32, #tpu.memory_space<vmem>>) target_semaphore(%arg13 : memref<!tpu.dma_semaphore, #tpu.memory_space<semaphore_mem>>)
    %dma_wait3A = arith.constant 0 : i32
    %dma_wait3A_11 = arith.constant 0 : i32
    %dma_wait3A_12 = tpu.memref_slice %arg3[%dma_wait3A, %select_n3A, %dma_wait3A_11] : memref<2x2512x128xi32, #tpu.memory_space<hbm>> -> memref<1x79x128xi32, #tpu.memory_space<hbm>>
    %dma_wait3A_13 = tpu.memref_squeeze %dma_wait3A_12 : memref<1x79x128xi32, #tpu.memory_space<hbm>> -> memref<79x128xi32, #tpu.memory_space<hbm>>
    %dma_wait3A_14 = arith.constant 0 : i32
    %dma_wait3A_15 = tpu.memref_slice %arg3[%dma_wait3A, %select_n3A, %dma_wait3A_14] : memref<2x2512x128xi32, #tpu.memory_space<hbm>> -> memref<1x79x128xi32, #tpu.memory_space<hbm>>
    %dma_wait3A_16 = tpu.memref_squeeze %dma_wait3A_15 : memref<1x79x128xi32, #tpu.memory_space<hbm>> -> memref<79x128xi32, #tpu.memory_space<hbm>>
    tpu.wait_dma2 semaphore(%arg13 : memref<!tpu.dma_semaphore, #tpu.memory_space<semaphore_mem>>) src(%dma_wait3A_16 : memref<79x128xi32, #tpu.memory_space<hbm>>) dst(%arg5 : memref<79x128xi32, #tpu.memory_space<vmem>>)
    %dma_start3A_17 = arith.constant 1 : i32
    %dma_start3A_18 = arith.constant 0 : i32
    %dma_start3A_19 = tpu.memref_slice %arg3[%dma_start3A_17, %select_n3A, %dma_start3A_18] : memref<2x2512x128xi32, #tpu.memory_space<hbm>> -> memref<1x79x128xi32, #tpu.memory_space<hbm>>
    %dma_start3A_20 = tpu.memref_squeeze %dma_start3A_19 : memref<1x79x128xi32, #tpu.memory_space<hbm>> -> memref<79x128xi32, #tpu.memory_space<hbm>>
    %dma_start3A_21 = arith.constant 0 : i32
    %dma_start3A_22 = tpu.memref_slice %arg3[%dma_start3A_17, %select_n3A, %dma_start3A_21] : memref<2x2512x128xi32, #tpu.memory_space<hbm>> -> memref<1x79x128xi32, #tpu.memory_space<hbm>>
    %dma_start3A_23 = tpu.memref_squeeze %dma_start3A_22 : memref<1x79x128xi32, #tpu.memory_space<hbm>> -> memref<79x128xi32, #tpu.memory_space<hbm>>
    tpu.enqueue_dma source(%dma_start3A_23 : memref<79x128xi32, #tpu.memory_space<hbm>>) target(%arg6 : memref<79x128xi32, #tpu.memory_space<vmem>>) target_semaphore(%arg13 : memref<!tpu.dma_semaphore, #tpu.memory_space<semaphore_mem>>)
    %dma_wait3A_24 = arith.constant 1 : i32
    %dma_wait3A_25 = arith.constant 0 : i32
    %dma_wait3A_26 = tpu.memref_slice %arg3[%dma_wait3A_24, %select_n3A, %dma_wait3A_25] : memref<2x2512x128xi32, #tpu.memory_space<hbm>> -> memref<1x79x128xi32, #tpu.memory_space<hbm>>
    %dma_wait3A_27 = tpu.memref_squeeze %dma_wait3A_26 : memref<1x79x128xi32, #tpu.memory_space<hbm>> -> memref<79x128xi32, #tpu.memory_space<hbm>>
    %dma_wait3A_28 = arith.constant 0 : i32
    %dma_wait3A_29 = tpu.memref_slice %arg3[%dma_wait3A_24, %select_n3A, %dma_wait3A_28] : memref<2x2512x128xi32, #tpu.memory_space<hbm>> -> memref<1x79x128xi32, #tpu.memory_space<hbm>>
    %dma_wait3A_30 = tpu.memref_squeeze %dma_wait3A_29 : memref<1x79x128xi32, #tpu.memory_space<hbm>> -> memref<79x128xi32, #tpu.memory_space<hbm>>
    tpu.wait_dma2 semaphore(%arg13 : memref<!tpu.dma_semaphore, #tpu.memory_space<semaphore_mem>>) src(%dma_wait3A_30 : memref<79x128xi32, #tpu.memory_space<hbm>>) dst(%arg6 : memref<79x128xi32, #tpu.memory_space<vmem>>)
    %scan3A = arith.constant 0 : i32
    %scan3A_31 = arith.constant 0 : i32
    %scan3A_32 = arith.constant 640 : i32
    %scan3A_33 = arith.addi %scan3A_31, %scan3A_32 : i32
    %scan3A_34 = arith.constant 1 : i32
    scf.for %scan3A_263 = %scan3A_31 to %scan3A_33 step %scan3A_34  : i32 {
      %broadcast_in_dim3A = arith.constant 0.000000e+00 : f32
      %broadcast_in_dim3A_264 = vector.broadcast %broadcast_in_dim3A : f32 to vector<16xf32>
      %swap3A = arith.index_cast %scan3A_263 : i32 to index
      %swap3A_265 = arith.constant 0 : index
      %swap3A_266 = tpu.vector_load %arg8[%swap3A, %swap3A_265] {strides = array<i32>} : memref<640x16xf32, #tpu.memory_space<vmem>>, vector<1x16xf32>,
      %swap3A_267 = vector.shape_cast %swap3A_266 : vector<1x16xf32> to vector<16xf32>
      %swap3A_268 = vector.shape_cast %broadcast_in_dim3A_264 : vector<16xf32> to vector<1x16xf32>
      tpu.vector_store %arg8[%swap3A, %swap3A_265], %swap3A_268 {strides = array<i32>} : memref<640x16xf32, #tpu.memory_space<vmem>>, vector<1x16xf32>,
    }
    %scan3A_35 = arith.constant 640 : i32
    %mul3A_36 = arith.constant 640 : i32
    %mul3A_37 = arith.muli %arg1, %mul3A_36 : i32
    "tpu.region"() ({
      %run_scoped3A = tpu.sem_alloc : memref<!tpu.dma_semaphore, #tpu.memory_space<semaphore_mem>>
      %dma_start3A_263 = arith.constant 0 : i32
      %dma_start3A_264 = tpu.memref_slice %arg10[%mul3A_37, %dma_start3A_263] : memref<10240x16xf32, #tpu.memory_space<vmem_shared>> -> memref<640x16xf32, #tpu.memory_space<vmem_shared>>
      %dma_start3A_265 = arith.constant 0 : i32
      %dma_start3A_266 = tpu.memref_slice %arg2[%mul3A_37, %dma_start3A_265] : memref<10240x16xf32, #tpu.memory_space<hbm>> -> memref<640x16xf32, #tpu.memory_space<hbm>>
      tpu.enqueue_dma source(%dma_start3A_266 : memref<640x16xf32, #tpu.memory_space<hbm>>) target(%dma_start3A_264 : memref<640x16xf32, #tpu.memory_space<vmem_shared>>) target_semaphore(%run_scoped3A : memref<!tpu.dma_semaphore, #tpu.memory_space<semaphore_mem>>)
      %dma_wait3A_267 = arith.constant 0 : i32
      %dma_wait3A_268 = tpu.memref_slice %arg10[%mul3A_37, %dma_wait3A_267] : memref<10240x16xf32, #tpu.memory_space<vmem_shared>> -> memref<640x16xf32, #tpu.memory_space<vmem_shared>>
      %dma_wait3A_269 = arith.constant 0 : i32
      %dma_wait3A_270 = tpu.memref_slice %arg2[%mul3A_37, %dma_wait3A_269] : memref<10240x16xf32, #tpu.memory_space<hbm>> -> memref<640x16xf32, #tpu.memory_space<hbm>>
      tpu.wait_dma2 semaphore(%run_scoped3A : memref<!tpu.dma_semaphore, #tpu.memory_space<semaphore_mem>>) src(%dma_wait3A_270 : memref<640x16xf32, #tpu.memory_space<hbm>>) dst(%dma_wait3A_268 : memref<640x16xf32, #tpu.memory_space<vmem_shared>>)
      tpu.yield
    }) : () -> ()
    "tpu.region"() ({
      %run_scoped3A = tpu.sem_alloc : memref<!tpu.dma_semaphore, #tpu.memory_space<semaphore_mem>>
      %dma_start3A_263 = arith.constant 0 : i32
      %dma_start3A_264 = tpu.memref_slice %arg9[%mul3A_37, %dma_start3A_263] : memref<10240x16xf32, #tpu.memory_space<vmem_shared>> -> memref<640x16xf32, #tpu.memory_space<vmem_shared>>
      %dma_start3A_265 = arith.constant 0 : i32
      %dma_start3A_266 = tpu.memref_slice %arg9[%mul3A_37, %dma_start3A_265] : memref<10240x16xf32, #tpu.memory_space<vmem_shared>> -> memref<640x16xf32, #tpu.memory_space<vmem_shared>>
      tpu.enqueue_dma source(%arg8 : memref<640x16xf32, #tpu.memory_space<vmem>>) target(%dma_start3A_266 : memref<640x16xf32, #tpu.memory_space<vmem_shared>>) target_semaphore(%run_scoped3A : memref<!tpu.dma_semaphore, #tpu.memory_space<semaphore_mem>>)
      %dma_wait3A_267 = arith.constant 0 : i32
      %dma_wait3A_268 = tpu.memref_slice %arg9[%mul3A_37, %dma_wait3A_267] : memref<10240x16xf32, #tpu.memory_space<vmem_shared>> -> memref<640x16xf32, #tpu.memory_space<vmem_shared>>
      %dma_wait3A_269 = arith.constant 0 : i32
      %dma_wait3A_270 = tpu.memref_slice %arg9[%mul3A_37, %dma_wait3A_269] : memref<10240x16xf32, #tpu.memory_space<vmem_shared>> -> memref<640x16xf32, #tpu.memory_space<vmem_shared>>
      tpu.wait_dma2 semaphore(%run_scoped3A : memref<!tpu.dma_semaphore, #tpu.memory_space<semaphore_mem>>) src(%arg8 : memref<640x16xf32, #tpu.memory_space<vmem>>) dst(%dma_wait3A_270 : memref<640x16xf32, #tpu.memory_space<vmem_shared>>)
      tpu.yield
    }) : () -> ()
    %barrier3A = arith.constant 0 : index
    tpu.barrier barrier_id(%barrier3A)
    %eq3A_38 = arith.constant 0 : i32
    %eq3A_39 = arith.cmpi eq, %arg0, %eq3A_38 : i32
    %select_n3A_40 = arith.constant 79 : i32
    %select_n3A_41 = arith.constant 78 : i32
    %select_n3A_42 = arith.select %eq3A_39, %select_n3A_41, %select_n3A_40 : i32
    %dma_start3A_43 = arith.constant 0 : i32
    %dma_start3A_44 = arith.constant 0 : i32
    %dma_start3A_45 = arith.constant 0 : i32
    %dma_start3A_46 = arith.constant 0 : i32
    %dma_start3A_47 = arith.constant 0 : i32
    %dma_start3A_48 = tpu.memref_slice %arg7[%dma_start3A_44, %dma_start3A_46, %dma_start3A_47] : memref<8x128x16xf32, #tpu.memory_space<vmem>> -> memref<1x128x16xf32, #tpu.memory_space<vmem>>
    %dma_start3A_49 = tpu.memref_squeeze %dma_start3A_48 : memref<1x128x16xf32, #tpu.memory_space<vmem>> -> memref<128x16xf32, #tpu.memory_space<vmem>>
    %dma_start3A_50 = arith.constant 0 : i32
    %dma_start3A_51 = tpu.memref_slice %arg5[%dma_start3A_43, %dma_start3A_50] : memref<79x128xi32, #tpu.memory_space<vmem>> -> memref<1x128xi32, #tpu.memory_space<vmem>>
    %dma_start3A_52 = tpu.memref_squeeze %dma_start3A_51 : memref<1x128xi32, #tpu.memory_space<vmem>> -> memref<128xi32, #tpu.memory_space<vmem>>
    %dma_start3A_53 = arith.constant 0 : i32
    %dma_start3A_54 = arith.constant 0 : i32
    %dma_start3A_55 = tpu.memref_slice %arg10[%dma_start3A_53, %dma_start3A_54] : memref<10240x16xf32, #tpu.memory_space<vmem_shared>> -> memref<10240x16xf32, #tpu.memory_space<vmem_shared>>
    %dma_start3A_56 = tpu.memref_slice %arg11[%dma_start3A_45] : memref<8x!tpu.dma_semaphore, #tpu.memory_space<semaphore_mem>> -> memref<1x!tpu.dma_semaphore, #tpu.memory_space<semaphore_mem>>
    %dma_start3A_57 = tpu.memref_squeeze %dma_start3A_56 : memref<1x!tpu.dma_semaphore, #tpu.memory_space<semaphore_mem>> -> memref<!tpu.dma_semaphore, #tpu.memory_space<semaphore_mem>>
    tpu.enqueue_indirect_dma source(%dma_start3A_55 : memref<10240x16xf32, #tpu.memory_space<vmem_shared>>) target(%dma_start3A_49 : memref<128x16xf32, #tpu.memory_space<vmem>>) offsets(%dma_start3A_52 : memref<128xi32, #tpu.memory_space<vmem>>) semaphore(%dma_start3A_57 : memref<!tpu.dma_semaphore, #tpu.memory_space<semaphore_mem>>)
    %dma_start3A_58 = arith.constant 1 : i32
    %dma_start3A_59 = arith.constant 1 : i32
    %dma_start3A_60 = arith.constant 1 : i32
    %dma_start3A_61 = arith.constant 0 : i32
    %dma_start3A_62 = arith.constant 0 : i32
    %dma_start3A_63 = tpu.memref_slice %arg7[%dma_start3A_59, %dma_start3A_61, %dma_start3A_62] : memref<8x128x16xf32, #tpu.memory_space<vmem>> -> memref<1x128x16xf32, #tpu.memory_space<vmem>>
    %dma_start3A_64 = tpu.memref_squeeze %dma_start3A_63 : memref<1x128x16xf32, #tpu.memory_space<vmem>> -> memref<128x16xf32, #tpu.memory_space<vmem>>
    %dma_start3A_65 = arith.constant 0 : i32
    %dma_start3A_66 = tpu.memref_slice %arg5[%dma_start3A_58, %dma_start3A_65] : memref<79x128xi32, #tpu.memory_space<vmem>> -> memref<1x128xi32, #tpu.memory_space<vmem>>
    %dma_start3A_67 = tpu.memref_squeeze %dma_start3A_66 : memref<1x128xi32, #tpu.memory_space<vmem>> -> memref<128xi32, #tpu.memory_space<vmem>>
    %dma_start3A_68 = arith.constant 0 : i32
    %dma_start3A_69 = arith.constant 0 : i32
    %dma_start3A_70 = tpu.memref_slice %arg10[%dma_start3A_68, %dma_start3A_69] : memref<10240x16xf32, #tpu.memory_space<vmem_shared>> -> memref<10240x16xf32, #tpu.memory_space<vmem_shared>>
    %dma_start3A_71 = tpu.memref_slice %arg11[%dma_start3A_60] : memref<8x!tpu.dma_semaphore, #tpu.memory_space<semaphore_mem>> -> memref<1x!tpu.dma_semaphore, #tpu.memory_space<semaphore_mem>>
    %dma_start3A_72 = tpu.memref_squeeze %dma_start3A_71 : memref<1x!tpu.dma_semaphore, #tpu.memory_space<semaphore_mem>> -> memref<!tpu.dma_semaphore, #tpu.memory_space<semaphore_mem>>
    tpu.enqueue_indirect_dma source(%dma_start3A_70 : memref<10240x16xf32, #tpu.memory_space<vmem_shared>>) target(%dma_start3A_64 : memref<128x16xf32, #tpu.memory_space<vmem>>) offsets(%dma_start3A_67 : memref<128xi32, #tpu.memory_space<vmem>>) semaphore(%dma_start3A_72 : memref<!tpu.dma_semaphore, #tpu.memory_space<semaphore_mem>>)
    %dma_start3A_73 = arith.constant 2 : i32
    %dma_start3A_74 = arith.constant 2 : i32
    %dma_start3A_75 = arith.constant 2 : i32
    %dma_start3A_76 = arith.constant 0 : i32
    %dma_start3A_77 = arith.constant 0 : i32
    %dma_start3A_78 = tpu.memref_slice %arg7[%dma_start3A_74, %dma_start3A_76, %dma_start3A_77] : memref<8x128x16xf32, #tpu.memory_space<vmem>> -> memref<1x128x16xf32, #tpu.memory_space<vmem>>
    %dma_start3A_79 = tpu.memref_squeeze %dma_start3A_78 : memref<1x128x16xf32, #tpu.memory_space<vmem>> -> memref<128x16xf32, #tpu.memory_space<vmem>>
    %dma_start3A_80 = arith.constant 0 : i32
    %dma_start3A_81 = tpu.memref_slice %arg5[%dma_start3A_73, %dma_start3A_80] : memref<79x128xi32, #tpu.memory_space<vmem>> -> memref<1x128xi32, #tpu.memory_space<vmem>>
    %dma_start3A_82 = tpu.memref_squeeze %dma_start3A_81 : memref<1x128xi32, #tpu.memory_space<vmem>> -> memref<128xi32, #tpu.memory_space<vmem>>
    %dma_start3A_83 = arith.constant 0 : i32
    %dma_start3A_84 = arith.constant 0 : i32
    %dma_start3A_85 = tpu.memref_slice %arg10[%dma_start3A_83, %dma_start3A_84] : memref<10240x16xf32, #tpu.memory_space<vmem_shared>> -> memref<10240x16xf32, #tpu.memory_space<vmem_shared>>
    %dma_start3A_86 = tpu.memref_slice %arg11[%dma_start3A_75] : memref<8x!tpu.dma_semaphore, #tpu.memory_space<semaphore_mem>> -> memref<1x!tpu.dma_semaphore, #tpu.memory_space<semaphore_mem>>
    %dma_start3A_87 = tpu.memref_squeeze %dma_start3A_86 : memref<1x!tpu.dma_semaphore, #tpu.memory_space<semaphore_mem>> -> memref<!tpu.dma_semaphore, #tpu.memory_space<semaphore_mem>>
    tpu.enqueue_indirect_dma source(%dma_start3A_85 : memref<10240x16xf32, #tpu.memory_space<vmem_shared>>) target(%dma_start3A_79 : memref<128x16xf32, #tpu.memory_space<vmem>>) offsets(%dma_start3A_82 : memref<128xi32, #tpu.memory_space<vmem>>) semaphore(%dma_start3A_87 : memref<!tpu.dma_semaphore, #tpu.memory_space<semaphore_mem>>)
    %dma_start3A_88 = arith.constant 3 : i32
    %dma_start3A_89 = arith.constant 3 : i32
    %dma_start3A_90 = arith.constant 3 : i32
    %dma_start3A_91 = arith.constant 0 : i32
    %dma_start3A_92 = arith.constant 0 : i32
    %dma_start3A_93 = tpu.memref_slice %arg7[%dma_start3A_89, %dma_start3A_91, %dma_start3A_92] : memref<8x128x16xf32, #tpu.memory_space<vmem>> -> memref<1x128x16xf32, #tpu.memory_space<vmem>>
    %dma_start3A_94 = tpu.memref_squeeze %dma_start3A_93 : memref<1x128x16xf32, #tpu.memory_space<vmem>> -> memref<128x16xf32, #tpu.memory_space<vmem>>
    %dma_start3A_95 = arith.constant 0 : i32
    %dma_start3A_96 = tpu.memref_slice %arg5[%dma_start3A_88, %dma_start3A_95] : memref<79x128xi32, #tpu.memory_space<vmem>> -> memref<1x128xi32, #tpu.memory_space<vmem>>
    %dma_start3A_97 = tpu.memref_squeeze %dma_start3A_96 : memref<1x128xi32, #tpu.memory_space<vmem>> -> memref<128xi32, #tpu.memory_space<vmem>>
    %dma_start3A_98 = arith.constant 0 : i32
    %dma_start3A_99 = arith.constant 0 : i32
    %dma_start3A_100 = tpu.memref_slice %arg10[%dma_start3A_98, %dma_start3A_99] : memref<10240x16xf32, #tpu.memory_space<vmem_shared>> -> memref<10240x16xf32, #tpu.memory_space<vmem_shared>>
    %dma_start3A_101 = tpu.memref_slice %arg11[%dma_start3A_90] : memref<8x!tpu.dma_semaphore, #tpu.memory_space<semaphore_mem>> -> memref<1x!tpu.dma_semaphore, #tpu.memory_space<semaphore_mem>>
    %dma_start3A_102 = tpu.memref_squeeze %dma_start3A_101 : memref<1x!tpu.dma_semaphore, #tpu.memory_space<semaphore_mem>> -> memref<!tpu.dma_semaphore, #tpu.memory_space<semaphore_mem>>
    tpu.enqueue_indirect_dma source(%dma_start3A_100 : memref<10240x16xf32, #tpu.memory_space<vmem_shared>>) target(%dma_start3A_94 : memref<128x16xf32, #tpu.memory_space<vmem>>) offsets(%dma_start3A_97 : memref<128xi32, #tpu.memory_space<vmem>>) semaphore(%dma_start3A_102 : memref<!tpu.dma_semaphore, #tpu.memory_space<semaphore_mem>>)
    %dma_start3A_103 = arith.constant 4 : i32
    %dma_start3A_104 = arith.constant 4 : i32
    %dma_start3A_105 = arith.constant 4 : i32
    %dma_start3A_106 = arith.constant 0 : i32
    %dma_start3A_107 = arith.constant 0 : i32
    %dma_start3A_108 = tpu.memref_slice %arg7[%dma_start3A_104, %dma_start3A_106, %dma_start3A_107] : memref<8x128x16xf32, #tpu.memory_space<vmem>> -> memref<1x128x16xf32, #tpu.memory_space<vmem>>
    %dma_start3A_109 = tpu.memref_squeeze %dma_start3A_108 : memref<1x128x16xf32, #tpu.memory_space<vmem>> -> memref<128x16xf32, #tpu.memory_space<vmem>>
    %dma_start3A_110 = arith.constant 0 : i32
    %dma_start3A_111 = tpu.memref_slice %arg5[%dma_start3A_103, %dma_start3A_110] : memref<79x128xi32, #tpu.memory_space<vmem>> -> memref<1x128xi32, #tpu.memory_space<vmem>>
    %dma_start3A_112 = tpu.memref_squeeze %dma_start3A_111 : memref<1x128xi32, #tpu.memory_space<vmem>> -> memref<128xi32, #tpu.memory_space<vmem>>
    %dma_start3A_113 = arith.constant 0 : i32
    %dma_start3A_114 = arith.constant 0 : i32
    %dma_start3A_115 = tpu.memref_slice %arg10[%dma_start3A_113, %dma_start3A_114] : memref<10240x16xf32, #tpu.memory_space<vmem_shared>> -> memref<10240x16xf32, #tpu.memory_space<vmem_shared>>
    %dma_start3A_116 = tpu.memref_slice %arg11[%dma_start3A_105] : memref<8x!tpu.dma_semaphore, #tpu.memory_space<semaphore_mem>> -> memref<1x!tpu.dma_semaphore, #tpu.memory_space<semaphore_mem>>
    %dma_start3A_117 = tpu.memref_squeeze %dma_start3A_116 : memref<1x!tpu.dma_semaphore, #tpu.memory_space<semaphore_mem>> -> memref<!tpu.dma_semaphore, #tpu.memory_space<semaphore_mem>>
    tpu.enqueue_indirect_dma source(%dma_start3A_115 : memref<10240x16xf32, #tpu.memory_space<vmem_shared>>) target(%dma_start3A_109 : memref<128x16xf32, #tpu.memory_space<vmem>>) offsets(%dma_start3A_112 : memref<128xi32, #tpu.memory_space<vmem>>) semaphore(%dma_start3A_117 : memref<!tpu.dma_semaphore, #tpu.memory_space<semaphore_mem>>)
    %dma_start3A_118 = arith.constant 5 : i32
    %dma_start3A_119 = arith.constant 5 : i32
    %dma_start3A_120 = arith.constant 5 : i32
    %dma_start3A_121 = arith.constant 0 : i32
    %dma_start3A_122 = arith.constant 0 : i32
    %dma_start3A_123 = tpu.memref_slice %arg7[%dma_start3A_119, %dma_start3A_121, %dma_start3A_122] : memref<8x128x16xf32, #tpu.memory_space<vmem>> -> memref<1x128x16xf32, #tpu.memory_space<vmem>>
    %dma_start3A_124 = tpu.memref_squeeze %dma_start3A_123 : memref<1x128x16xf32, #tpu.memory_space<vmem>> -> memref<128x16xf32, #tpu.memory_space<vmem>>
    %dma_start3A_125 = arith.constant 0 : i32
    %dma_start3A_126 = tpu.memref_slice %arg5[%dma_start3A_118, %dma_start3A_125] : memref<79x128xi32, #tpu.memory_space<vmem>> -> memref<1x128xi32, #tpu.memory_space<vmem>>
    %dma_start3A_127 = tpu.memref_squeeze %dma_start3A_126 : memref<1x128xi32, #tpu.memory_space<vmem>> -> memref<128xi32, #tpu.memory_space<vmem>>
    %dma_start3A_128 = arith.constant 0 : i32
    %dma_start3A_129 = arith.constant 0 : i32
    %dma_start3A_130 = tpu.memref_slice %arg10[%dma_start3A_128, %dma_start3A_129] : memref<10240x16xf32, #tpu.memory_space<vmem_shared>> -> memref<10240x16xf32, #tpu.memory_space<vmem_shared>>
    %dma_start3A_131 = tpu.memref_slice %arg11[%dma_start3A_120] : memref<8x!tpu.dma_semaphore, #tpu.memory_space<semaphore_mem>> -> memref<1x!tpu.dma_semaphore, #tpu.memory_space<semaphore_mem>>
    %dma_start3A_132 = tpu.memref_squeeze %dma_start3A_131 : memref<1x!tpu.dma_semaphore, #tpu.memory_space<semaphore_mem>> -> memref<!tpu.dma_semaphore, #tpu.memory_space<semaphore_mem>>
    tpu.enqueue_indirect_dma source(%dma_start3A_130 : memref<10240x16xf32, #tpu.memory_space<vmem_shared>>) target(%dma_start3A_124 : memref<128x16xf32, #tpu.memory_space<vmem>>) offsets(%dma_start3A_127 : memref<128xi32, #tpu.memory_space<vmem>>) semaphore(%dma_start3A_132 : memref<!tpu.dma_semaphore, #tpu.memory_space<semaphore_mem>>)
    %while3A = arith.constant 0 : i32
    %while3A_133 = arith.constant 0 : i32
    %while3A_134 = arith.subi %select_n3A_42, %while3A_133 : i32
    %while3A_135 = arith.addi %while3A_133, %while3A_134 : i32
    %while3A_136 = arith.constant 1 : i32
    %while3A_137 = arith.divsi %while3A_134, %while3A_136 : i32
    %while3A_138 = arith.muli %while3A_137, %while3A_136 : i32
    %while3A_139 = arith.addi %while3A_133, %while3A_138 : i32
    %while3A_140 = arith.constant 1 : i32
    scf.for %while3A_263 = %while3A_133 to %while3A_139 step %while3A_140  : i32 {
      %rem3A = arith.constant 8 : i32
      %rem3A_264 = arith.remsi %while3A_263, %rem3A : i32
      %add3A_265 = arith.constant 6 : i32
      %add3A_266 = arith.addi %while3A_263, %add3A_265 : i32
      %rem3A_267 = arith.constant 8 : i32
      %rem3A_268 = arith.remsi %add3A_266, %rem3A_267 : i32
      %lt3A = arith.cmpi slt, %add3A_266, %select_n3A_42 : i32
      %convert_element_type3A = arith.extui %lt3A : i1 to i32
      %cond3A = arith.constant 0 : i32
      %cond3A_269 = arith.cmpi ne, %convert_element_type3A, %cond3A : i32
      scf.if %cond3A_269 {
        %ge3A = arith.constant 8 : i32
        %ge3A_295 = arith.cmpi sge, %add3A_266, %ge3A : i32
        %convert_element_type3A_296 = arith.extui %ge3A_295 : i1 to i32
        %cond3A_297 = arith.constant 0 : i32
        %cond3A_298 = arith.cmpi ne, %convert_element_type3A_296, %cond3A_297 : i32
        scf.if %cond3A_298 {
          %dma_wait3A_311 = arith.constant 0 : i32
          %dma_wait3A_312 = arith.constant 0 : i32
          %dma_wait3A_313 = arith.constant 0 : i32
          %dma_wait3A_314 = tpu.memref_slice %arg7[%rem3A_268, %dma_wait3A_312, %dma_wait3A_313] : memref<8x128x16xf32, #tpu.memory_space<vmem>> -> memref<1x128x16xf32, #tpu.memory_space<vmem>>
          %dma_wait3A_315 = tpu.memref_squeeze %dma_wait3A_314 : memref<1x128x16xf32, #tpu.memory_space<vmem>> -> memref<128x16xf32, #tpu.memory_space<vmem>>
          %dma_wait3A_316 = arith.constant 0 : i32
          %dma_wait3A_317 = tpu.memref_slice %arg6[%dma_wait3A_311, %dma_wait3A_316] : memref<79x128xi32, #tpu.memory_space<vmem>> -> memref<1x128xi32, #tpu.memory_space<vmem>>
          %dma_wait3A_318 = tpu.memref_squeeze %dma_wait3A_317 : memref<1x128xi32, #tpu.memory_space<vmem>> -> memref<128xi32, #tpu.memory_space<vmem>>
          %dma_wait3A_319 = arith.constant 0 : i32
          %dma_wait3A_320 = arith.constant 0 : i32
          %dma_wait3A_321 = tpu.memref_slice %arg9[%dma_wait3A_319, %dma_wait3A_320] : memref<10240x16xf32, #tpu.memory_space<vmem_shared>> -> memref<10240x16xf32, #tpu.memory_space<vmem_shared>>
          %dma_wait3A_322 = tpu.memref_slice %arg12[%rem3A_268] : memref<8x!tpu.dma_semaphore, #tpu.memory_space<semaphore_mem>> -> memref<1x!tpu.dma_semaphore, #tpu.memory_space<semaphore_mem>>
          %dma_wait3A_323 = tpu.memref_squeeze %dma_wait3A_322 : memref<1x!tpu.dma_semaphore, #tpu.memory_space<semaphore_mem>> -> memref<!tpu.dma_semaphore, #tpu.memory_space<semaphore_mem>>
          tpu.wait_indirect_dma semaphore(%dma_wait3A_323 : memref<!tpu.dma_semaphore, #tpu.memory_space<semaphore_mem>>) src(%dma_wait3A_315 : memref<128x16xf32, #tpu.memory_space<vmem>>) dst(%dma_wait3A_321 : memref<10240x16xf32, #tpu.memory_space<vmem_shared>>)
        } else {
        }
        %dma_start3A_299 = arith.constant 0 : i32
        %dma_start3A_300 = arith.constant 0 : i32
        %dma_start3A_301 = tpu.memref_slice %arg7[%rem3A_268, %dma_start3A_299, %dma_start3A_300] : memref<8x128x16xf32, #tpu.memory_space<vmem>> -> memref<1x128x16xf32, #tpu.memory_space<vmem>>
        %dma_start3A_302 = tpu.memref_squeeze %dma_start3A_301 : memref<1x128x16xf32, #tpu.memory_space<vmem>> -> memref<128x16xf32, #tpu.memory_space<vmem>>
        %dma_start3A_303 = arith.constant 0 : i32
        %dma_start3A_304 = tpu.memref_slice %arg5[%add3A_266, %dma_start3A_303] : memref<79x128xi32, #tpu.memory_space<vmem>> -> memref<1x128xi32, #tpu.memory_space<vmem>>
        %dma_start3A_305 = tpu.memref_squeeze %dma_start3A_304 : memref<1x128xi32, #tpu.memory_space<vmem>> -> memref<128xi32, #tpu.memory_space<vmem>>
        %dma_start3A_306 = arith.constant 0 : i32
        %dma_start3A_307 = arith.constant 0 : i32
        %dma_start3A_308 = tpu.memref_slice %arg10[%dma_start3A_306, %dma_start3A_307] : memref<10240x16xf32, #tpu.memory_space<vmem_shared>> -> memref<10240x16xf32, #tpu.memory_space<vmem_shared>>
        %dma_start3A_309 = tpu.memref_slice %arg11[%rem3A_268] : memref<8x!tpu.dma_semaphore, #tpu.memory_space<semaphore_mem>> -> memref<1x!tpu.dma_semaphore, #tpu.memory_space<semaphore_mem>>
        %dma_start3A_310 = tpu.memref_squeeze %dma_start3A_309 : memref<1x!tpu.dma_semaphore, #tpu.memory_space<semaphore_mem>> -> memref<!tpu.dma_semaphore, #tpu.memory_space<semaphore_mem>>
        tpu.enqueue_indirect_dma source(%dma_start3A_308 : memref<10240x16xf32, #tpu.memory_space<vmem_shared>>) target(%dma_start3A_302 : memref<128x16xf32, #tpu.memory_space<vmem>>) offsets(%dma_start3A_305 : memref<128xi32, #tpu.memory_space<vmem>>) semaphore(%dma_start3A_310 : memref<!tpu.dma_semaphore, #tpu.memory_space<semaphore_mem>>)
      } else {
      }
      %dma_wait3A_270 = arith.constant 0 : i32
      %dma_wait3A_271 = arith.constant 0 : i32
      %dma_wait3A_272 = arith.constant 0 : i32
      %dma_wait3A_273 = tpu.memref_slice %arg7[%rem3A_264, %dma_wait3A_271, %dma_wait3A_272] : memref<8x128x16xf32, #tpu.memory_space<vmem>> -> memref<1x128x16xf32, #tpu.memory_space<vmem>>
      %dma_wait3A_274 = tpu.memref_squeeze %dma_wait3A_273 : memref<1x128x16xf32, #tpu.memory_space<vmem>> -> memref<128x16xf32, #tpu.memory_space<vmem>>
      %dma_wait3A_275 = arith.constant 0 : i32
      %dma_wait3A_276 = tpu.memref_slice %arg5[%dma_wait3A_270, %dma_wait3A_275] : memref<79x128xi32, #tpu.memory_space<vmem>> -> memref<1x128xi32, #tpu.memory_space<vmem>>
      %dma_wait3A_277 = tpu.memref_squeeze %dma_wait3A_276 : memref<1x128xi32, #tpu.memory_space<vmem>> -> memref<128xi32, #tpu.memory_space<vmem>>
      %dma_wait3A_278 = arith.constant 0 : i32
      %dma_wait3A_279 = arith.constant 0 : i32
      %dma_wait3A_280 = tpu.memref_slice %arg10[%dma_wait3A_278, %dma_wait3A_279] : memref<10240x16xf32, #tpu.memory_space<vmem_shared>> -> memref<10240x16xf32, #tpu.memory_space<vmem_shared>>
      %dma_wait3A_281 = tpu.memref_slice %arg11[%rem3A_264] : memref<8x!tpu.dma_semaphore, #tpu.memory_space<semaphore_mem>> -> memref<1x!tpu.dma_semaphore, #tpu.memory_space<semaphore_mem>>
      %dma_wait3A_282 = tpu.memref_squeeze %dma_wait3A_281 : memref<1x!tpu.dma_semaphore, #tpu.memory_space<semaphore_mem>> -> memref<!tpu.dma_semaphore, #tpu.memory_space<semaphore_mem>>
      tpu.wait_indirect_dma semaphore(%dma_wait3A_282 : memref<!tpu.dma_semaphore, #tpu.memory_space<semaphore_mem>>) src(%dma_wait3A_280 : memref<10240x16xf32, #tpu.memory_space<vmem_shared>>) dst(%dma_wait3A_274 : memref<128x16xf32, #tpu.memory_space<vmem>>)
      %dma_start3A_283 = arith.constant 0 : i32
      %dma_start3A_284 = arith.constant 0 : i32
      %dma_start3A_285 = tpu.memref_slice %arg7[%rem3A_264, %dma_start3A_283, %dma_start3A_284] : memref<8x128x16xf32, #tpu.memory_space<vmem>> -> memref<1x128x16xf32, #tpu.memory_space<vmem>>
      %dma_start3A_286 = tpu.memref_squeeze %dma_start3A_285 : memref<1x128x16xf32, #tpu.memory_space<vmem>> -> memref<128x16xf32, #tpu.memory_space<vmem>>
      %dma_start3A_287 = arith.constant 0 : i32
      %dma_start3A_288 = tpu.memref_slice %arg6[%while3A_263, %dma_start3A_287] : memref<79x128xi32, #tpu.memory_space<vmem>> -> memref<1x128xi32, #tpu.memory_space<vmem>>
      %dma_start3A_289 = tpu.memref_squeeze %dma_start3A_288 : memref<1x128xi32, #tpu.memory_space<vmem>> -> memref<128xi32, #tpu.memory_space<vmem>>
      %dma_start3A_290 = arith.constant 0 : i32
      %dma_start3A_291 = arith.constant 0 : i32
      %dma_start3A_292 = tpu.memref_slice %arg9[%dma_start3A_290, %dma_start3A_291] : memref<10240x16xf32, #tpu.memory_space<vmem_shared>> -> memref<10240x16xf32, #tpu.memory_space<vmem_shared>>
      %dma_start3A_293 = tpu.memref_slice %arg12[%rem3A_264] : memref<8x!tpu.dma_semaphore, #tpu.memory_space<semaphore_mem>> -> memref<1x!tpu.dma_semaphore, #tpu.memory_space<semaphore_mem>>
      %dma_start3A_294 = tpu.memref_squeeze %dma_start3A_293 : memref<1x!tpu.dma_semaphore, #tpu.memory_space<semaphore_mem>> -> memref<!tpu.dma_semaphore, #tpu.memory_space<semaphore_mem>>
      tpu.enqueue_indirect_dma source(%dma_start3A_286 : memref<128x16xf32, #tpu.memory_space<vmem>>) target(%dma_start3A_292 : memref<10240x16xf32, #tpu.memory_space<vmem_shared>>) offsets(%dma_start3A_289 : memref<128xi32, #tpu.memory_space<vmem>>) semaphore(%dma_start3A_294 : memref<!tpu.dma_semaphore, #tpu.memory_space<semaphore_mem>>) {add = true}
    }
    %while3A_141 = arith.constant 1 : i32
    scf.for %while3A_263 = %while3A_139 to %while3A_135 step %while3A_141  : i32 {
      %rem3A = arith.constant 8 : i32
      %rem3A_264 = arith.remsi %while3A_263, %rem3A : i32
      %add3A_265 = arith.constant 6 : i32
      %add3A_266 = arith.addi %while3A_263, %add3A_265 : i32
      %rem3A_267 = arith.constant 8 : i32
      %rem3A_268 = arith.remsi %add3A_266, %rem3A_267 : i32
      %lt3A = arith.cmpi slt, %add3A_266, %select_n3A_42 : i32
      %convert_element_type3A = arith.extui %lt3A : i1 to i32
      %cond3A = arith.constant 0 : i32
      %cond3A_269 = arith.cmpi ne, %convert_element_type3A, %cond3A : i32
      scf.if %cond3A_269 {
        %ge3A = arith.constant 8 : i32
        %ge3A_295 = arith.cmpi sge, %add3A_266, %ge3A : i32
        %convert_element_type3A_296 = arith.extui %ge3A_295 : i1 to i32
        %cond3A_297 = arith.constant 0 : i32
        %cond3A_298 = arith.cmpi ne, %convert_element_type3A_296, %cond3A_297 : i32
        scf.if %cond3A_298 {
          %dma_wait3A_311 = arith.constant 0 : i32
          %dma_wait3A_312 = arith.constant 0 : i32
          %dma_wait3A_313 = arith.constant 0 : i32
          %dma_wait3A_314 = tpu.memref_slice %arg7[%rem3A_268, %dma_wait3A_312, %dma_wait3A_313] : memref<8x128x16xf32, #tpu.memory_space<vmem>> -> memref<1x128x16xf32, #tpu.memory_space<vmem>>
          %dma_wait3A_315 = tpu.memref_squeeze %dma_wait3A_314 : memref<1x128x16xf32, #tpu.memory_space<vmem>> -> memref<128x16xf32, #tpu.memory_space<vmem>>
          %dma_wait3A_316 = arith.constant 0 : i32
          %dma_wait3A_317 = tpu.memref_slice %arg6[%dma_wait3A_311, %dma_wait3A_316] : memref<79x128xi32, #tpu.memory_space<vmem>> -> memref<1x128xi32, #tpu.memory_space<vmem>>
          %dma_wait3A_318 = tpu.memref_squeeze %dma_wait3A_317 : memref<1x128xi32, #tpu.memory_space<vmem>> -> memref<128xi32, #tpu.memory_space<vmem>>
          %dma_wait3A_319 = arith.constant 0 : i32
          %dma_wait3A_320 = arith.constant 0 : i32
          %dma_wait3A_321 = tpu.memref_slice %arg9[%dma_wait3A_319, %dma_wait3A_320] : memref<10240x16xf32, #tpu.memory_space<vmem_shared>> -> memref<10240x16xf32, #tpu.memory_space<vmem_shared>>
          %dma_wait3A_322 = tpu.memref_slice %arg12[%rem3A_268] : memref<8x!tpu.dma_semaphore, #tpu.memory_space<semaphore_mem>> -> memref<1x!tpu.dma_semaphore, #tpu.memory_space<semaphore_mem>>
          %dma_wait3A_323 = tpu.memref_squeeze %dma_wait3A_322 : memref<1x!tpu.dma_semaphore, #tpu.memory_space<semaphore_mem>> -> memref<!tpu.dma_semaphore, #tpu.memory_space<semaphore_mem>>
          tpu.wait_indirect_dma semaphore(%dma_wait3A_323 : memref<!tpu.dma_semaphore, #tpu.memory_space<semaphore_mem>>) src(%dma_wait3A_315 : memref<128x16xf32, #tpu.memory_space<vmem>>) dst(%dma_wait3A_321 : memref<10240x16xf32, #tpu.memory_space<vmem_shared>>)
        } else {
        }
        %dma_start3A_299 = arith.constant 0 : i32
        %dma_start3A_300 = arith.constant 0 : i32
        %dma_start3A_301 = tpu.memref_slice %arg7[%rem3A_268, %dma_start3A_299, %dma_start3A_300] : memref<8x128x16xf32, #tpu.memory_space<vmem>> -> memref<1x128x16xf32, #tpu.memory_space<vmem>>
        %dma_start3A_302 = tpu.memref_squeeze %dma_start3A_301 : memref<1x128x16xf32, #tpu.memory_space<vmem>> -> memref<128x16xf32, #tpu.memory_space<vmem>>
        %dma_start3A_303 = arith.constant 0 : i32
        %dma_start3A_304 = tpu.memref_slice %arg5[%add3A_266, %dma_start3A_303] : memref<79x128xi32, #tpu.memory_space<vmem>> -> memref<1x128xi32, #tpu.memory_space<vmem>>
        %dma_start3A_305 = tpu.memref_squeeze %dma_start3A_304 : memref<1x128xi32, #tpu.memory_space<vmem>> -> memref<128xi32, #tpu.memory_space<vmem>>
        %dma_start3A_306 = arith.constant 0 : i32
        %dma_start3A_307 = arith.constant 0 : i32
        %dma_start3A_308 = tpu.memref_slice %arg10[%dma_start3A_306, %dma_start3A_307] : memref<10240x16xf32, #tpu.memory_space<vmem_shared>> -> memref<10240x16xf32, #tpu.memory_space<vmem_shared>>
        %dma_start3A_309 = tpu.memref_slice %arg11[%rem3A_268] : memref<8x!tpu.dma_semaphore, #tpu.memory_space<semaphore_mem>> -> memref<1x!tpu.dma_semaphore, #tpu.memory_space<semaphore_mem>>
        %dma_start3A_310 = tpu.memref_squeeze %dma_start3A_309 : memref<1x!tpu.dma_semaphore, #tpu.memory_space<semaphore_mem>> -> memref<!tpu.dma_semaphore, #tpu.memory_space<semaphore_mem>>
        tpu.enqueue_indirect_dma source(%dma_start3A_308 : memref<10240x16xf32, #tpu.memory_space<vmem_shared>>) target(%dma_start3A_302 : memref<128x16xf32, #tpu.memory_space<vmem>>) offsets(%dma_start3A_305 : memref<128xi32, #tpu.memory_space<vmem>>) semaphore(%dma_start3A_310 : memref<!tpu.dma_semaphore, #tpu.memory_space<semaphore_mem>>)
      } else {
      }
      %dma_wait3A_270 = arith.constant 0 : i32
      %dma_wait3A_271 = arith.constant 0 : i32
      %dma_wait3A_272 = arith.constant 0 : i32
      %dma_wait3A_273 = tpu.memref_slice %arg7[%rem3A_264, %dma_wait3A_271, %dma_wait3A_272] : memref<8x128x16xf32, #tpu.memory_space<vmem>> -> memref<1x128x16xf32, #tpu.memory_space<vmem>>
      %dma_wait3A_274 = tpu.memref_squeeze %dma_wait3A_273 : memref<1x128x16xf32, #tpu.memory_space<vmem>> -> memref<128x16xf32, #tpu.memory_space<vmem>>
      %dma_wait3A_275 = arith.constant 0 : i32
      %dma_wait3A_276 = tpu.memref_slice %arg5[%dma_wait3A_270, %dma_wait3A_275] : memref<79x128xi32, #tpu.memory_space<vmem>> -> memref<1x128xi32, #tpu.memory_space<vmem>>
      %dma_wait3A_277 = tpu.memref_squeeze %dma_wait3A_276 : memref<1x128xi32, #tpu.memory_space<vmem>> -> memref<128xi32, #tpu.memory_space<vmem>>
      %dma_wait3A_278 = arith.constant 0 : i32
      %dma_wait3A_279 = arith.constant 0 : i32
      %dma_wait3A_280 = tpu.memref_slice %arg10[%dma_wait3A_278, %dma_wait3A_279] : memref<10240x16xf32, #tpu.memory_space<vmem_shared>> -> memref<10240x16xf32, #tpu.memory_space<vmem_shared>>
      %dma_wait3A_281 = tpu.memref_slice %arg11[%rem3A_264] : memref<8x!tpu.dma_semaphore, #tpu.memory_space<semaphore_mem>> -> memref<1x!tpu.dma_semaphore, #tpu.memory_space<semaphore_mem>>
      %dma_wait3A_282 = tpu.memref_squeeze %dma_wait3A_281 : memref<1x!tpu.dma_semaphore, #tpu.memory_space<semaphore_mem>> -> memref<!tpu.dma_semaphore, #tpu.memory_space<semaphore_mem>>
      tpu.wait_indirect_dma semaphore(%dma_wait3A_282 : memref<!tpu.dma_semaphore, #tpu.memory_space<semaphore_mem>>) src(%dma_wait3A_280 : memref<10240x16xf32, #tpu.memory_space<vmem_shared>>) dst(%dma_wait3A_274 : memref<128x16xf32, #tpu.memory_space<vmem>>)
      %dma_start3A_283 = arith.constant 0 : i32
      %dma_start3A_284 = arith.constant 0 : i32
      %dma_start3A_285 = tpu.memref_slice %arg7[%rem3A_264, %dma_start3A_283, %dma_start3A_284] : memref<8x128x16xf32, #tpu.memory_space<vmem>> -> memref<1x128x16xf32, #tpu.memory_space<vmem>>
      %dma_start3A_286 = tpu.memref_squeeze %dma_start3A_285 : memref<1x128x16xf32, #tpu.memory_space<vmem>> -> memref<128x16xf32, #tpu.memory_space<vmem>>
      %dma_start3A_287 = arith.constant 0 : i32
      %dma_start3A_288 = tpu.memref_slice %arg6[%while3A_263, %dma_start3A_287] : memref<79x128xi32, #tpu.memory_space<vmem>> -> memref<1x128xi32, #tpu.memory_space<vmem>>
      %dma_start3A_289 = tpu.memref_squeeze %dma_start3A_288 : memref<1x128xi32, #tpu.memory_space<vmem>> -> memref<128xi32, #tpu.memory_space<vmem>>
      %dma_start3A_290 = arith.constant 0 : i32
      %dma_start3A_291 = arith.constant 0 : i32
      %dma_start3A_292 = tpu.memref_slice %arg9[%dma_start3A_290, %dma_start3A_291] : memref<10240x16xf32, #tpu.memory_space<vmem_shared>> -> memref<10240x16xf32, #tpu.memory_space<vmem_shared>>
      %dma_start3A_293 = tpu.memref_slice %arg12[%rem3A_264] : memref<8x!tpu.dma_semaphore, #tpu.memory_space<semaphore_mem>> -> memref<1x!tpu.dma_semaphore, #tpu.memory_space<semaphore_mem>>
      %dma_start3A_294 = tpu.memref_squeeze %dma_start3A_293 : memref<1x!tpu.dma_semaphore, #tpu.memory_space<semaphore_mem>> -> memref<!tpu.dma_semaphore, #tpu.memory_space<semaphore_mem>>
      tpu.enqueue_indirect_dma source(%dma_start3A_286 : memref<128x16xf32, #tpu.memory_space<vmem>>) target(%dma_start3A_292 : memref<10240x16xf32, #tpu.memory_space<vmem_shared>>) offsets(%dma_start3A_289 : memref<128xi32, #tpu.memory_space<vmem>>) semaphore(%dma_start3A_294 : memref<!tpu.dma_semaphore, #tpu.memory_space<semaphore_mem>>) {add = true}
    }
    %dma_wait3A_142 = arith.constant 0 : i32
    %dma_wait3A_143 = arith.constant 0 : i32
    %dma_wait3A_144 = arith.constant 0 : i32
    %dma_wait3A_145 = arith.constant 0 : i32
    %dma_wait3A_146 = arith.constant 0 : i32
    %dma_wait3A_147 = tpu.memref_slice %arg7[%dma_wait3A_142, %dma_wait3A_145, %dma_wait3A_146] : memref<8x128x16xf32, #tpu.memory_space<vmem>> -> memref<1x128x16xf32, #tpu.memory_space<vmem>>
    %dma_wait3A_148 = tpu.memref_squeeze %dma_wait3A_147 : memref<1x128x16xf32, #tpu.memory_space<vmem>> -> memref<128x16xf32, #tpu.memory_space<vmem>>
    %dma_wait3A_149 = arith.constant 0 : i32
    %dma_wait3A_150 = tpu.memref_slice %arg6[%dma_wait3A_143, %dma_wait3A_149] : memref<79x128xi32, #tpu.memory_space<vmem>> -> memref<1x128xi32, #tpu.memory_space<vmem>>
    %dma_wait3A_151 = tpu.memref_squeeze %dma_wait3A_150 : memref<1x128xi32, #tpu.memory_space<vmem>> -> memref<128xi32, #tpu.memory_space<vmem>>
    %dma_wait3A_152 = arith.constant 0 : i32
    %dma_wait3A_153 = arith.constant 0 : i32
    %dma_wait3A_154 = tpu.memref_slice %arg9[%dma_wait3A_152, %dma_wait3A_153] : memref<10240x16xf32, #tpu.memory_space<vmem_shared>> -> memref<10240x16xf32, #tpu.memory_space<vmem_shared>>
    %dma_wait3A_155 = tpu.memref_slice %arg12[%dma_wait3A_144] : memref<8x!tpu.dma_semaphore, #tpu.memory_space<semaphore_mem>> -> memref<1x!tpu.dma_semaphore, #tpu.memory_space<semaphore_mem>>
    %dma_wait3A_156 = tpu.memref_squeeze %dma_wait3A_155 : memref<1x!tpu.dma_semaphore, #tpu.memory_space<semaphore_mem>> -> memref<!tpu.dma_semaphore, #tpu.memory_space<semaphore_mem>>
    tpu.wait_indirect_dma semaphore(%dma_wait3A_156 : memref<!tpu.dma_semaphore, #tpu.memory_space<semaphore_mem>>) src(%dma_wait3A_148 : memref<128x16xf32, #tpu.memory_space<vmem>>) dst(%dma_wait3A_154 : memref<10240x16xf32, #tpu.memory_space<vmem_shared>>)
    %dma_wait3A_157 = arith.constant 1 : i32
    %dma_wait3A_158 = arith.constant 0 : i32
    %dma_wait3A_159 = arith.constant 1 : i32
    %dma_wait3A_160 = arith.constant 0 : i32
    %dma_wait3A_161 = arith.constant 0 : i32
    %dma_wait3A_162 = tpu.memref_slice %arg7[%dma_wait3A_157, %dma_wait3A_160, %dma_wait3A_161] : memref<8x128x16xf32, #tpu.memory_space<vmem>> -> memref<1x128x16xf32, #tpu.memory_space<vmem>>
    %dma_wait3A_163 = tpu.memref_squeeze %dma_wait3A_162 : memref<1x128x16xf32, #tpu.memory_space<vmem>> -> memref<128x16xf32, #tpu.memory_space<vmem>>
    %dma_wait3A_164 = arith.constant 0 : i32
    %dma_wait3A_165 = tpu.memref_slice %arg6[%dma_wait3A_158, %dma_wait3A_164] : memref<79x128xi32, #tpu.memory_space<vmem>> -> memref<1x128xi32, #tpu.memory_space<vmem>>
    %dma_wait3A_166 = tpu.memref_squeeze %dma_wait3A_165 : memref<1x128xi32, #tpu.memory_space<vmem>> -> memref<128xi32, #tpu.memory_space<vmem>>
    %dma_wait3A_167 = arith.constant 0 : i32
    %dma_wait3A_168 = arith.constant 0 : i32
    %dma_wait3A_169 = tpu.memref_slice %arg9[%dma_wait3A_167, %dma_wait3A_168] : memref<10240x16xf32, #tpu.memory_space<vmem_shared>> -> memref<10240x16xf32, #tpu.memory_space<vmem_shared>>
    %dma_wait3A_170 = tpu.memref_slice %arg12[%dma_wait3A_159] : memref<8x!tpu.dma_semaphore, #tpu.memory_space<semaphore_mem>> -> memref<1x!tpu.dma_semaphore, #tpu.memory_space<semaphore_mem>>
    %dma_wait3A_171 = tpu.memref_squeeze %dma_wait3A_170 : memref<1x!tpu.dma_semaphore, #tpu.memory_space<semaphore_mem>> -> memref<!tpu.dma_semaphore, #tpu.memory_space<semaphore_mem>>
    tpu.wait_indirect_dma semaphore(%dma_wait3A_171 : memref<!tpu.dma_semaphore, #tpu.memory_space<semaphore_mem>>) src(%dma_wait3A_163 : memref<128x16xf32, #tpu.memory_space<vmem>>) dst(%dma_wait3A_169 : memref<10240x16xf32, #tpu.memory_space<vmem_shared>>)
    %dma_wait3A_172 = arith.constant 2 : i32
    %dma_wait3A_173 = arith.constant 0 : i32
    %dma_wait3A_174 = arith.constant 2 : i32
    %dma_wait3A_175 = arith.constant 0 : i32
    %dma_wait3A_176 = arith.constant 0 : i32
    %dma_wait3A_177 = tpu.memref_slice %arg7[%dma_wait3A_172, %dma_wait3A_175, %dma_wait3A_176] : memref<8x128x16xf32, #tpu.memory_space<vmem>> -> memref<1x128x16xf32, #tpu.memory_space<vmem>>
    %dma_wait3A_178 = tpu.memref_squeeze %dma_wait3A_177 : memref<1x128x16xf32, #tpu.memory_space<vmem>> -> memref<128x16xf32, #tpu.memory_space<vmem>>
    %dma_wait3A_179 = arith.constant 0 : i32
    %dma_wait3A_180 = tpu.memref_slice %arg6[%dma_wait3A_173, %dma_wait3A_179] : memref<79x128xi32, #tpu.memory_space<vmem>> -> memref<1x128xi32, #tpu.memory_space<vmem>>
    %dma_wait3A_181 = tpu.memref_squeeze %dma_wait3A_180 : memref<1x128xi32, #tpu.memory_space<vmem>> -> memref<128xi32, #tpu.memory_space<vmem>>
    %dma_wait3A_182 = arith.constant 0 : i32
    %dma_wait3A_183 = arith.constant 0 : i32
    %dma_wait3A_184 = tpu.memref_slice %arg9[%dma_wait3A_182, %dma_wait3A_183] : memref<10240x16xf32, #tpu.memory_space<vmem_shared>> -> memref<10240x16xf32, #tpu.memory_space<vmem_shared>>
    %dma_wait3A_185 = tpu.memref_slice %arg12[%dma_wait3A_174] : memref<8x!tpu.dma_semaphore, #tpu.memory_space<semaphore_mem>> -> memref<1x!tpu.dma_semaphore, #tpu.memory_space<semaphore_mem>>
    %dma_wait3A_186 = tpu.memref_squeeze %dma_wait3A_185 : memref<1x!tpu.dma_semaphore, #tpu.memory_space<semaphore_mem>> -> memref<!tpu.dma_semaphore, #tpu.memory_space<semaphore_mem>>
    tpu.wait_indirect_dma semaphore(%dma_wait3A_186 : memref<!tpu.dma_semaphore, #tpu.memory_space<semaphore_mem>>) src(%dma_wait3A_178 : memref<128x16xf32, #tpu.memory_space<vmem>>) dst(%dma_wait3A_184 : memref<10240x16xf32, #tpu.memory_space<vmem_shared>>)
    %dma_wait3A_187 = arith.constant 3 : i32
    %dma_wait3A_188 = arith.constant 0 : i32
    %dma_wait3A_189 = arith.constant 3 : i32
    %dma_wait3A_190 = arith.constant 0 : i32
    %dma_wait3A_191 = arith.constant 0 : i32
    %dma_wait3A_192 = tpu.memref_slice %arg7[%dma_wait3A_187, %dma_wait3A_190, %dma_wait3A_191] : memref<8x128x16xf32, #tpu.memory_space<vmem>> -> memref<1x128x16xf32, #tpu.memory_space<vmem>>
    %dma_wait3A_193 = tpu.memref_squeeze %dma_wait3A_192 : memref<1x128x16xf32, #tpu.memory_space<vmem>> -> memref<128x16xf32, #tpu.memory_space<vmem>>
    %dma_wait3A_194 = arith.constant 0 : i32
    %dma_wait3A_195 = tpu.memref_slice %arg6[%dma_wait3A_188, %dma_wait3A_194] : memref<79x128xi32, #tpu.memory_space<vmem>> -> memref<1x128xi32, #tpu.memory_space<vmem>>
    %dma_wait3A_196 = tpu.memref_squeeze %dma_wait3A_195 : memref<1x128xi32, #tpu.memory_space<vmem>> -> memref<128xi32, #tpu.memory_space<vmem>>
    %dma_wait3A_197 = arith.constant 0 : i32
    %dma_wait3A_198 = arith.constant 0 : i32
    %dma_wait3A_199 = tpu.memref_slice %arg9[%dma_wait3A_197, %dma_wait3A_198] : memref<10240x16xf32, #tpu.memory_space<vmem_shared>> -> memref<10240x16xf32, #tpu.memory_space<vmem_shared>>
    %dma_wait3A_200 = tpu.memref_slice %arg12[%dma_wait3A_189] : memref<8x!tpu.dma_semaphore, #tpu.memory_space<semaphore_mem>> -> memref<1x!tpu.dma_semaphore, #tpu.memory_space<semaphore_mem>>
    %dma_wait3A_201 = tpu.memref_squeeze %dma_wait3A_200 : memref<1x!tpu.dma_semaphore, #tpu.memory_space<semaphore_mem>> -> memref<!tpu.dma_semaphore, #tpu.memory_space<semaphore_mem>>
    tpu.wait_indirect_dma semaphore(%dma_wait3A_201 : memref<!tpu.dma_semaphore, #tpu.memory_space<semaphore_mem>>) src(%dma_wait3A_193 : memref<128x16xf32, #tpu.memory_space<vmem>>) dst(%dma_wait3A_199 : memref<10240x16xf32, #tpu.memory_space<vmem_shared>>)
    %dma_wait3A_202 = arith.constant 4 : i32
    %dma_wait3A_203 = arith.constant 0 : i32
    %dma_wait3A_204 = arith.constant 4 : i32
    %dma_wait3A_205 = arith.constant 0 : i32
    %dma_wait3A_206 = arith.constant 0 : i32
    %dma_wait3A_207 = tpu.memref_slice %arg7[%dma_wait3A_202, %dma_wait3A_205, %dma_wait3A_206] : memref<8x128x16xf32, #tpu.memory_space<vmem>> -> memref<1x128x16xf32, #tpu.memory_space<vmem>>
    %dma_wait3A_208 = tpu.memref_squeeze %dma_wait3A_207 : memref<1x128x16xf32, #tpu.memory_space<vmem>> -> memref<128x16xf32, #tpu.memory_space<vmem>>
    %dma_wait3A_209 = arith.constant 0 : i32
    %dma_wait3A_210 = tpu.memref_slice %arg6[%dma_wait3A_203, %dma_wait3A_209] : memref<79x128xi32, #tpu.memory_space<vmem>> -> memref<1x128xi32, #tpu.memory_space<vmem>>
    %dma_wait3A_211 = tpu.memref_squeeze %dma_wait3A_210 : memref<1x128xi32, #tpu.memory_space<vmem>> -> memref<128xi32, #tpu.memory_space<vmem>>
    %dma_wait3A_212 = arith.constant 0 : i32
    %dma_wait3A_213 = arith.constant 0 : i32
    %dma_wait3A_214 = tpu.memref_slice %arg9[%dma_wait3A_212, %dma_wait3A_213] : memref<10240x16xf32, #tpu.memory_space<vmem_shared>> -> memref<10240x16xf32, #tpu.memory_space<vmem_shared>>
    %dma_wait3A_215 = tpu.memref_slice %arg12[%dma_wait3A_204] : memref<8x!tpu.dma_semaphore, #tpu.memory_space<semaphore_mem>> -> memref<1x!tpu.dma_semaphore, #tpu.memory_space<semaphore_mem>>
    %dma_wait3A_216 = tpu.memref_squeeze %dma_wait3A_215 : memref<1x!tpu.dma_semaphore, #tpu.memory_space<semaphore_mem>> -> memref<!tpu.dma_semaphore, #tpu.memory_space<semaphore_mem>>
    tpu.wait_indirect_dma semaphore(%dma_wait3A_216 : memref<!tpu.dma_semaphore, #tpu.memory_space<semaphore_mem>>) src(%dma_wait3A_208 : memref<128x16xf32, #tpu.memory_space<vmem>>) dst(%dma_wait3A_214 : memref<10240x16xf32, #tpu.memory_space<vmem_shared>>)
    %dma_wait3A_217 = arith.constant 5 : i32
    %dma_wait3A_218 = arith.constant 0 : i32
    %dma_wait3A_219 = arith.constant 5 : i32
    %dma_wait3A_220 = arith.constant 0 : i32
    %dma_wait3A_221 = arith.constant 0 : i32
    %dma_wait3A_222 = tpu.memref_slice %arg7[%dma_wait3A_217, %dma_wait3A_220, %dma_wait3A_221] : memref<8x128x16xf32, #tpu.memory_space<vmem>> -> memref<1x128x16xf32, #tpu.memory_space<vmem>>
    %dma_wait3A_223 = tpu.memref_squeeze %dma_wait3A_222 : memref<1x128x16xf32, #tpu.memory_space<vmem>> -> memref<128x16xf32, #tpu.memory_space<vmem>>
    %dma_wait3A_224 = arith.constant 0 : i32
    %dma_wait3A_225 = tpu.memref_slice %arg6[%dma_wait3A_218, %dma_wait3A_224] : memref<79x128xi32, #tpu.memory_space<vmem>> -> memref<1x128xi32, #tpu.memory_space<vmem>>
    %dma_wait3A_226 = tpu.memref_squeeze %dma_wait3A_225 : memref<1x128xi32, #tpu.memory_space<vmem>> -> memref<128xi32, #tpu.memory_space<vmem>>
    %dma_wait3A_227 = arith.constant 0 : i32
    %dma_wait3A_228 = arith.constant 0 : i32
    %dma_wait3A_229 = tpu.memref_slice %arg9[%dma_wait3A_227, %dma_wait3A_228] : memref<10240x16xf32, #tpu.memory_space<vmem_shared>> -> memref<10240x16xf32, #tpu.memory_space<vmem_shared>>
    %dma_wait3A_230 = tpu.memref_slice %arg12[%dma_wait3A_219] : memref<8x!tpu.dma_semaphore, #tpu.memory_space<semaphore_mem>> -> memref<1x!tpu.dma_semaphore, #tpu.memory_space<semaphore_mem>>
    %dma_wait3A_231 = tpu.memref_squeeze %dma_wait3A_230 : memref<1x!tpu.dma_semaphore, #tpu.memory_space<semaphore_mem>> -> memref<!tpu.dma_semaphore, #tpu.memory_space<semaphore_mem>>
    tpu.wait_indirect_dma semaphore(%dma_wait3A_231 : memref<!tpu.dma_semaphore, #tpu.memory_space<semaphore_mem>>) src(%dma_wait3A_223 : memref<128x16xf32, #tpu.memory_space<vmem>>) dst(%dma_wait3A_229 : memref<10240x16xf32, #tpu.memory_space<vmem_shared>>)
    %dma_wait3A_232 = arith.constant 6 : i32
    %dma_wait3A_233 = arith.constant 0 : i32
    %dma_wait3A_234 = arith.constant 6 : i32
    %dma_wait3A_235 = arith.constant 0 : i32
    %dma_wait3A_236 = arith.constant 0 : i32
    %dma_wait3A_237 = tpu.memref_slice %arg7[%dma_wait3A_232, %dma_wait3A_235, %dma_wait3A_236] : memref<8x128x16xf32, #tpu.memory_space<vmem>> -> memref<1x128x16xf32, #tpu.memory_space<vmem>>
    %dma_wait3A_238 = tpu.memref_squeeze %dma_wait3A_237 : memref<1x128x16xf32, #tpu.memory_space<vmem>> -> memref<128x16xf32, #tpu.memory_space<vmem>>
    %dma_wait3A_239 = arith.constant 0 : i32
    %dma_wait3A_240 = tpu.memref_slice %arg6[%dma_wait3A_233, %dma_wait3A_239] : memref<79x128xi32, #tpu.memory_space<vmem>> -> memref<1x128xi32, #tpu.memory_space<vmem>>
    %dma_wait3A_241 = tpu.memref_squeeze %dma_wait3A_240 : memref<1x128xi32, #tpu.memory_space<vmem>> -> memref<128xi32, #tpu.memory_space<vmem>>
    %dma_wait3A_242 = arith.constant 0 : i32
    %dma_wait3A_243 = arith.constant 0 : i32
    %dma_wait3A_244 = tpu.memref_slice %arg9[%dma_wait3A_242, %dma_wait3A_243] : memref<10240x16xf32, #tpu.memory_space<vmem_shared>> -> memref<10240x16xf32, #tpu.memory_space<vmem_shared>>
    %dma_wait3A_245 = tpu.memref_slice %arg12[%dma_wait3A_234] : memref<8x!tpu.dma_semaphore, #tpu.memory_space<semaphore_mem>> -> memref<1x!tpu.dma_semaphore, #tpu.memory_space<semaphore_mem>>
    %dma_wait3A_246 = tpu.memref_squeeze %dma_wait3A_245 : memref<1x!tpu.dma_semaphore, #tpu.memory_space<semaphore_mem>> -> memref<!tpu.dma_semaphore, #tpu.memory_space<semaphore_mem>>
    tpu.wait_indirect_dma semaphore(%dma_wait3A_246 : memref<!tpu.dma_semaphore, #tpu.memory_space<semaphore_mem>>) src(%dma_wait3A_238 : memref<128x16xf32, #tpu.memory_space<vmem>>) dst(%dma_wait3A_244 : memref<10240x16xf32, #tpu.memory_space<vmem_shared>>)
    %dma_wait3A_247 = arith.constant 7 : i32
    %dma_wait3A_248 = arith.constant 0 : i32
    %dma_wait3A_249 = arith.constant 7 : i32
    %dma_wait3A_250 = arith.constant 0 : i32
    %dma_wait3A_251 = arith.constant 0 : i32
    %dma_wait3A_252 = tpu.memref_slice %arg7[%dma_wait3A_247, %dma_wait3A_250, %dma_wait3A_251] : memref<8x128x16xf32, #tpu.memory_space<vmem>> -> memref<1x128x16xf32, #tpu.memory_space<vmem>>
    %dma_wait3A_253 = tpu.memref_squeeze %dma_wait3A_252 : memref<1x128x16xf32, #tpu.memory_space<vmem>> -> memref<128x16xf32, #tpu.memory_space<vmem>>
    %dma_wait3A_254 = arith.constant 0 : i32
    %dma_wait3A_255 = tpu.memref_slice %arg6[%dma_wait3A_248, %dma_wait3A_254] : memref<79x128xi32, #tpu.memory_space<vmem>> -> memref<1x128xi32, #tpu.memory_space<vmem>>
    %dma_wait3A_256 = tpu.memref_squeeze %dma_wait3A_255 : memref<1x128xi32, #tpu.memory_space<vmem>> -> memref<128xi32, #tpu.memory_space<vmem>>
    %dma_wait3A_257 = arith.constant 0 : i32
    %dma_wait3A_258 = arith.constant 0 : i32
    %dma_wait3A_259 = tpu.memref_slice %arg9[%dma_wait3A_257, %dma_wait3A_258] : memref<10240x16xf32, #tpu.memory_space<vmem_shared>> -> memref<10240x16xf32, #tpu.memory_space<vmem_shared>>
    %dma_wait3A_260 = tpu.memref_slice %arg12[%dma_wait3A_249] : memref<8x!tpu.dma_semaphore, #tpu.memory_space<semaphore_mem>> -> memref<1x!tpu.dma_semaphore, #tpu.memory_space<semaphore_mem>>
    %dma_wait3A_261 = tpu.memref_squeeze %dma_wait3A_260 : memref<1x!tpu.dma_semaphore, #tpu.memory_space<semaphore_mem>> -> memref<!tpu.dma_semaphore, #tpu.memory_space<semaphore_mem>>
    tpu.wait_indirect_dma semaphore(%dma_wait3A_261 : memref<!tpu.dma_semaphore, #tpu.memory_space<semaphore_mem>>) src(%dma_wait3A_253 : memref<128x16xf32, #tpu.memory_space<vmem>>) dst(%dma_wait3A_259 : memref<10240x16xf32, #tpu.memory_space<vmem_shared>>)
    %barrier3A_262 = arith.constant 0 : index
    tpu.barrier barrier_id(%barrier3A_262)
    "tpu.region"() ({
      %run_scoped3A = tpu.sem_alloc : memref<!tpu.dma_semaphore, #tpu.memory_space<semaphore_mem>>
      %dma_start3A_263 = arith.constant 0 : i32
      %dma_start3A_264 = tpu.memref_slice %arg4[%arg0, %mul3A_37, %dma_start3A_263] : memref<2x10240x16xf32, #tpu.memory_space<hbm>> -> memref<1x640x16xf32, #tpu.memory_space<hbm>>
      %dma_start3A_265 = tpu.memref_squeeze %dma_start3A_264 : memref<1x640x16xf32, #tpu.memory_space<hbm>> -> memref<640x16xf32, #tpu.memory_space<hbm>>
      %dma_start3A_266 = arith.constant 0 : i32
      %dma_start3A_267 = tpu.memref_slice %arg9[%mul3A_37, %dma_start3A_266] : memref<10240x16xf32, #tpu.memory_space<vmem_shared>> -> memref<640x16xf32, #tpu.memory_space<vmem_shared>>
      tpu.enqueue_dma source(%dma_start3A_267 : memref<640x16xf32, #tpu.memory_space<vmem_shared>>) target(%dma_start3A_265 : memref<640x16xf32, #tpu.memory_space<hbm>>) target_semaphore(%run_scoped3A : memref<!tpu.dma_semaphore, #tpu.memory_space<semaphore_mem>>)
      %dma_wait3A_268 = arith.constant 0 : i32
      %dma_wait3A_269 = tpu.memref_slice %arg4[%arg0, %mul3A_37, %dma_wait3A_268] : memref<2x10240x16xf32, #tpu.memory_space<hbm>> -> memref<1x640x16xf32, #tpu.memory_space<hbm>>
      %dma_wait3A_270 = tpu.memref_squeeze %dma_wait3A_269 : memref<1x640x16xf32, #tpu.memory_space<hbm>> -> memref<640x16xf32, #tpu.memory_space<hbm>>
      %dma_wait3A_271 = arith.constant 0 : i32
      %dma_wait3A_272 = tpu.memref_slice %arg9[%mul3A_37, %dma_wait3A_271] : memref<10240x16xf32, #tpu.memory_space<vmem_shared>> -> memref<640x16xf32, #tpu.memory_space<vmem_shared>>
      tpu.wait_dma2 semaphore(%run_scoped3A : memref<!tpu.dma_semaphore, #tpu.memory_space<semaphore_mem>>) src(%dma_wait3A_272 : memref<640x16xf32, #tpu.memory_space<vmem_shared>>) dst(%dma_wait3A_270 : memref<640x16xf32, #tpu.memory_space<hbm>>)
      tpu.yield
    }) : () -> ()
    return
  }
}

module attributes {stable_mosaic.version = 14 : i64} {
  func.func @_tc1_body(%arg0: i32, %arg1: memref<2000x128xf32, #tpu.memory_space<vmem>>, %arg2: memref<128x16xf32, #tpu.memory_space<vmem>>, %arg3: memref<1x16xf32, #tpu.memory_space<vmem>>, %arg4: memref<2000x16xf32, #tpu.memory_space<vmem>>) attributes {dimension_semantics = [#tpu.dimension_semantics<arbitrary>], iteration_bounds = array<i64: 5>, scalar_prefetch = 0 : i64, scratch_operands = 0 : i64, tpu.core_type = #tpu.core_type<tc>, window_params = [{transform_indices = @transform_0, window_bounds = array<i64: 2000, 128>}, {pipeline_mode = #tpu.pipeline_mode<synchronous>, transform_indices = @transform_1, window_bounds = array<i64: 128, 16>}, {pipeline_mode = #tpu.pipeline_mode<synchronous>, transform_indices = @transform_2, window_bounds = array<i64: 1, 16>}, {transform_indices = @transform_3, window_bounds = array<i64: 2000, 16>}]} {
    %get3A = arith.constant 0 : index
    %get3A_0 = arith.constant 0 : index
    %get3A_1 = vector.load %arg1[%get3A, %get3A_0] : memref<2000x128xf32, #tpu.memory_space<vmem>>, vector<2000x128xf32>
    %get3A_2 = arith.constant 0 : index
    %get3A_3 = arith.constant 0 : index
    %get3A_4 = vector.load %arg2[%get3A_2, %get3A_3] : memref<128x16xf32, #tpu.memory_space<vmem>>, vector<128x16xf32>
    %dot_general3A = arith.constant dense<0.000000e+00> : vector<2000x16xf32>
    %dot_general3A_5 = tpu.matmul %get3A_1, %get3A_4, %dot_general3A {dimension_numbers = #tpu.dot_dimension_numbers<[1], [0], [0], [1], [0, 0, 1, 1], [], []>, transpose_lhs_hint = false} : vector<2000x128xf32>, vector<128x16xf32>, vector<2000x16xf32> -> vector<2000x16xf32>
    %get3A_6 = arith.constant 0 : index
    %get3A_7 = arith.constant 0 : index
    %get3A_8 = vector.load %arg3[%get3A_6, %get3A_7] : memref<1x16xf32, #tpu.memory_space<vmem>>, vector<1x16xf32>
    %add3A = vector.broadcast %get3A_8 : vector<1x16xf32> to vector<2000x16xf32>
    %add3A_9 = arith.addf %dot_general3A_5, %add3A : vector<2000x16xf32>
    %max3A = arith.constant 0.000000e+00 : f32
    %max3A_10 = vector.broadcast %max3A : f32 to vector<2000x16xf32>
    %max3A_11 = arith.maximumf %add3A_9, %max3A_10 : vector<2000x16xf32>
    %swap3A = arith.constant 0 : index
    %swap3A_12 = arith.constant 0 : index
    %swap3A_13 = vector.load %arg4[%swap3A, %swap3A_12] : memref<2000x16xf32, #tpu.memory_space<vmem>>, vector<2000x16xf32>
    tpu.vector_store %arg4[%swap3A, %swap3A_12], %max3A_11 {strides = array<i32>} : memref<2000x16xf32, #tpu.memory_space<vmem>>, vector<2000x16xf32>,
    return
  }
  func.func @transform_0(%arg0: i32) -> (i32, i32) {
    %c0_i32 = arith.constant 0 : i32
    %c0_i32_0 = arith.constant 0 : i32
    return %arg0, %c0_i32 : i32, i32
  }
  func.func @transform_1(%arg0: i32) -> (i32, i32) {
    %c0_i32 = arith.constant 0 : i32
    %c0_i32_0 = arith.constant 0 : i32
    %c0_i32_1 = arith.constant 0 : i32
    return %c0_i32, %c0_i32_0 : i32, i32
  }
  func.func @transform_2(%arg0: i32) -> (i32, i32) {
    %c0_i32 = arith.constant 0 : i32
    %c0_i32_0 = arith.constant 0 : i32
    %c0_i32_1 = arith.constant 0 : i32
    return %c0_i32, %c0_i32_0 : i32, i32
  }
  func.func @transform_3(%arg0: i32) -> (i32, i32) {
    %c0_i32 = arith.constant 0 : i32
    %c0_i32_0 = arith.constant 0 : i32
    return %arg0, %c0_i32 : i32, i32
  }
}

module attributes {stable_mosaic.version = 14 : i64} {
  func.func @_tc2_body(%arg0: i32, %arg1: memref<2x2048x16xf32, #tpu.memory_space<vmem>>, %arg2: memref<2x2048xf32, #tpu.memory_space<vmem>>, %arg3: memref<2048x16xf32, #tpu.memory_space<vmem>>, %arg4: memref<16x16xf32, #tpu.memory_space<vmem>>, %arg5: memref<1x16xf32, #tpu.memory_space<vmem>>, %arg6: memref<16x16xf32, #tpu.memory_space<vmem>>, %arg7: memref<2048x16xf32, #tpu.memory_space<vmem>>) attributes {dimension_semantics = [#tpu.dimension_semantics<arbitrary>], iteration_bounds = array<i64: 5>, scalar_prefetch = 0 : i64, scratch_operands = 0 : i64, tpu.core_type = #tpu.core_type<tc>, window_params = [{transform_indices = @transform_0, window_bounds = array<i64: 2, 2048, 16>}, {transform_indices = @transform_1, window_bounds = array<i64: 2, 2048>}, {transform_indices = @transform_2, window_bounds = array<i64: 2048, 16>}, {pipeline_mode = #tpu.pipeline_mode<synchronous>, transform_indices = @transform_3, window_bounds = array<i64: 16, 16>}, {pipeline_mode = #tpu.pipeline_mode<synchronous>, transform_indices = @transform_4, window_bounds = array<i64: 1, 16>}, {pipeline_mode = #tpu.pipeline_mode<synchronous>, transform_indices = @transform_5, window_bounds = array<i64: 16, 16>}, {transform_indices = @transform_6, window_bounds = array<i64: 2048, 16>}]} {
    %get3A = arith.constant 0 : index
    %get3A_0 = arith.constant 0 : index
    %get3A_1 = arith.constant 0 : index
    %get3A_2 = vector.load %arg1[%get3A, %get3A_0, %get3A_1] : memref<2x2048x16xf32, #tpu.memory_space<vmem>>, vector<1x2048x16xf32>
    %get3A_3 = vector.shape_cast %get3A_2 : vector<1x2048x16xf32> to vector<2048x16xf32>
    %get3A_4 = arith.constant 1 : index
    %get3A_5 = arith.constant 0 : index
    %get3A_6 = arith.constant 0 : index
    %get3A_7 = vector.load %arg1[%get3A_4, %get3A_5, %get3A_6] : memref<2x2048x16xf32, #tpu.memory_space<vmem>>, vector<1x2048x16xf32>
    %get3A_8 = vector.shape_cast %get3A_7 : vector<1x2048x16xf32> to vector<2048x16xf32>
    %add3A = arith.addf %get3A_3, %get3A_8 : vector<2048x16xf32>
    %get3A_9 = arith.constant 0 : index
    %get3A_10 = arith.constant 0 : index
    %get3A_11 = vector.load %arg2[%get3A_9, %get3A_10] : memref<2x2048xf32, #tpu.memory_space<vmem>>, vector<1x2048xf32>
    %get3A_12 = vector.shape_cast %get3A_11 : vector<1x2048xf32> to vector<2048xf32>
    %get3A_13 = arith.constant 1 : index
    %get3A_14 = arith.constant 0 : index
    %get3A_15 = vector.load %arg2[%get3A_13, %get3A_14] : memref<2x2048xf32, #tpu.memory_space<vmem>>, vector<1x2048xf32>
    %get3A_16 = vector.shape_cast %get3A_15 : vector<1x2048xf32> to vector<2048xf32>
    %add3A_17 = arith.addf %get3A_12, %get3A_16 : vector<2048xf32>
    %max3A = arith.constant 1.000000e+00 : f32
    %max3A_18 = vector.broadcast %max3A : f32 to vector<2048xf32>
    %max3A_19 = arith.maximumf %add3A_17, %max3A_18 : vector<2048xf32>
    %reshape3A = vector.shape_cast %max3A_19 : vector<2048xf32> to vector<2048x1xf32>
    %div3A = vector.broadcast %reshape3A : vector<2048x1xf32> to vector<2048x16xf32>
    %div3A_20 = arith.divf %add3A, %div3A : vector<2048x16xf32>
    %get3A_21 = arith.constant 0 : index
    %get3A_22 = arith.constant 0 : index
    %get3A_23 = vector.load %arg4[%get3A_21, %get3A_22] : memref<16x16xf32, #tpu.memory_space<vmem>>, vector<16x16xf32>
    %dot_general3A = arith.constant dense<0.000000e+00> : vector<2048x16xf32>
    %dot_general3A_24 = tpu.matmul %div3A_20, %get3A_23, %dot_general3A {dimension_numbers = #tpu.dot_dimension_numbers<[1], [0], [0], [1], [0, 0, 1, 1], [], []>, transpose_lhs_hint = false} : vector<2048x16xf32>, vector<16x16xf32>, vector<2048x16xf32> -> vector<2048x16xf32>
    %get3A_25 = arith.constant 0 : index
    %get3A_26 = arith.constant 0 : index
    %get3A_27 = vector.load %arg5[%get3A_25, %get3A_26] : memref<1x16xf32, #tpu.memory_space<vmem>>, vector<1x16xf32>
    %add3A_28 = vector.broadcast %get3A_27 : vector<1x16xf32> to vector<2048x16xf32>
    %add3A_29 = arith.addf %dot_general3A_24, %add3A_28 : vector<2048x16xf32>
    %get3A_30 = arith.constant 0 : index
    %get3A_31 = arith.constant 0 : index
    %get3A_32 = vector.load %arg3[%get3A_30, %get3A_31] : memref<2048x16xf32, #tpu.memory_space<vmem>>, vector<2048x16xf32>
    %get3A_33 = arith.constant 0 : index
    %get3A_34 = arith.constant 0 : index
    %get3A_35 = vector.load %arg6[%get3A_33, %get3A_34] : memref<16x16xf32, #tpu.memory_space<vmem>>, vector<16x16xf32>
    %dot_general3A_36 = arith.constant dense<0.000000e+00> : vector<2048x16xf32>
    %dot_general3A_37 = tpu.matmul %get3A_32, %get3A_35, %dot_general3A_36 {dimension_numbers = #tpu.dot_dimension_numbers<[1], [0], [0], [1], [0, 0, 1, 1], [], []>, transpose_lhs_hint = false} : vector<2048x16xf32>, vector<16x16xf32>, vector<2048x16xf32> -> vector<2048x16xf32>
    %add3A_38 = arith.addf %add3A_29, %dot_general3A_37 : vector<2048x16xf32>
    %swap3A = arith.constant 0 : index
    %swap3A_39 = arith.constant 0 : index
    %swap3A_40 = vector.load %arg7[%swap3A, %swap3A_39] : memref<2048x16xf32, #tpu.memory_space<vmem>>, vector<2048x16xf32>
    tpu.vector_store %arg7[%swap3A, %swap3A_39], %add3A_38 {strides = array<i32>} : memref<2048x16xf32, #tpu.memory_space<vmem>>, vector<2048x16xf32>,
    return
  }
  func.func @transform_0(%arg0: i32) -> (i32, i32, i32) {
    %c0_i32 = arith.constant 0 : i32
    %c0_i32_0 = arith.constant 0 : i32
    %c0_i32_1 = arith.constant 0 : i32
    return %c0_i32, %arg0, %c0_i32_0 : i32, i32, i32
  }
  func.func @transform_1(%arg0: i32) -> (i32, i32) {
    %c0_i32 = arith.constant 0 : i32
    %c0_i32_0 = arith.constant 0 : i32
    return %c0_i32, %arg0 : i32, i32
  }
  func.func @transform_2(%arg0: i32) -> (i32, i32) {
    %c0_i32 = arith.constant 0 : i32
    %c0_i32_0 = arith.constant 0 : i32
    return %arg0, %c0_i32 : i32, i32
  }
  func.func @transform_3(%arg0: i32) -> (i32, i32) {
    %c0_i32 = arith.constant 0 : i32
    %c0_i32_0 = arith.constant 0 : i32
    %c0_i32_1 = arith.constant 0 : i32
    return %c0_i32, %c0_i32_0 : i32, i32
  }
  func.func @transform_4(%arg0: i32) -> (i32, i32) {
    %c0_i32 = arith.constant 0 : i32
    %c0_i32_0 = arith.constant 0 : i32
    %c0_i32_1 = arith.constant 0 : i32
    return %c0_i32, %c0_i32_0 : i32, i32
  }
  func.func @transform_5(%arg0: i32) -> (i32, i32) {
    %c0_i32 = arith.constant 0 : i32
    %c0_i32_0 = arith.constant 0 : i32
    %c0_i32_1 = arith.constant 0 : i32
    return %c0_i32, %c0_i32_0 : i32, i32
  }
  func.func @transform_6(%arg0: i32) -> (i32, i32) {
    %c0_i32 = arith.constant 0 : i32
    %c0_i32_0 = arith.constant 0 : i32
    return %arg0, %c0_i32 : i32, i32
  }
}

module attributes {stable_mosaic.version = 14 : i64} {
  func.func @_tc3_body(%arg0: i32, %arg1: memref<2x2048x16xf32, #tpu.memory_space<vmem>>, %arg2: memref<2x2048xf32, #tpu.memory_space<vmem>>, %arg3: memref<2048x16xf32, #tpu.memory_space<vmem>>, %arg4: memref<16x16xf32, #tpu.memory_space<vmem>>, %arg5: memref<1x16xf32, #tpu.memory_space<vmem>>, %arg6: memref<16x16xf32, #tpu.memory_space<vmem>>, %arg7: memref<16x8xf32, #tpu.memory_space<vmem>>, %arg8: memref<1x8xf32, #tpu.memory_space<vmem>>, %arg9: memref<2048x8xf32, #tpu.memory_space<vmem>>) attributes {dimension_semantics = [#tpu.dimension_semantics<arbitrary>], iteration_bounds = array<i64: 5>, scalar_prefetch = 0 : i64, scratch_operands = 0 : i64, tpu.core_type = #tpu.core_type<tc>, window_params = [{transform_indices = @transform_0, window_bounds = array<i64: 2, 2048, 16>}, {transform_indices = @transform_1, window_bounds = array<i64: 2, 2048>}, {transform_indices = @transform_2, window_bounds = array<i64: 2048, 16>}, {pipeline_mode = #tpu.pipeline_mode<synchronous>, transform_indices = @transform_3, window_bounds = array<i64: 16, 16>}, {pipeline_mode = #tpu.pipeline_mode<synchronous>, transform_indices = @transform_4, window_bounds = array<i64: 1, 16>}, {pipeline_mode = #tpu.pipeline_mode<synchronous>, transform_indices = @transform_5, window_bounds = array<i64: 16, 16>}, {pipeline_mode = #tpu.pipeline_mode<synchronous>, transform_indices = @transform_6, window_bounds = array<i64: 16, 8>}, {pipeline_mode = #tpu.pipeline_mode<synchronous>, transform_indices = @transform_7, window_bounds = array<i64: 1, 8>}, {transform_indices = @transform_8, window_bounds = array<i64: 2048, 8>}]} {
    %get3A = arith.constant 0 : index
    %get3A_0 = arith.constant 0 : index
    %get3A_1 = arith.constant 0 : index
    %get3A_2 = vector.load %arg1[%get3A, %get3A_0, %get3A_1] : memref<2x2048x16xf32, #tpu.memory_space<vmem>>, vector<1x2048x16xf32>
    %get3A_3 = vector.shape_cast %get3A_2 : vector<1x2048x16xf32> to vector<2048x16xf32>
    %get3A_4 = arith.constant 1 : index
    %get3A_5 = arith.constant 0 : index
    %get3A_6 = arith.constant 0 : index
    %get3A_7 = vector.load %arg1[%get3A_4, %get3A_5, %get3A_6] : memref<2x2048x16xf32, #tpu.memory_space<vmem>>, vector<1x2048x16xf32>
    %get3A_8 = vector.shape_cast %get3A_7 : vector<1x2048x16xf32> to vector<2048x16xf32>
    %add3A = arith.addf %get3A_3, %get3A_8 : vector<2048x16xf32>
    %get3A_9 = arith.constant 0 : index
    %get3A_10 = arith.constant 0 : index
    %get3A_11 = vector.load %arg2[%get3A_9, %get3A_10] : memref<2x2048xf32, #tpu.memory_space<vmem>>, vector<1x2048xf32>
    %get3A_12 = vector.shape_cast %get3A_11 : vector<1x2048xf32> to vector<2048xf32>
    %get3A_13 = arith.constant 1 : index
    %get3A_14 = arith.constant 0 : index
    %get3A_15 = vector.load %arg2[%get3A_13, %get3A_14] : memref<2x2048xf32, #tpu.memory_space<vmem>>, vector<1x2048xf32>
    %get3A_16 = vector.shape_cast %get3A_15 : vector<1x2048xf32> to vector<2048xf32>
    %add3A_17 = arith.addf %get3A_12, %get3A_16 : vector<2048xf32>
    %max3A = arith.constant 1.000000e+00 : f32
    %max3A_18 = vector.broadcast %max3A : f32 to vector<2048xf32>
    %max3A_19 = arith.maximumf %add3A_17, %max3A_18 : vector<2048xf32>
    %reshape3A = vector.shape_cast %max3A_19 : vector<2048xf32> to vector<2048x1xf32>
    %div3A = vector.broadcast %reshape3A : vector<2048x1xf32> to vector<2048x16xf32>
    %div3A_20 = arith.divf %add3A, %div3A : vector<2048x16xf32>
    %get3A_21 = arith.constant 0 : index
    %get3A_22 = arith.constant 0 : index
    %get3A_23 = vector.load %arg4[%get3A_21, %get3A_22] : memref<16x16xf32, #tpu.memory_space<vmem>>, vector<16x16xf32>
    %dot_general3A = arith.constant dense<0.000000e+00> : vector<2048x16xf32>
    %dot_general3A_24 = tpu.matmul %div3A_20, %get3A_23, %dot_general3A {dimension_numbers = #tpu.dot_dimension_numbers<[1], [0], [0], [1], [0, 0, 1, 1], [], []>, transpose_lhs_hint = false} : vector<2048x16xf32>, vector<16x16xf32>, vector<2048x16xf32> -> vector<2048x16xf32>
    %get3A_25 = arith.constant 0 : index
    %get3A_26 = arith.constant 0 : index
    %get3A_27 = vector.load %arg5[%get3A_25, %get3A_26] : memref<1x16xf32, #tpu.memory_space<vmem>>, vector<1x16xf32>
    %add3A_28 = vector.broadcast %get3A_27 : vector<1x16xf32> to vector<2048x16xf32>
    %add3A_29 = arith.addf %dot_general3A_24, %add3A_28 : vector<2048x16xf32>
    %get3A_30 = arith.constant 0 : index
    %get3A_31 = arith.constant 0 : index
    %get3A_32 = vector.load %arg3[%get3A_30, %get3A_31] : memref<2048x16xf32, #tpu.memory_space<vmem>>, vector<2048x16xf32>
    %get3A_33 = arith.constant 0 : index
    %get3A_34 = arith.constant 0 : index
    %get3A_35 = vector.load %arg6[%get3A_33, %get3A_34] : memref<16x16xf32, #tpu.memory_space<vmem>>, vector<16x16xf32>
    %dot_general3A_36 = arith.constant dense<0.000000e+00> : vector<2048x16xf32>
    %dot_general3A_37 = tpu.matmul %get3A_32, %get3A_35, %dot_general3A_36 {dimension_numbers = #tpu.dot_dimension_numbers<[1], [0], [0], [1], [0, 0, 1, 1], [], []>, transpose_lhs_hint = false} : vector<2048x16xf32>, vector<16x16xf32>, vector<2048x16xf32> -> vector<2048x16xf32>
    %add3A_38 = arith.addf %add3A_29, %dot_general3A_37 : vector<2048x16xf32>
    %get3A_39 = arith.constant 0 : index
    %get3A_40 = arith.constant 0 : index
    %get3A_41 = vector.load %arg7[%get3A_39, %get3A_40] : memref<16x8xf32, #tpu.memory_space<vmem>>, vector<16x8xf32>
    %dot_general3A_42 = arith.constant dense<0.000000e+00> : vector<2048x8xf32>
    %dot_general3A_43 = tpu.matmul %add3A_38, %get3A_41, %dot_general3A_42 {dimension_numbers = #tpu.dot_dimension_numbers<[1], [0], [0], [1], [0, 0, 1, 1], [], []>, transpose_lhs_hint = false} : vector<2048x16xf32>, vector<16x8xf32>, vector<2048x8xf32> -> vector<2048x8xf32>
    %get3A_44 = arith.constant 0 : index
    %get3A_45 = arith.constant 0 : index
    %get3A_46 = vector.load %arg8[%get3A_44, %get3A_45] : memref<1x8xf32, #tpu.memory_space<vmem>>, vector<1x8xf32>
    %add3A_47 = vector.broadcast %get3A_46 : vector<1x8xf32> to vector<2048x8xf32>
    %add3A_48 = arith.addf %dot_general3A_43, %add3A_47 : vector<2048x8xf32>
    %swap3A = arith.constant 0 : index
    %swap3A_49 = arith.constant 0 : index
    %swap3A_50 = vector.load %arg9[%swap3A, %swap3A_49] : memref<2048x8xf32, #tpu.memory_space<vmem>>, vector<2048x8xf32>
    tpu.vector_store %arg9[%swap3A, %swap3A_49], %add3A_48 {strides = array<i32>} : memref<2048x8xf32, #tpu.memory_space<vmem>>, vector<2048x8xf32>,
    return
  }
  func.func @transform_0(%arg0: i32) -> (i32, i32, i32) {
    %c0_i32 = arith.constant 0 : i32
    %c0_i32_0 = arith.constant 0 : i32
    %c0_i32_1 = arith.constant 0 : i32
    return %c0_i32, %arg0, %c0_i32_0 : i32, i32, i32
  }
  func.func @transform_1(%arg0: i32) -> (i32, i32) {
    %c0_i32 = arith.constant 0 : i32
    %c0_i32_0 = arith.constant 0 : i32
    return %c0_i32, %arg0 : i32, i32
  }
  func.func @transform_2(%arg0: i32) -> (i32, i32) {
    %c0_i32 = arith.constant 0 : i32
    %c0_i32_0 = arith.constant 0 : i32
    return %arg0, %c0_i32 : i32, i32
  }
  func.func @transform_3(%arg0: i32) -> (i32, i32) {
    %c0_i32 = arith.constant 0 : i32
    %c0_i32_0 = arith.constant 0 : i32
    %c0_i32_1 = arith.constant 0 : i32
    return %c0_i32, %c0_i32_0 : i32, i32
  }
  func.func @transform_4(%arg0: i32) -> (i32, i32) {
    %c0_i32 = arith.constant 0 : i32
    %c0_i32_0 = arith.constant 0 : i32
    %c0_i32_1 = arith.constant 0 : i32
    return %c0_i32, %c0_i32_0 : i32, i32
  }
  func.func @transform_5(%arg0: i32) -> (i32, i32) {
    %c0_i32 = arith.constant 0 : i32
    %c0_i32_0 = arith.constant 0 : i32
    %c0_i32_1 = arith.constant 0 : i32
    return %c0_i32, %c0_i32_0 : i32, i32
  }
  func.func @transform_6(%arg0: i32) -> (i32, i32) {
    %c0_i32 = arith.constant 0 : i32
    %c0_i32_0 = arith.constant 0 : i32
    %c0_i32_1 = arith.constant 0 : i32
    return %c0_i32, %c0_i32_0 : i32, i32
  }
  func.func @transform_7(%arg0: i32) -> (i32, i32) {
    %c0_i32 = arith.constant 0 : i32
    %c0_i32_0 = arith.constant 0 : i32
    %c0_i32_1 = arith.constant 0 : i32
    return %c0_i32, %c0_i32_0 : i32, i32
  }
  func.func @transform_8(%arg0: i32) -> (i32, i32) {
    %c0_i32 = arith.constant 0 : i32
    %c0_i32_0 = arith.constant 0 : i32
    return %arg0, %c0_i32 : i32, i32
  }
}

</mosaic_0001>

<sc_bundles>
// kernel: kernel.10.cloned.1.call-start
scs
__scs_entry_jumppad:
0x0: {  	(pc) =	sbr.rel $0x88, $3  }
0x1: {  	(tag) =	ssettag $0x0;
	lr =	simm.s32 $0x1  }
0x2: {  	[smem:$0x3F95] =	sst lr;
	_ =	strace $0xD0000000  }
0x3: {  	_ = 	snop  }
0x4: {  	_ = 	snop  }
0x5: {  	_ = 	snop  }
0x6: {  	_ = 	snop  }
0x7: {  	_ = 	snop  }
__scs_overlays_trampoline_lowered:
0x8: {  	[smem:$0x3FA4] =	sst s0  }
0x9: {  	[smem:$0x3FA5] =	sst s1  }
0xa: {  	[smem:$0x3FA6] =	sst s2  }
0xb: {  	[smem:$0x3FA7] =	sst s3  }
0xc: {  	[smem:$0x3FA8] =	sst s4  }
0xd: {  	[smem:$0x3FA9] =	sst s5  }
0xe: {  	[smem:$0x3FAA] =	sst s6  }
0xf: {  	[smem:$0x3FAB] =	sst s7  }
0x10: {  	[smem:$0x3FAC] =	sst s8  }
0x11: {  	[smem:$0x3FAD] =	sst s9;
	s0 =	simm.s32 @!p0 $0x0  }
0x12: {  	s1 =	sld [smem:$0x3F93];
	s0 =	simm.s32 @p0 $0x1  }
0x13: {  	[smem:$0x3FAE] =	sst s0;
	s0 =	simm.s32 @!p1 $0x0  }
0x14: {  	s2 =	sld [smem:$0x3F92];
	s0 =	simm.s32 @p1 $0x1  }
0x15: {  	[smem:$0x3FAF] =	sst s0;
	s0 =	simm.s32 @!p2 $0x0  }
0x16: {  	s3 =	sld [smem:$0x3FDB];
	s0 =	simm.s32 @p2 $0x1  }
0x17: {  	s4 =	simm.s32 $0x1BF5;
	[smem:$0x3FB1] =	sst s0  }
0x18: {  	s0 =	sld [smem:$0x3F94];
	_ =	swait.ge [sflag:s4], $0x0  }
0x19: {  	s7 =	sld [smem:$0x3F95]  }
0x1a: {  	s8 =	sadd.s32 $0xFFFFE003, lr  }
0x1b: {  	s9 =	sadd.s32 $0xFFFFFEF7, lr;
	s5 =	simm.s32 $0xFFFFFFFF;
	p2 =	slt.u32 s8, $0xFFFFF086  }
0x1c: {  	p1 =	slt.u32 s9, $0xF7A;
	s5 =	simm.s32 @!p2 $0x0  }
0x1d: {  	s5 =	simm.s32 @p1 $0x1;
	p0 =	seq.s32 s7, s2  }
0x1e: {  	s7 =	smul.u32 @!p0 $0xF7A, s2;
	p2 =	seq.s32 @!p0 s5, $0x0  }
0x1f: {  	s9 =	smul.u32 $0xF7A, s1;
	s8 =	simm.s32 @!p0 $0x1BF5;
	p2 =	por !p2, p0  }
0x20: {  	[sflag:s8] =	ssyncset.s32 @!p0 $0xFFFFF086;
	s6 =	sadd.s32 @!p0 s3, s7;
	s7 =	simm.s32 @!p0 $0x108  }
0x21: {  	s3 =	sadd.s32 s3, s9;
	s6 =	sadd.s32 @!p0 $0x88, s6;
	s7 =	simm.s32 @p2 $0x1082  }
0x22: {  	[simem:s7], [sflag:s8] =	dma.local @!p0 [hbm:s6], $0xF7A  }
0x23: {  	s9 =	sor.u32 $0xD0000000, s2;
	s6 =	simm.s32 $0x108;
	_ =	swait.ge @!p0 [sflag:s8], $0x0  }
0x24: {  	s3 =	sadd.s32 $0x88, s3;
	s6 =	simm.s32 @!p1 $0x1082;
	[sflag:s4] =	ssyncset.s32 $0xFFFFF086  }
0x25: {  	[simem:s6], [sflag:s4] =	dma.local [hbm:s3], $0xF7A  }
0x26: {  	[smem:$0x3F95] =	sst s1;
	(tag) =	ssettag s2;
	_ =	strace s9  }
0x27: {  	s1 =	sld [smem:$0x3FA5]  }
0x28: {  	s2 =	sld [smem:$0x3FA6]  }
0x29: {  	s4 =	sld [smem:$0x3FA8]  }
0x2a: {  	p0 =	seq.s32 s5, $0x0;
	s5 =	sld [smem:$0x3FA9]  }
0x2b: {  	s6 =	sld [smem:$0x3FAA]  }
0x2c: {  	s7 =	sld [smem:$0x3FAB]  }
0x2d: {  	s3 =	simm.s32 $0x108;
	s8 =	sld [smem:$0x3FAC]  }
0x2e: {  	s3 =	simm.s32 @!p0 $0x1082;
	s9 =	sld [smem:$0x3FAD]  }
0x2f: {  	lr =	sadd.s32 s0, s3;
	s0 =	sld [smem:$0x3FA4]  }
0x30: {  	s3 =	sld [smem:$0x3FA7]  }
0x31: {  	[smem:$0x3FB0] =	sst s10  }
0x32: {  	s10 =	sld [smem:$0x3FAE];
	_ =	sdelay $0x3  }
0x33: {  	p0 =	seq.s32 s10, $0x1;
	s10 =	sld [smem:$0x3FB0];
	_ =	sdelay $0x3  }
0x34: {  	[smem:$0x3FB0] =	sst s10  }
0x35: {  	s10 =	sld [smem:$0x3FAF];
	_ =	sdelay $0x3  }
0x36: {  	p1 =	seq.s32 s10, $0x1;
	s10 =	sld [smem:$0x3FB0];
	_ =	sdelay $0x3  }
0x37: {  	[smem:$0x3FB0] =	sst s10  }
0x38: {  	s10 =	sld [smem:$0x3FB1]  }
0x39: {  	_ = 	snop;
	(pc) =	sbr.ind lr, $3  }
0x3a: {  	_ = 	snop  }
0x3b: {  	_ = 	snop  }
0x3c: {  	p2 =	seq.s32 s10, $0x1;
	s10 =	sld [smem:$0x3FB0]  }
0x3d: {  	_ =	shalt  }
0x3e: {  	_ =	shalt  }
0x3f: {  	_ =	shalt  }
0x40: {  	_ =	shalt  }
0x41: {  	_ =	shalt  }
0x42: {  	_ =	shalt  }
0x43: {  	_ =	shalt  }
0x44: {  	_ =	shalt  }
0x45: {  	_ =	shalt  }
0x46: {  	_ =	shalt  }
0x47: {  	_ =	shalt  }
0x48: {  	_ =	shalt  }
0x49: {  	_ =	shalt  }
0x4a: {  	_ =	shalt  }
0x4b: {  	_ =	shalt  }
0x4c: {  	_ =	shalt  }
0x4d: {  	_ =	shalt  }
0x4e: {  	_ =	shalt  }
0x4f: {  	_ =	shalt  }
0x50: {  	_ =	shalt  }
0x51: {  	_ =	shalt  }
0x52: {  	_ =	shalt  }
0x53: {  	_ =	shalt  }
0x54: {  	_ =	shalt  }
0x55: {  	_ =	shalt  }
0x56: {  	_ =	shalt  }
0x57: {  	_ =	shalt  }
0x58: {  	_ =	shalt  }
0x59: {  	_ =	shalt  }
0x5a: {  	_ =	shalt  }
0x5b: {  	_ =	shalt  }
0x5c: {  	_ =	shalt  }
0x5d: {  	_ =	shalt  }
0x5e: {  	_ =	shalt  }
0x5f: {  	_ =	shalt  }
0x60: {  	_ =	shalt  }
0x61: {  	_ =	shalt  }
0x62: {  	_ =	shalt  }
0x63: {  	_ =	shalt  }
0x64: {  	_ =	shalt  }
0x65: {  	_ =	shalt  }
0x66: {  	_ =	shalt  }
0x67: {  	_ =	shalt  }
0x68: {  	_ =	shalt  }
0x69: {  	_ =	shalt  }
0x6a: {  	_ =	shalt  }
0x6b: {  	_ =	shalt  }
0x6c: {  	_ =	shalt  }
0x6d: {  	_ =	shalt  }
0x6e: {  	_ =	shalt  }
0x6f: {  	_ =	shalt  }
0x70: {  	_ =	shalt  }
0x71: {  	_ =	shalt  }
0x72: {  	_ =	shalt  }
0x73: {  	_ =	shalt  }
0x74: {  	_ =	shalt  }
0x75: {  	_ =	shalt  }
0x76: {  	_ =	shalt  }
0x77: {  	_ =	shalt  }
0x78: {  	_ =	shalt  }
0x79: {  	_ =	shalt  }
0x7a: {  	_ =	shalt  }
0x7b: {  	_ =	shalt  }
0x7c: {  	_ =	shalt  }
0x7d: {  	_ =	shalt  }
0x7e: {  	_ =	shalt  }
0x7f: {  	_ =	shalt  }
0x80: {  	_ =	shalt  }
0x81: {  	_ =	shalt  }
0x82: {  	_ =	shalt  }
0x83: {  	_ =	shalt  }
0x84: {  	_ =	shalt  }
0x85: {  	_ =	shalt  }
0x86: {  	_ =	shalt  }
0x87: {  	_ =	shalt  }
.Lfunc_end0:
.L_simem_size_0:
called_computation.1_lowered:
.L_overlay_start_0:
0x88: {  	s2 =	sld [smem:$0x3FD9]  }
0x89: {  	s3 =	sld [smem:$0x3FFE];
	_ =	sdelay $0x1  }
0x8a: {  	s1 =	srdreg.scid  }
0x8b: {  	s0 =	sand.u32 $0x1, s1  }
0x8c: {  	s16 =	sshll.u32 s0, $0xA;
	s2 =	sadd.s32 s3, s2  }
0x8d: {  	s2 =	sadd.s32 s2, s16  }
0x8e: {  	[smem:$0x3FBC] =	sst s2  }
0x8f: {  	_ = 	snop  }
0x90: {  	(tm) =	ssettm $0x1  }
0x91: {  	s17 =	sld [smem:$0x3FFB];
	_ =	sdelay $0x3  }
0x92: {  	_ =	strace s17  }
0x93: {  	s2 =	sld [smem:$0x3FFC];
	_ =	sdelay $0x3  }
0x94: {  	_ =	strace s2  }
0x95: {  	s2 =	sld [smem:$0x3FFD];
	_ =	sdelay $0x3  }
0x96: {  	_ =	strace s2  }
0x97: {  	_ =	strace $0x8FFFFFFF  }
0x98: {  	s18 =	sld [smem:$0x3FDB];
	_ =	sdelay $0x1  }
0x99: {  	s19 =	simm.s32 $_scs_section_size  }
0x9a: {  	s4 =	simm.s32 $_size__tile_overlayer_lowered;
	s5 =	simm.s32 $_tile_overlayer_lowered  }
0x9b: {  	s22 =	simm.s32 $0x1BFF;
	s21 =	sshll.u32 s5, $0x1;
	s2 =	sadd.s32 s19, s18  }
0x9c: {  	s6 =	simm.s32 $0x0;
	s20 =	sshll.u32 s4, $0x1;
	s4 =	sadd.s32 s21, s2  }
0x9d: {  	[timem:s6], [sflag:s22] =	dma.local [hbm:s4], s20  }
0x9e: {  	_ =	swait.ge [sflag:s22], s20  }
0x9f: {  	s3 =	ssub.s32 $0x0, s20;
	[sflag:s22] =	ssyncset.done $0x0  }
0xa0: {  	[sflag:s22] =	ssyncadd.s32 s3;
	_ =	sdelay $0x1  }
0xa1: {  	s23 =	simm.s32 $0x1B8B  }
0xa2: {  	_ =	swait.ge [sflag:s23], $0x1  }
0xa3: {  	[sflag:s23] =	ssyncset.done $0x0  }
0xa4: {  	s25 =	simm.s32 $0x1B8E;
	s24 =	sld [smem:$0x3FFE];
	[sflag:s23] =	ssyncadd.s32 $0xFFFFFFFF  }
0xa5: {  	s26 =	simm.s32 $execute0_lowered;
	[smem:$0x3FD2] =	sst s25  }
0xa6: {  	s4 =	sshll.u32 s26, $0x1;
	_ =	strace $0x80000049;
	[dreg:$0x1] =	wrdreg $0xFFFFFFFF  }
0xa7: {  	s28 =	simm.s32 $_size_execute0_lowered;
	s2 =	sadd.s32 s2, s4;
	[dreg:$0x0] =	wrdreg $0x0  }
0xa8: {  	s4 =	sshll.u32 s28, $0x1;
	[dreg:$0x2] =	wrdreg s2  }
0xa9: {  	[dreg:$0x3] =	wrdreg s4  }
0xaa: {  	[dreg:$0x4] =	wrdreg $0xC0  }
0xab: {  	_ =	task [dreg:s6], $0x5FFFF  }
0xac: {  	[dreg:$0x1] =	wrdreg $0xFFFFFFFF  }
0xad: {  	[dreg:$0x0] =	wrdreg $0x60  }
0xae: {  	[dreg:$0x2] =	wrdreg s24  }
0xaf: {  	[dreg:$0x3] =	wrdreg $0xDF000  }
0xb0: {  	[dreg:$0x4] =	wrdreg $0xB7000  }
0xb1: {  	[dreg:$0x5] =	wrdreg $0x9  }
0xb2: {  	_ =	task.clear_ibuf [dreg:s6], $0x6FFFF;
	_ =	strace $0x90000049  }
0xb3: {  	s29 =	simm.s32 $0x9;
	_ =	strace $0x8000004B  }
0xb4: {  	_ =	swait.ge [sflag:s29], $0x1  }
0xb5: {  	[sflag:s29] =	ssyncadd.s32 $0xFFFFFFFF  }
0xb6: {  	_ =	strace $0x9000004B  }
0xb7: {  	_ =	sfence  }
0xb8: {  	s30 =	sld [smem:$0x0];
	_ =	sdelay $0x2  }
0xb9: {  	s31 =	sshll.u32 s1, $0xD;
	s1 =	sshrl.u32 s1, $0x2  }
0xba: {  	s3 =	sand.u32 $0x4000, s31;
	s1 =	sadd.s32 s1, s30  }
0xbb: {  	s0 =	sor.u32 s3, s0;
	s1 =	sshll.u32 s1, $0x11  }
0xbc: {  	s0 =	sor.u32 s1, s0  }
0xbd: {  	s0 =	sadd.s32 $0x8F2B, s0  }
0xbe: {  	[sflag:s0] =	ssyncadd.remote.s32 $0x1  }
0xbf: {  	_ =	sfence.sel $0xFFFF  }
0xc0: {  	[dreg:$0x0] =	wrdreg $0xFFFFFFFF;
	(pc) =	sbr.abs _section_cstart, $3  }
0xc1: {  	[dreg:$0x1] =	wrdreg $0xFFFFFFFF  }
0xc2: {  	_ =	task.clear_ibuf [dreg:s6], $0x2FFFF;
	_ =	strace $0x9FFFFFFF  }
0xc3: {  	(tm) =	ssettm $0x7FFFFFFF  }
tec
execute0_lowered:
.L_overlay_start_1:
0x0: {  	(tag) =	ssettag $0x1  }
0x1: {  	s0 =	rddreg [dreg:$0x0]  }
0x2: {  	s2 =	rddreg [dreg:$0x1]  }
0x3: {  	s3 =	rddreg [dreg:$0x2];
	s11 =	stileid.u32;
	s4 =	simm.s32 $0x0  }
0x4: {  	s5 =	srdreg.scid;
	s13 =	simm.s32 $0x11;
	s17 =	simm.s32 $0x12  }
0x5: {  	s28 =	simm.s32 $0xB;
	s29 =	simm.s32 $0xC;
	s30 =	simm.s32 $0xD  }
0x6: {  	s31 =	simm.s32 $0xE;
	s18 =	simm.s32 $0x10;
	s1 =	smul.u32 $0x2800, s11  }
0x7: {  	s6 =	smul.u32 $0x4E, s11;
	[smem:$0x7FF] =	sst s4;
	s5 =	sand.u32 $0x1, s5  }
0x8: {  	s7 =	smul.u32 $0x4F, s11;
	s25 =	sshll.u32 s11, $0x6;
	_ =	strace $0x8000004A  }
0x9: {  	s9 =	smul.u32 $0x28000, s5;
	p0 =	seq.s32 s5, $0x0;
	s20 =	ssub.s32 $0x2, s5  }
0xa: {  	s15 =	sor.u32 $0x1C12, s25;
	s25 =	simm.s32 $0x9;
	s8 =	sshrl.u32 s1, $0x3  }
0xb: {  	s7 =	sadd.s32 $0x4E0, s7;
	s10 =	sshrl.u32 s20, $0x1;
	s23 =	sadd.s32 s1, s2  }
0xc: {  	s8 =	sadd.s32 s8, s0;
	s7 =	smov.u32 @p0 s6;
	s19 =	sadd.s32 s1, s9  }
0xd: {  	s21 =	ssub.s32 s20, s10;
	s9 =	sadd.s32 s1, s3;
	s10 =	sor.u32 $0x4E, s5  }
0xe: {  	s26 =	sshrl.u32 s23, $0x3;
	s1 =	simm.s32 $0x1;
	s23 =	simm.s32 $0x2  }
0xf: {  	s7 =	sshll.u32 s7, $0x4;
	s6 =	sshrl.u32 s19, $0x3;
	s8 =	sadd.s32 $0x1800, s8  }
0x10: {  	s24 =	smax.u32 s21, $0x1;
	[dreg:$0x9] =	wrdreg s26;
	s19 =	simm.s32 $0x80  }
0x11: {  	s21 =	simm.s32 $0x5700;
	s7 =	sadd.s32 s7, s0;
	[dreg:$0x6] =	wrdreg s8  }
0x12: {  	s26 =	simm.s32 $0xA;
	[dreg:$0x8] =	wrdreg s24;
	s22 =	sadd.s32 $0x6800, s7  }
0x13: {  	s0 =	sadd.s32 s6, s0;
	s7 =	sadd.s32 $0x10500, s7;
	[dreg:$0x4] =	wrdreg s22  }
0x14: {  	s8 =	simm.s32 $0x2780;
	s0 =	sadd.s32 $0x1A200, s0;
	[dreg:$0x5] =	wrdreg s7  }
0x15: {  	v0 =	vimm.f32 $0.0e+00;
	[dreg:$0x7] =	wrdreg s0;
	s0 =	simm.s32 $0xF;
	s22 =	simm.s32 $0x0  }
.LBB2_1:
0x16: {  	s6 =	rddreg [dreg:$0x4]  }
0x17: {  	[tilespmem:s4], [sflag:$0x11] =	stream.linear.gather [hbm4b:s6+s4], $0x2780, $0x38;
	[tilespmem:$0x10700] =	vst v63  }
0x18: {  	_ =	swait.ge [sflag:s13], $0x2780  }
0x19: {  	[sflag:s13] =	ssyncset.done $0x0  }
0x1a: {  	s24 =	rddreg [dreg:$0x5];
	[sflag:s13] =	ssyncadd.s32 $0xFFFFD880  }
0x1b: {  	[tilespmem:s8], [sflag:$0x11] =	stream.linear.gather [hbm4b:s24+s4], $0x2780, $0x38;
	[tilespmem:$0x10700] =	vst v63  }
0x1c: {  	_ =	swait.ge [sflag:s13], $0x2780  }
0x1d: {  	[sflag:s13] =	ssyncset.done $0x0  }
0x1e: {  	s7 =	simm.s32 $0x0;
	s6 =	simm.s32 $0x40;
	[sflag:s13] =	ssyncadd.s32 $0xFFFFD880  }
.LBB2_2:
0x1f: {  	p0 =	sne.s32 s6, $0x9FC0;
	[tilespmem:s7+$0x8F00] =	vst v0;
	s7 =	smov.u32 s6;
	s6 =	sadd.s32 $0x40, s6  }
.Ltmp0:
0x20: {  	(pc) =	sbr.rel @p0 .LBB2_2-.Ltmp0, $2  }
0x21: {  	_ =	sdelay $0x2  }
0x22: {  	s7 =	sshra.s32 s7, $0x2  }
0x23: {  	s6 =	rddreg [dreg:$0x6]  }
0x24: {  	[tilespmem:s7+$0x8F00] =	vst v0;
	s12 =	rddreg [dreg:$0x9]  }
0x25: {  	[spmem:s12], [sflag:s15] =	dma.local [hbm:s6], $0x500  }
0x26: {  	_ =	swait.ge [sflag:s17], $0x500  }
0x27: {  	[sflag:s17] =	ssyncset.done $0x0  }
0x28: {  	s14 =	simm.s32 $0x8F00;
	[sflag:s17] =	ssyncadd.s32 $0xFFFFFB00  }
0x29: {  	[spmem:s9] =	stream.linear.scatter [tilespmem:s14], [sflag:$0x12], $0x2800, $0x38;
	[tilespmem:$0x10700] =	vst v63  }
0x2a: {  	_ =	swait.ge [sflag:s17], $0x2800  }
0x2b: {  	[sflag:s17] =	ssyncset.done $0x0  }
0x2c: {  	[sflag:s17] =	ssyncadd.s32 $0xFFFFD800  }
0x2d: {  	s6 =	simm.s32 $0x4F00;
	[bflag:$0x0] =	sbarrier.arrive $0xFFFF  }
0x2e: {  	[tilespmem:s6], [sflag:$0x1] =	stream.indirect.gather [spmem:s2], $0x10, s4, s19, $0xb8;
	[tilespmem:$0x10700] =	vst v63  }
0x2f: {  	_ = 	snop  }
0x30: {  	[tilespmem:s21], [sflag:$0x2] =	stream.indirect.gather [spmem:s2], $0x10, s19, s19, $0xb8;
	[tilespmem:$0x10700] =	vst v63  }
0x31: {  	s16 =	simm.s32 $0x100;
	s11 =	simm.s32 $0x5F00  }
0x32: {  	[tilespmem:s11], [sflag:$0x3] =	stream.indirect.gather [spmem:s2], $0x10, s16, s19, $0xb8;
	[tilespmem:$0x10700] =	vst v63  }
0x33: {  	s20 =	simm.s32 $0x180;
	s24 =	simm.s32 $0x6700  }
0x34: {  	[tilespmem:s24], [sflag:$0x4] =	stream.indirect.gather [spmem:s2], $0x10, s20, s19, $0xb8;
	[tilespmem:$0x10700] =	vst v63  }
0x35: {  	s12 =	simm.s32 $0x6F00;
	s11 =	simm.s32 $0x200  }
0x36: {  	[tilespmem:s12], [sflag:$0x5] =	stream.indirect.gather [spmem:s2], $0x10, s11, s19, $0xb8;
	[tilespmem:$0x10700] =	vst v63  }
0x37: {  	s14 =	simm.s32 $0x280;
	s16 =	simm.s32 $0x7700  }
0x38: {  	[tilespmem:s16], [sflag:$0x6] =	stream.indirect.gather [spmem:s2], $0x10, s14, s19, $0xb8;
	[tilespmem:$0x10700] =	vst v63  }
0x39: {  	s20 =	simm.s32 $0x300;
	s24 =	simm.s32 $0x7F00  }
0x3a: {  	[tilespmem:s24], [sflag:$0x7] =	stream.indirect.gather [spmem:s2], $0x10, s20, s19, $0xb8;
	[tilespmem:$0x10700] =	vst v63  }
0x3b: {  	_ =	swait.ge [sflag:s1], $0x800  }
0x3c: {  	[sflag:s1] =	ssyncset.done $0x0  }
0x3d: {  	[sflag:s1] =	ssyncadd.s32 $0xFFFFF800  }
0x3e: {  	[spmem:s3] =	stream.indirect.scatter.add.f32 [tilespmem:s6], [sflag:$0x9], $0x10, s8, s19, $0xb8;
	[tilespmem:$0x10700] =	vst v63  }
0x3f: {  	s12 =	simm.s32 $0x380;
	s14 =	simm.s32 $0x8700  }
0x40: {  	[tilespmem:s14], [sflag:$0x8] =	stream.indirect.gather [spmem:s2], $0x10, s12, s19, $0xb8;
	[tilespmem:$0x10700] =	vst v63  }
0x41: {  	p0 =	sle.u32 s10, $0x8;
	s6 =	simm.s32 $0x8;
	_ =	swait.ge [sflag:s23], $0x800  }
0x42: {  	s7 =	sand.u32 @!p0 $0x7, s6;
	[sflag:s23] =	ssyncset.done $0x0  }
0x43: {  	s16 =	simm.s32 $0x2800;
	s11 =	sadd.s32 @!p0 $0x9, s7;
	[sflag:s23] =	ssyncadd.s32 $0xFFFFF800  }
0x44: {  	[spmem:s3] =	stream.indirect.scatter.add.f32 [tilespmem:s21], [sflag:$0xA], $0x10, s16, s19, $0xb8;
	[tilespmem:$0x10700] =	vst v63  }
0x45: {  	s8 =	simm.s32 $0x400;
	_ =	swait.ge @!p0 [sflag:s11], $0x800  }
0x46: {  	s12 =	sshll.u32 @!p0 s7, $0xB;
	s7 =	sadd.s32 @!p0 $0x1, s7;
	[sflag:s11] =	ssyncset.done @!p0 $0x0  }
0x47: {  	s12 =	sadd.s32 @!p0 $0x4F00, s12;
	[sflag:s11] =	ssyncadd.s32 @!p0 $0xFFFFF800;
	s11 =	simm.s32 @!p0 $0x80  }
0x48: {  	[tilespmem:s12], [sflag:s7] =	stream.indirect.gather @!p0 [spmem:s2], $0x10, s8, s11, $0xb8;
	[tilespmem:$0x10700] =	vst v63  }
0x49: {  	p0 =	sne.s32 s5, $0xFFFFFFB5  }
.Ltmp1:
0x4a: {  	s14 =	simm.s32 $0x2;
	(pc) =	sbr.rel @!p0 .LBB2_5-.Ltmp1, $4  }
0x4b: {  	s24 =	simm.s32 $0x2880;
	s16 =	sand.u32 $0x7, s14  }
0x4c: {  	s6 =	simm.s32 $0xFFFFFFB5;
	s20 =	sshll.u32 s16, $0xB;
	s11 =	sadd.s32 $0x1, s16  }
0x4d: {  	s14 =	sadd.s32 $0x4F00, s20;
	s7 =	simm.s32 $0x2900;
	_ =	swait.ge [sflag:s11], $0x800  }
0x4e: {  	s8 =	simm.s32 $0x480;
	s12 =	sadd.s32 $0x9, s16;
	[sflag:s11] =	ssyncset.done $0x0  }
.LBB2_4:
0x4f: {  	s16 =	sadd.s32 $0x54, s6  }
0x50: {  	[sflag:s11] =	ssyncadd.s32 $0xFFFFF800;
	s11 =	smov.u32 s6;
	s6 =	sadd.s32 $0x1, s6  }
0x51: {  	[spmem:s3] =	stream.indirect.scatter.add.f32 [tilespmem:s14], [sflag:s12], $0x10, s24, s19, $0xb8;
	[tilespmem:$0x10700] =	vst v63  }
0x52: {  	p1 =	sge.u32 s16, s10;
	p0 =	sne.s32 s5, s6;
	s24 =	smov.u32 s7  }
0x53: {  	s12 =	sand.u32 @!p1 $0x7, s16  }
0x54: {  	s14 =	sadd.s32 @!p1 $0x9, s12;
	s16 =	sshll.u32 @!p1 s12, $0xB;
	s12 =	sadd.s32 @!p1 $0x1, s12  }
0x55: {  	s11 =	sadd.s32 $0x4E, s11;
	s16 =	sadd.s32 @!p1 $0x4F00, s16;
	_ =	swait.ge @!p1 [sflag:s14], $0x800  }
0x56: {  	s20 =	sand.u32 $0x7, s11;
	[sflag:s14] =	ssyncset.done @!p1 $0x0  }
.Ltmp2:
0x57: {  	s11 =	simm.s32 @!p1 $0x80;
	[sflag:s14] =	ssyncadd.s32 @!p1 $0xFFFFF800;
	(pc) =	sbr.rel @p0 .LBB2_4-.Ltmp2, $4  }
0x58: {  	[tilespmem:s16], [sflag:s12] =	stream.indirect.gather @!p1 [spmem:s2], $0x10, s8, s11, $0xb8;
	[tilespmem:$0x10700] =	vst v63  }
0x59: {  	s12 =	sshll.u32 s20, $0xB;
	s11 =	sadd.s32 $0x1, s20  }
0x5a: {  	s7 =	sadd.s32 $0x80, s7;
	s8 =	sadd.s32 $0x80, s8;
	_ =	swait.ge [sflag:s11], $0x800  }
0x5b: {  	s14 =	sadd.s32 $0x4F00, s12;
	s12 =	sadd.s32 $0x9, s20;
	[sflag:s11] =	ssyncset.done $0x0  }
.LBB2_5:
0x5c: {  	[sflag:s11] =	ssyncadd.s32 $0xFFFFF800  }
0x5d: {  	[spmem:s3] =	stream.indirect.scatter.add.f32 [tilespmem:s14], [sflag:s12], $0x10, s24, s19, $0xb8;
	[tilespmem:$0x10700] =	vst v63  }
0x5e: {  	_ =	swait.ge [sflag:s25], $0x800  }
0x5f: {  	[sflag:s25] =	ssyncset.done $0x0  }
0x60: {  	[sflag:s25] =	ssyncadd.s32 $0xFFFFF800  }
0x61: {  	_ =	swait.ge [sflag:s26], $0x800  }
0x62: {  	[sflag:s26] =	ssyncset.done $0x0  }
0x63: {  	[sflag:s26] =	ssyncadd.s32 $0xFFFFF800  }
0x64: {  	_ =	swait.ge [sflag:s28], $0x800  }
0x65: {  	[sflag:s28] =	ssyncset.done $0x0  }
0x66: {  	[sflag:s28] =	ssyncadd.s32 $0xFFFFF800  }
0x67: {  	_ =	swait.ge [sflag:s29], $0x800  }
0x68: {  	[sflag:s29] =	ssyncset.done $0x0  }
0x69: {  	[sflag:s29] =	ssyncadd.s32 $0xFFFFF800  }
0x6a: {  	_ =	swait.ge [sflag:s30], $0x800  }
0x6b: {  	[sflag:s30] =	ssyncset.done $0x0  }
0x6c: {  	[sflag:s30] =	ssyncadd.s32 $0xFFFFF800  }
0x6d: {  	_ =	swait.ge [sflag:s31], $0x800  }
0x6e: {  	[sflag:s31] =	ssyncset.done $0x0  }
0x6f: {  	[sflag:s31] =	ssyncadd.s32 $0xFFFFF800  }
0x70: {  	_ =	swait.ge [sflag:s0], $0x800  }
0x71: {  	[sflag:s0] =	ssyncset.done $0x0  }
0x72: {  	[sflag:s0] =	ssyncadd.s32 $0xFFFFF800  }
0x73: {  	_ =	swait.ge [sflag:s18], $0x800  }
0x74: {  	[sflag:s18] =	ssyncset.done $0x0  }
0x75: {  	[sflag:s18] =	ssyncadd.s32 $0xFFFFF800  }
0x76: {  	[bflag:$0x0] =	sbarrier.arrive $0xFFFF  }
0x77: {  	s6 =	sshrl.u32 s9, $0x3;
	s7 =	rddreg [dreg:$0x7]  }
0x78: {  	[hbm:s7], [sflag:s15] =	dma.local [spmem:s6], $0x500  }
0x79: {  	_ =	swait.ge [sflag:s17], $0x500  }
0x7a: {  	s22 =	sadd.s32 $0x1, s22;
	s24 =	rddreg [dreg:$0x8]  }
0x7b: {  	p0 =	sne.s32 s22, s24  }
.Ltmp3:
0x7c: {  	_ = 	snop;
	(pc) =	sbr.rel @p0 .LBB2_1-.Ltmp3, $3  }
0x7d: {  	_ =	sdelay $0x1  }
0x7e: {  	[sflag:s17] =	ssyncset.done $0x0  }
0x7f: {  	s8 =	simm.s32 $0x2780;
	[sflag:s17] =	ssyncadd.s32 $0xFFFFFB00  }
0x80: {  	_ =	sfence.sel $0x180000  }
0x81: {  	[bflag:$0x0] =	sbarrier.arrive $0xFFFF  }
0x82: {  	_ =	strace $0x9000004A  }
0x83: {  	s0 =	stileid.u32;
	[bflag:$0x2] =	sbarrier.arrive $0xFFFF  }
0x84: {  	p0 =	sne.s32 s0, $0x0;
	s0 =	rddreg [dreg:$0x3]  }
0x85: {  	s0 =	sadd.s32 @!p0 $0x100000, s0  }
0x86: {  	[sflag:s0] =	ssyncadd.tile.s32 @!p0 $0x1;
	_ =	shalt  }
.Lfunc_end2:
_tile_overlayer_lowered:
.L_overlay_start_2:
0x87: {  	(tag) =	ssettag $0x2  }
0x88: {  	s0 =	rddreg [dreg:$0x0];
	s2 =	stileid.u32  }
0x89: {  	s1 =	rddreg [dreg:$0x1];
	p0 =	sne.s32 s2, $0x0  }
0x8a: {  	s3 =	rddreg [dreg:$0x2];
	[bflag:$0x3] =	sbarrier.arrive $0xFFFF;
	s2 =	simm.s32 @!p0 $0x1C12  }
0x8b: {  	[timem:s3], [sflag:s2] =	dma.local @!p0 [hbm:s0], s1  }
0x8c: {  	s0 =	simm.s32 @!p0 $0x12  }
0x8d: {  	_ =	swait.ge @!p0 [sflag:s0], s1  }
0x8e: {  	s1 =	ssub.s32 @!p0 $0x0, s1;
	[sflag:s0] =	ssyncset.done @!p0 $0x0  }
0x8f: {  	[sflag:s0] =	ssyncadd.s32 @!p0 s1  }
0x90: {  	[bflag:$0x3] =	sbarrier.arrive $0xFFFF  }
0x91: {  	_ =	shalt  }

// kernel: kernel.7.cloned.1.call-start
scs
__scs_entry_jumppad:
0x0: {  	(pc) =	sbr.rel $0x88, $3  }
0x1: {  	(tag) =	ssettag $0x0;
	lr =	simm.s32 $0x1  }
0x2: {  	[smem:$0x3F95] =	sst lr;
	_ =	strace $0xD0000000  }
0x3: {  	_ = 	snop  }
0x4: {  	_ = 	snop  }
0x5: {  	_ = 	snop  }
0x6: {  	_ = 	snop  }
0x7: {  	_ = 	snop  }
__scs_overlays_trampoline_lowered:
0x8: {  	[smem:$0x3FA4] =	sst s0  }
0x9: {  	[smem:$0x3FA5] =	sst s1  }
0xa: {  	[smem:$0x3FA6] =	sst s2  }
0xb: {  	[smem:$0x3FA7] =	sst s3  }
0xc: {  	[smem:$0x3FA8] =	sst s4  }
0xd: {  	[smem:$0x3FA9] =	sst s5  }
0xe: {  	[smem:$0x3FAA] =	sst s6  }
0xf: {  	[smem:$0x3FAB] =	sst s7  }
0x10: {  	[smem:$0x3FAC] =	sst s8  }
0x11: {  	[smem:$0x3FAD] =	sst s9;
	s0 =	simm.s32 @!p0 $0x0  }
0x12: {  	s1 =	sld [smem:$0x3F93];
	s0 =	simm.s32 @p0 $0x1  }
0x13: {  	[smem:$0x3FAE] =	sst s0;
	s0 =	simm.s32 @!p1 $0x0  }
0x14: {  	s2 =	sld [smem:$0x3F92];
	s0 =	simm.s32 @p1 $0x1  }
0x15: {  	[smem:$0x3FAF] =	sst s0;
	s0 =	simm.s32 @!p2 $0x0  }
0x16: {  	s3 =	sld [smem:$0x3FDB];
	s0 =	simm.s32 @p2 $0x1  }
0x17: {  	s4 =	simm.s32 $0x1BF5;
	[smem:$0x3FB1] =	sst s0  }
0x18: {  	s0 =	sld [smem:$0x3F94];
	_ =	swait.ge [sflag:s4], $0x0  }
0x19: {  	s7 =	sld [smem:$0x3F95]  }
0x1a: {  	s8 =	sadd.s32 $0xFFFFE003, lr  }
0x1b: {  	s9 =	sadd.s32 $0xFFFFFEF7, lr;
	s5 =	simm.s32 $0xFFFFFFFF;
	p2 =	slt.u32 s8, $0xFFFFF086  }
0x1c: {  	p1 =	slt.u32 s9, $0xF7A;
	s5 =	simm.s32 @!p2 $0x0  }
0x1d: {  	s5 =	simm.s32 @p1 $0x1;
	p0 =	seq.s32 s7, s2  }
0x1e: {  	s7 =	smul.u32 @!p0 $0xF7A, s2;
	p2 =	seq.s32 @!p0 s5, $0x0  }
0x1f: {  	s9 =	smul.u32 $0xF7A, s1;
	s8 =	simm.s32 @!p0 $0x1BF5;
	p2 =	por !p2, p0  }
0x20: {  	[sflag:s8] =	ssyncset.s32 @!p0 $0xFFFFF086;
	s6 =	sadd.s32 @!p0 s3, s7;
	s7 =	simm.s32 @!p0 $0x108  }
0x21: {  	s3 =	sadd.s32 s3, s9;
	s6 =	sadd.s32 @!p0 $0x88, s6;
	s7 =	simm.s32 @p2 $0x1082  }
0x22: {  	[simem:s7], [sflag:s8] =	dma.local @!p0 [hbm:s6], $0xF7A  }
0x23: {  	s9 =	sor.u32 $0xD0000000, s2;
	s6 =	simm.s32 $0x108;
	_ =	swait.ge @!p0 [sflag:s8], $0x0  }
0x24: {  	s3 =	sadd.s32 $0x88, s3;
	s6 =	simm.s32 @!p1 $0x1082;
	[sflag:s4] =	ssyncset.s32 $0xFFFFF086  }
0x25: {  	[simem:s6], [sflag:s4] =	dma.local [hbm:s3], $0xF7A  }
0x26: {  	[smem:$0x3F95] =	sst s1;
	(tag) =	ssettag s2;
	_ =	strace s9  }
0x27: {  	s1 =	sld [smem:$0x3FA5]  }
0x28: {  	s2 =	sld [smem:$0x3FA6]  }
0x29: {  	s4 =	sld [smem:$0x3FA8]  }
0x2a: {  	p0 =	seq.s32 s5, $0x0;
	s5 =	sld [smem:$0x3FA9]  }
0x2b: {  	s6 =	sld [smem:$0x3FAA]  }
0x2c: {  	s7 =	sld [smem:$0x3FAB]  }
0x2d: {  	s3 =	simm.s32 $0x108;
	s8 =	sld [smem:$0x3FAC]  }
0x2e: {  	s3 =	simm.s32 @!p0 $0x1082;
	s9 =	sld [smem:$0x3FAD]  }
0x2f: {  	lr =	sadd.s32 s0, s3;
	s0 =	sld [smem:$0x3FA4]  }
0x30: {  	s3 =	sld [smem:$0x3FA7]  }
0x31: {  	[smem:$0x3FB0] =	sst s10  }
0x32: {  	s10 =	sld [smem:$0x3FAE];
	_ =	sdelay $0x3  }
0x33: {  	p0 =	seq.s32 s10, $0x1;
	s10 =	sld [smem:$0x3FB0];
	_ =	sdelay $0x3  }
0x34: {  	[smem:$0x3FB0] =	sst s10  }
0x35: {  	s10 =	sld [smem:$0x3FAF];
	_ =	sdelay $0x3  }
0x36: {  	p1 =	seq.s32 s10, $0x1;
	s10 =	sld [smem:$0x3FB0];
	_ =	sdelay $0x3  }
0x37: {  	[smem:$0x3FB0] =	sst s10  }
0x38: {  	s10 =	sld [smem:$0x3FB1]  }
0x39: {  	_ = 	snop;
	(pc) =	sbr.ind lr, $3  }
0x3a: {  	_ = 	snop  }
0x3b: {  	_ = 	snop  }
0x3c: {  	p2 =	seq.s32 s10, $0x1;
	s10 =	sld [smem:$0x3FB0]  }
0x3d: {  	_ =	shalt  }
0x3e: {  	_ =	shalt  }
0x3f: {  	_ =	shalt  }
0x40: {  	_ =	shalt  }
0x41: {  	_ =	shalt  }
0x42: {  	_ =	shalt  }
0x43: {  	_ =	shalt  }
0x44: {  	_ =	shalt  }
0x45: {  	_ =	shalt  }
0x46: {  	_ =	shalt  }
0x47: {  	_ =	shalt  }
0x48: {  	_ =	shalt  }
0x49: {  	_ =	shalt  }
0x4a: {  	_ =	shalt  }
0x4b: {  	_ =	shalt  }
0x4c: {  	_ =	shalt  }
0x4d: {  	_ =	shalt  }
0x4e: {  	_ =	shalt  }
0x4f: {  	_ =	shalt  }
0x50: {  	_ =	shalt  }
0x51: {  	_ =	shalt  }
0x52: {  	_ =	shalt  }
0x53: {  	_ =	shalt  }
0x54: {  	_ =	shalt  }
0x55: {  	_ =	shalt  }
0x56: {  	_ =	shalt  }
0x57: {  	_ =	shalt  }
0x58: {  	_ =	shalt  }
0x59: {  	_ =	shalt  }
0x5a: {  	_ =	shalt  }
0x5b: {  	_ =	shalt  }
0x5c: {  	_ =	shalt  }
0x5d: {  	_ =	shalt  }
0x5e: {  	_ =	shalt  }
0x5f: {  	_ =	shalt  }
0x60: {  	_ =	shalt  }
0x61: {  	_ =	shalt  }
0x62: {  	_ =	shalt  }
0x63: {  	_ =	shalt  }
0x64: {  	_ =	shalt  }
0x65: {  	_ =	shalt  }
0x66: {  	_ =	shalt  }
0x67: {  	_ =	shalt  }
0x68: {  	_ =	shalt  }
0x69: {  	_ =	shalt  }
0x6a: {  	_ =	shalt  }
0x6b: {  	_ =	shalt  }
0x6c: {  	_ =	shalt  }
0x6d: {  	_ =	shalt  }
0x6e: {  	_ =	shalt  }
0x6f: {  	_ =	shalt  }
0x70: {  	_ =	shalt  }
0x71: {  	_ =	shalt  }
0x72: {  	_ =	shalt  }
0x73: {  	_ =	shalt  }
0x74: {  	_ =	shalt  }
0x75: {  	_ =	shalt  }
0x76: {  	_ =	shalt  }
0x77: {  	_ =	shalt  }
0x78: {  	_ =	shalt  }
0x79: {  	_ =	shalt  }
0x7a: {  	_ =	shalt  }
0x7b: {  	_ =	shalt  }
0x7c: {  	_ =	shalt  }
0x7d: {  	_ =	shalt  }
0x7e: {  	_ =	shalt  }
0x7f: {  	_ =	shalt  }
0x80: {  	_ =	shalt  }
0x81: {  	_ =	shalt  }
0x82: {  	_ =	shalt  }
0x83: {  	_ =	shalt  }
0x84: {  	_ =	shalt  }
0x85: {  	_ =	shalt  }
0x86: {  	_ =	shalt  }
0x87: {  	_ =	shalt  }
.Lfunc_end0:
.L_simem_size_0:
called_computation_lowered:
.L_overlay_start_0:
0x88: {  	s2 =	sld [smem:$0x3FD9]  }
0x89: {  	s3 =	sld [smem:$0x3FFE];
	_ =	sdelay $0x1  }
0x8a: {  	s1 =	srdreg.scid  }
0x8b: {  	s0 =	sand.u32 $0x1, s1  }
0x8c: {  	s17 =	sshll.u32 s0, $0xA;
	s2 =	sadd.s32 s3, s2  }
0x8d: {  	s2 =	sadd.s32 s2, s17  }
0x8e: {  	[smem:$0x3FBC] =	sst s2  }
0x8f: {  	_ = 	snop  }
0x90: {  	s2 =	sld [smem:$0x3FD0];
	(tm) =	ssettm $0x1  }
0x91: {  	s18 =	sld [smem:$0x3FFB];
	_ =	sdelay $0x3  }
0x92: {  	_ =	strace s18  }
0x93: {  	s3 =	sld [smem:$0x3FFC];
	_ =	sdelay $0x3  }
0x94: {  	_ =	strace s3  }
0x95: {  	s3 =	sld [smem:$0x3FFD];
	_ =	sdelay $0x3  }
0x96: {  	_ =	strace s3  }
0x97: {  	_ =	strace $0x8FFFFFFF  }
0x98: {  	s19 =	sld [smem:$0x3FDB];
	_ =	sdelay $0x1  }
0x99: {  	s4 =	simm.s32 $_scs_section_size  }
0x9a: {  	s5 =	simm.s32 $_size__tile_overlayer_lowered;
	s6 =	simm.s32 $_tile_overlayer_lowered  }
0x9b: {  	s22 =	simm.s32 $0x1BFF;
	s21 =	sshll.u32 s6, $0x1;
	s3 =	sadd.s32 s4, s19  }
0x9c: {  	s7 =	simm.s32 $0x0;
	s20 =	sshll.u32 s5, $0x1;
	s5 =	sadd.s32 s21, s3  }
0x9d: {  	[timem:s7], [sflag:s22] =	dma.local [hbm:s5], s20  }
0x9e: {  	_ =	swait.ge [sflag:s22], s20  }
0x9f: {  	s4 =	ssub.s32 $0x0, s20;
	[sflag:s22] =	ssyncset.done $0x0  }
0xa0: {  	[sflag:s22] =	ssyncadd.s32 s4;
	_ =	sdelay $0x1  }
0xa1: {  	s23 =	simm.s32 $0x1B8B  }
0xa2: {  	_ =	swait.ge [sflag:s23], $0x1  }
0xa3: {  	[sflag:s23] =	ssyncset.done $0x0  }
0xa4: {  	s25 =	simm.s32 $0x1B8E;
	s24 =	sld [smem:$0x3FFE];
	[sflag:s23] =	ssyncadd.s32 $0xFFFFFFFF  }
0xa5: {  	s26 =	simm.s32 $execute0_lowered;
	[smem:$0x3FD2] =	sst s25  }
0xa6: {  	s5 =	sshll.u32 s26, $0x1;
	_ =	strace $0x80000046;
	[dreg:$0x1] =	wrdreg $0xFFFFFFFF  }
0xa7: {  	s28 =	simm.s32 $_size_execute0_lowered;
	s3 =	sadd.s32 s3, s5;
	[dreg:$0x0] =	wrdreg $0x0  }
0xa8: {  	s5 =	sshll.u32 s28, $0x1;
	[dreg:$0x2] =	wrdreg s3  }
0xa9: {  	[dreg:$0x3] =	wrdreg s5  }
0xaa: {  	[dreg:$0x4] =	wrdreg $0xC0  }
0xab: {  	_ =	task [dreg:s7], $0x5FFFF  }
0xac: {  	[dreg:$0x1] =	wrdreg $0xFFFFFFFF  }
0xad: {  	[dreg:$0x0] =	wrdreg $0x60  }
0xae: {  	[dreg:$0x2] =	wrdreg s24  }
0xaf: {  	[dreg:$0x3] =	wrdreg s2  }
0xb0: {  	[dreg:$0x4] =	wrdreg $0xE4800  }
0xb1: {  	[dreg:$0x5] =	wrdreg $0xBA000  }
0xb2: {  	[dreg:$0x6] =	wrdreg $0xE2000  }
0xb3: {  	[dreg:$0x7] =	wrdreg $0x9  }
0xb4: {  	_ =	task.clear_ibuf [dreg:s7], $0x8FFFF;
	_ =	strace $0x90000046  }
0xb5: {  	s29 =	simm.s32 $0x9;
	_ =	strace $0x80000048  }
0xb6: {  	_ =	swait.ge [sflag:s29], $0x1  }
0xb7: {  	[sflag:s29] =	ssyncadd.s32 $0xFFFFFFFF  }
0xb8: {  	_ =	strace $0x90000048  }
0xb9: {  	_ =	sfence  }
0xba: {  	s30 =	sld [smem:$0x0];
	_ =	sdelay $0x2  }
0xbb: {  	s31 =	sshll.u32 s1, $0xD;
	s1 =	sshrl.u32 s1, $0x2  }
0xbc: {  	s3 =	sand.u32 $0x4000, s31;
	s1 =	sadd.s32 s1, s30  }
0xbd: {  	s0 =	sor.u32 s3, s0;
	s1 =	sshll.u32 s1, $0x11  }
0xbe: {  	s0 =	sor.u32 s1, s0  }
0xbf: {  	s0 =	sadd.s32 $0x8F2B, s0  }
0xc0: {  	[sflag:s0] =	ssyncadd.remote.s32 $0x1  }
0xc1: {  	_ =	sfence.sel $0xFFFF  }
0xc2: {  	[dreg:$0x0] =	wrdreg $0xFFFFFFFF;
	(pc) =	sbr.abs _section_cstart, $3  }
0xc3: {  	[dreg:$0x1] =	wrdreg $0xFFFFFFFF  }
0xc4: {  	_ =	task.clear_ibuf [dreg:s7], $0x2FFFF;
	_ =	strace $0x9FFFFFFF  }
0xc5: {  	(tm) =	ssettm $0x7FFFFFFF  }
tec
execute0_lowered:
.L_overlay_start_1:
0x0: {  	(tag) =	ssettag $0x1  }
0x1: {  	s0 =	rddreg [dreg:$0x0]  }
0x2: {  	s1 =	rddreg [dreg:$0x1]  }
0x3: {  	s2 =	rddreg [dreg:$0x2]  }
0x4: {  	s3 =	rddreg [dreg:$0x3]  }
0x5: {  	s4 =	rddreg [dreg:$0x4];
	s13 =	stileid.u32;
	s14 =	simm.s32 $0x0  }
0x6: {  	s5 =	srdreg.scid;
	s16 =	simm.s32 $0x19;
	s7 =	smul.u32 $0x4F, s13  }
0x7: {  	s28 =	simm.s32 $0x2780;
	s6 =	sand.u32 $0x1, s5;
	s5 =	smul.u32 $0x4E, s13  }
0x8: {  	s29 =	simm.s32 $0x8F00;
	s15 =	simm.s32 $0xE;
	s8 =	smul.u32 $0x2800, s13  }
0x9: {  	s17 =	simm.s32 $0x0;
	[smem:$0x7FF] =	sst s14;
	s11 =	smul.u32 $0x280, s13  }
0xa: {  	s30 =	sshll.u32 s13, $0x6;
	p0 =	seq.s32 s6, $0x0;
	s19 =	smul.u32 $0x28000, s6  }
0xb: {  	_ =	strace $0x80000047;
	s10 =	ssub.s32 $0x2, s6;
	s12 =	smul.u32 $0x2800, s6  }
0xc: {  	s18 =	sor.u32 $0x1C1A, s30;
	s7 =	sadd.s32 $0x4E0, s7;
	s9 =	sshrl.u32 s8, $0x3  }
0xd: {  	s20 =	sshrl.u32 s10, $0x1;
	s22 =	sadd.s32 s8, s2;
	s7 =	smov.u32 @p0 s5  }
0xe: {  	s9 =	sadd.s32 s9, s0;
	s5 =	sadd.s32 s8, s19;
	s23 =	sadd.s32 s11, s12  }
0xf: {  	s11 =	sadd.s32 s11, s4;
	s12 =	sor.u32 $0x4E, s6;
	s31 =	sshrl.u32 s22, $0x3  }
0x10: {  	s19 =	simm.s32 $0xF;
	s7 =	sshll.u32 s7, $0x4;
	s5 =	sshrl.u32 s5, $0x3  }
0x11: {  	s9 =	sadd.s32 $0x1800, s9;
	s24 =	sshrl.u32 s23, $0x3;
	[dreg:$0xc] =	wrdreg s31  }
0x12: {  	s23 =	simm.s32 $0x80;
	s7 =	sadd.s32 s7, s0;
	s0 =	sadd.s32 s5, s0  }
0x13: {  	s5 =	ssub.s32 s10, s20;
	[dreg:$0x8] =	wrdreg s9;
	s25 =	sadd.s32 s1, s24  }
0x14: {  	s10 =	sadd.s32 s8, s3;
	s21 =	sadd.s32 $0x6800, s7;
	[dreg:$0xa] =	wrdreg s25  }
0x15: {  	s20 =	simm.s32 $0x1A;
	s7 =	sadd.s32 $0x10500, s7;
	[dreg:$0x6] =	wrdreg s21  }
0x16: {  	s24 =	simm.s32 $0x16;
	s0 =	sadd.s32 $0x1A200, s0;
	[dreg:$0x7] =	wrdreg s7  }
0x17: {  	s1 =	simm.s32 $0x10;
	s26 =	smax.u32 s5, $0x1;
	[dreg:$0x9] =	wrdreg s0  }
0x18: {  	v0 =	vimm.f32 $0.0e+00;
	v1 =	vimm.f32 $1.000000000e+00;
	s25 =	simm.s32 $0x17;
	s5 =	simm.s32 $0x18;
	[dreg:$0xb] =	wrdreg s26  }
.LBB2_1:
0x19: {  	s0 =	rddreg [dreg:$0x6]  }
0x1a: {  	[tilespmem:s14], [sflag:$0x19] =	stream.linear.gather [hbm4b:s0+s14], $0x2780, $0x38;
	[tilespmem:$0x10C80] =	vst v63  }
0x1b: {  	_ =	swait.ge [sflag:s16], $0x2780  }
0x1c: {  	[sflag:s16] =	ssyncset.done $0x0  }
0x1d: {  	s31 =	rddreg [dreg:$0x7];
	[sflag:s16] =	ssyncadd.s32 $0xFFFFD880  }
0x1e: {  	[tilespmem:s28], [sflag:$0x19] =	stream.linear.gather [hbm4b:s31+s14], $0x2780, $0x38;
	[tilespmem:$0x10C80] =	vst v63  }
0x1f: {  	_ =	swait.ge [sflag:s16], $0x2780  }
0x20: {  	[sflag:s16] =	ssyncset.done $0x0  }
0x21: {  	s7 =	simm.s32 $0x0;
	s0 =	simm.s32 $0x40;
	[sflag:s16] =	ssyncadd.s32 $0xFFFFD880  }
.LBB2_2:
0x22: {  	p0 =	sne.s32 s0, $0x9FC0;
	[tilespmem:s7+$0x9200] =	vst v0;
	s7 =	smov.u32 s0;
	s0 =	sadd.s32 $0x40, s0  }
.Ltmp0:
0x23: {  	(pc) =	sbr.rel @p0 .LBB2_2-.Ltmp0, $2  }
0x24: {  	_ =	sdelay $0x2  }
0x25: {  	s7 =	sshra.s32 s7, $0x2  }
0x26: {  	[tilespmem:s7+$0x9200] =	vst v0  }
0x27: {  	[tilespmem:$0x8F80] =	vst v0  }
0x28: {  	[tilespmem:$0x8F90] =	vst v0  }
0x29: {  	[tilespmem:$0x8FA0] =	vst v0  }
0x2a: {  	[tilespmem:$0x8FB0] =	vst v0  }
0x2b: {  	[tilespmem:$0x8FC0] =	vst v0  }
0x2c: {  	[tilespmem:$0x8FD0] =	vst v0  }
0x2d: {  	[tilespmem:$0x8FE0] =	vst v0  }
0x2e: {  	[tilespmem:$0x8FF0] =	vst v0  }
0x2f: {  	[tilespmem:$0x9000] =	vst v0  }
0x30: {  	[tilespmem:$0x9010] =	vst v0  }
0x31: {  	[tilespmem:$0x9020] =	vst v0  }
0x32: {  	[tilespmem:$0x9030] =	vst v0  }
0x33: {  	[tilespmem:$0x9040] =	vst v0  }
0x34: {  	[tilespmem:$0x9050] =	vst v0  }
0x35: {  	[tilespmem:$0x9060] =	vst v0  }
0x36: {  	[tilespmem:$0x9070] =	vst v0  }
0x37: {  	[tilespmem:$0x9080] =	vst v0  }
0x38: {  	[tilespmem:$0x9090] =	vst v0  }
0x39: {  	[tilespmem:$0x90A0] =	vst v0  }
0x3a: {  	[tilespmem:$0x90B0] =	vst v0  }
0x3b: {  	[tilespmem:$0x90C0] =	vst v0  }
0x3c: {  	[tilespmem:$0x90D0] =	vst v0  }
0x3d: {  	[tilespmem:$0x90E0] =	vst v0  }
0x3e: {  	[tilespmem:$0x90F0] =	vst v0  }
0x3f: {  	[tilespmem:$0x9100] =	vst v0  }
0x40: {  	[tilespmem:$0x9110] =	vst v0  }
0x41: {  	[tilespmem:$0x9120] =	vst v0  }
0x42: {  	[tilespmem:$0x9130] =	vst v0  }
0x43: {  	[tilespmem:$0x9140] =	vst v0  }
0x44: {  	[tilespmem:$0x9150] =	vst v0  }
0x45: {  	[tilespmem:$0x9160] =	vst v0  }
0x46: {  	[tilespmem:$0x9170] =	vst v0  }
0x47: {  	[tilespmem:$0x9180] =	vst v0  }
0x48: {  	[tilespmem:$0x9190] =	vst v0  }
0x49: {  	[tilespmem:$0x91A0] =	vst v0  }
0x4a: {  	[tilespmem:$0x91B0] =	vst v0  }
0x4b: {  	[tilespmem:$0x91C0] =	vst v0  }
0x4c: {  	[tilespmem:$0x91D0] =	vst v0  }
0x4d: {  	[tilespmem:$0x91E0] =	vst v0  }
0x4e: {  	[tilespmem:$0x91F0] =	vst v0  }
0x4f: {  	[tilespmem:$0x8F00] =	vst v1  }
0x50: {  	[tilespmem:$0x8F10] =	vst v1  }
0x51: {  	[tilespmem:$0x8F20] =	vst v1  }
0x52: {  	[tilespmem:$0x8F30] =	vst v1  }
0x53: {  	[tilespmem:$0x8F40] =	vst v1  }
0x54: {  	[tilespmem:$0x8F50] =	vst v1  }
0x55: {  	s0 =	rddreg [dreg:$0x8];
	[tilespmem:$0x8F60] =	vst v1  }
0x56: {  	s31 =	rddreg [dreg:$0xc];
	[tilespmem:$0x8F70] =	vst v1  }
0x57: {  	[spmem:s31], [sflag:s18] =	dma.local [hbm:s0], $0x500  }
0x58: {  	_ =	swait.ge [sflag:s20], $0x500  }
0x59: {  	[sflag:s20] =	ssyncset.done $0x0  }
0x5a: {  	s8 =	simm.s32 $0x9200;
	[sflag:s20] =	ssyncadd.s32 $0xFFFFFB00  }
0x5b: {  	[spmem:s10] =	stream.linear.scatter [tilespmem:s8], [sflag:$0x1A], $0x2800, $0x38;
	[tilespmem:$0x10C80] =	vst v63  }
0x5c: {  	_ =	swait.ge [sflag:s20], $0x2800  }
0x5d: {  	[sflag:s20] =	ssyncset.done $0x0  }
0x5e: {  	s9 =	simm.s32 $0x8F80;
	[sflag:s20] =	ssyncadd.s32 $0xFFFFD800  }
0x5f: {  	[spmem:s11] =	stream.linear.scatter [tilespmem:s9], [sflag:$0x1A], $0x280, $0x38;
	[tilespmem:$0x10C80] =	vst v63  }
0x60: {  	_ =	swait.ge [sflag:s20], $0x280  }
0x61: {  	[sflag:s20] =	ssyncset.done $0x0  }
0x62: {  	[sflag:s20] =	ssyncadd.s32 $0xFFFFFD80  }
0x63: {  	s0 =	simm.s32 $0x4F00;
	[bflag:$0x0] =	sbarrier.arrive $0xFFFF  }
0x64: {  	[tilespmem:s0], [sflag:$0x1] =	stream.indirect.gather [spmem:s2], $0x10, s14, s23, $0xb8;
	[tilespmem:$0x10C80] =	vst v63  }
0x65: {  	s7 =	simm.s32 $0x5700  }
0x66: {  	[tilespmem:s7], [sflag:$0x2] =	stream.indirect.gather [spmem:s2], $0x10, s23, s23, $0xb8;
	[tilespmem:$0x10C80] =	vst v63  }
0x67: {  	s8 =	simm.s32 $0x100;
	s9 =	simm.s32 $0x5F00  }
0x68: {  	[tilespmem:s9], [sflag:$0x3] =	stream.indirect.gather [spmem:s2], $0x10, s8, s23, $0xb8;
	[tilespmem:$0x10C80] =	vst v63  }
0x69: {  	s13 =	simm.s32 $0x180;
	s21 =	simm.s32 $0x6700  }
0x6a: {  	[tilespmem:s21], [sflag:$0x4] =	stream.indirect.gather [spmem:s2], $0x10, s13, s23, $0xb8;
	[tilespmem:$0x10C80] =	vst v63  }
0x6b: {  	s22 =	simm.s32 $0x200;
	s26 =	simm.s32 $0x6F00  }
0x6c: {  	[tilespmem:s26], [sflag:$0x5] =	stream.indirect.gather [spmem:s2], $0x10, s22, s23, $0xb8;
	[tilespmem:$0x10C80] =	vst v63  }
0x6d: {  	s30 =	simm.s32 $0x280;
	s31 =	simm.s32 $0x7700  }
0x6e: {  	[tilespmem:s31], [sflag:$0x6] =	stream.indirect.gather [spmem:s2], $0x10, s30, s23, $0xb8;
	[tilespmem:$0x10C80] =	vst v63  }
0x6f: {  	s9 =	simm.s32 $0x300;
	s13 =	simm.s32 $0x7F00;
	s21 =	simm.s32 $0x1  }
0x70: {  	[tilespmem:s13], [sflag:$0x7] =	stream.indirect.gather [spmem:s2], $0x10, s9, s23, $0xb8;
	[tilespmem:$0x10C80] =	vst v63  }
0x71: {  	_ =	swait.ge [sflag:s21], $0x800  }
0x72: {  	[sflag:s21] =	ssyncset.done $0x0  }
0x73: {  	[sflag:s21] =	ssyncadd.s32 $0xFFFFF800  }
0x74: {  	[spmem:s3] =	stream.indirect.scatter.add.f32 [tilespmem:s0], [sflag:$0x9], $0x10, s28, s23, $0xb8;
	[tilespmem:$0x10C80] =	vst v63  }
0x75: {  	p2 =	sne.s32 s6, $0xFFFFFFB5  }
0x76: {  	[spmem:s4] =	stream.indirect.scatter.add.f32 [tilespmem:s29], [sflag:$0x11], $0x1, s28, s23, $0xb8;
	[tilespmem:$0x10C80] =	vst v63  }
0x77: {  	s22 =	simm.s32 $0x380;
	s26 =	simm.s32 $0x8700;
	s30 =	simm.s32 $0x2  }
0x78: {  	[tilespmem:s26], [sflag:$0x8] =	stream.indirect.gather [spmem:s2], $0x10, s22, s23, $0xb8;
	[tilespmem:$0x10C80] =	vst v63  }
0x79: {  	p0 =	sle.u32 s12, $0x8;
	p1 =	por $0x0, $0x0;
	_ =	swait.ge [sflag:s30], $0x800  }
.Ltmp1:
0x7a: {  	s31 =	simm.s32 $0x2800;
	[sflag:s30] =	ssyncset.done $0x0;
	(pc) =	sbr.rel @!p2 .LBB2_4-.Ltmp1, $4  }
0x7b: {  	s21 =	simm.s32 $0xFFFFFFB4;
	s0 =	simm.s32 $0xFFFFFFB5;
	[sflag:s30] =	ssyncadd.s32 $0xFFFFF800  }
0x7c: {  	[spmem:s3] =	stream.indirect.scatter.add.f32 [tilespmem:s7], [sflag:$0xA], $0x10, s31, s23, $0xb8;
	[tilespmem:$0x10C80] =	vst v63  }
0x7d: {  	s26 =	simm.s32 $0x2880;
	s22 =	simm.s32 $0x400;
	s7 =	simm.s32 $0x8  }
0x7e: {  	[spmem:s4] =	stream.indirect.scatter.add.f32 [tilespmem:s29], [sflag:$0x12], $0x1, s31, s23, $0xb8;
	[tilespmem:$0x10C80] =	vst v63  }
0x7f: {  	s7 =	sand.u32 @!p0 $0x7, s7  }
0x80: {  	s8 =	sadd.s32 @!p0 $0x9, s7  }
0x81: {  	s21 =	simm.s32 $0xFFFFFFB6;
	s13 =	simm.s32 $0x2;
	_ =	swait.ge @!p0 [sflag:s8], $0x800  }
0x82: {  	p2 =	sne.s32 s6, $0xFFFFFFB6;
	s28 =	simm.s32 $0x2900;
	[sflag:s8] =	ssyncset.done @!p0 $0x0  }
0x83: {  	p1 =	por $0x1, $0x1;
	[sflag:s8] =	ssyncadd.s32 @!p0 $0xFFFFF800;
	s8 =	sadd.s32 @!p0 $0x11, s7  }
0x84: {  	s9 =	sshll.u32 @!p0 s7, $0xB;
	s30 =	sand.u32 $0x7, s13;
	_ =	swait.ge @!p0 [sflag:s8], $0x80  }
0x85: {  	s9 =	sadd.s32 @!p0 $0x4F00, s9;
	s7 =	sadd.s32 @!p0 $0x1, s7;
	[sflag:s8] =	ssyncset.done @!p0 $0x0  }
.Ltmp2:
0x86: {  	[sflag:s8] =	ssyncadd.s32 @!p0 $0xFFFFFF80;
	s8 =	simm.s32 @!p0 $0x80;
	(pc) =	sbr.rel @!p2 .LBB2_6-.Ltmp2, $4  }
0x87: {  	[tilespmem:s9], [sflag:s7] =	stream.indirect.gather @!p0 [spmem:s2], $0x10, s22, s8, $0xb8;
	[tilespmem:$0x10C80] =	vst v63  }
0x88: {  	s14 =	sshll.u32 s30, $0xB;
	s31 =	sadd.s32 $0x9, s30;
	s8 =	sadd.s32 $0x1, s30  }
0x89: {  	s22 =	simm.s32 $0x480;
	s7 =	simm.s32 $0x9;
	_ =	swait.ge [sflag:s8], $0x800  }
0x8a: {  	s9 =	sadd.s32 $0x4F00, s14;
	p0 =	sle.u32 s12, $0x9;
	[sflag:s8] =	ssyncset.done $0x0  }
.LBB2_7:
0x8b: {  	s7 =	sand.u32 @!p0 $0x7, s7;
	[sflag:s8] =	ssyncadd.s32 $0xFFFFF800;
	s8 =	sadd.s32 $0x11, s30  }
0x8c: {  	s13 =	smov.u32 s0;
	s0 =	smov.u32 s21;
	s14 =	smov.u32 s22  }
0x8d: {  	[spmem:s3] =	stream.indirect.scatter.add.f32 [tilespmem:s9], [sflag:s31], $0x10, s26, s23, $0xb8;
	[tilespmem:$0x10C80] =	vst v63  }
0x8e: {  	s9 =	sadd.s32 @!p0 $0x9, s7;
	s30 =	sshll.u32 @!p0 s7, $0xB;
	s31 =	sadd.s32 @!p0 $0x1, s7  }
0x8f: {  	[spmem:s4] =	stream.indirect.scatter.add.f32 [tilespmem:s29], [sflag:s8], $0x1, s26, s23, $0xb8;
	[tilespmem:$0x10C80] =	vst v63  }
0x90: {  	s21 =	sadd.s32 $0x1, s21;
	s8 =	sadd.s32 @!p0 $0x4F00, s30;
	_ =	swait.ge @!p0 [sflag:s9], $0x800  }
0x91: {  	p2 =	sne.s32 s6, s21;
	s26 =	smov.u32 s28;
	[sflag:s9] =	ssyncset.done @!p0 $0x0  }
0x92: {  	s7 =	sadd.s32 @!p0 $0x11, s7;
	[sflag:s9] =	ssyncadd.s32 @!p0 $0xFFFFF800  }
0x93: {  	s9 =	sadd.s32 $0x4E, s13;
	_ =	swait.ge @!p0 [sflag:s7], $0x80  }
0x94: {  	s22 =	sadd.s32 $0x80, s22;
	s30 =	sand.u32 $0x7, s9;
	[sflag:s7] =	ssyncset.done @!p0 $0x0  }
.Ltmp3:
0x95: {  	[sflag:s7] =	ssyncadd.s32 @!p0 $0xFFFFFF80;
	s7 =	simm.s32 @!p0 $0x80;
	(pc) =	sbr.rel @p2 .LBB2_7-.Ltmp3, $4  }
0x96: {  	[tilespmem:s8], [sflag:s31] =	stream.indirect.gather @!p0 [spmem:s2], $0x10, s14, s7, $0xb8;
	[tilespmem:$0x10C80] =	vst v63  }
0x97: {  	s9 =	sshll.u32 s30, $0xB;
	s8 =	sadd.s32 $0x1, s30;
	s31 =	sadd.s32 $0x9, s30  }
0x98: {  	s9 =	sadd.s32 $0x4F00, s9;
	s7 =	sadd.s32 $0x54, s0;
	_ =	swait.ge [sflag:s8], $0x800  }
0x99: {  	s28 =	sadd.s32 $0x80, s28;
	p0 =	sge.u32 s7, s12;
	[sflag:s8] =	ssyncset.done $0x0  }
0x9a: {  	s13 =	smov.u32 s26;
	s21 =	smov.u32 s0  }
0x9b: {  	s26 =	smov.u32 s28;
	s14 =	simm.s32 $0x0;
	s28 =	simm.s32 $0x2780  }
.LBB2_9:
0x9c: {  	[sflag:s8] =	ssyncadd.s32 @p1 $0xFFFFF800  }
0x9d: {  	[spmem:s3] =	stream.indirect.scatter.add.f32 @p1 [tilespmem:s9], [sflag:s31], $0x10, s13, s23, $0xb8;
	[tilespmem:$0x10C80] =	vst v63  }
0x9e: {  	s0 =	sand.u32 @!p0 $0x7, s7;
	s7 =	sadd.s32 @p1 $0x11, s30  }
0x9f: {  	[spmem:s4] =	stream.indirect.scatter.add.f32 @p1 [tilespmem:s29], [sflag:s7], $0x1, s13, s23, $0xb8;
	[tilespmem:$0x10C80] =	vst v63  }
0xa0: {  	s7 =	sadd.s32 @!p0 $0x9, s0  }
0xa1: {  	_ =	swait.ge @!p0 [sflag:s7], $0x800  }
0xa2: {  	[sflag:s7] =	ssyncset.done @!p0 $0x0  }
0xa3: {  	[sflag:s7] =	ssyncadd.s32 @!p0 $0xFFFFF800;
	s7 =	sadd.s32 @!p0 $0x11, s0  }
0xa4: {  	s8 =	sshll.u32 @!p0 s0, $0xB;
	_ =	swait.ge @!p0 [sflag:s7], $0x80  }
0xa5: {  	s8 =	sadd.s32 @!p0 $0x4F00, s8;
	[sflag:s7] =	ssyncset.done @!p0 $0x0  }
0xa6: {  	s0 =	sadd.s32 @!p0 $0x1, s0;
	[sflag:s7] =	ssyncadd.s32 @!p0 $0xFFFFFF80;
	s7 =	simm.s32 @!p0 $0x80  }
0xa7: {  	[tilespmem:s8], [sflag:s0] =	stream.indirect.gather @!p0 [spmem:s2], $0x10, s22, s7, $0xb8;
	[tilespmem:$0x10C80] =	vst v63  }
0xa8: {  	s22 =	sadd.s32 $0x4E, s21  }
0xa9: {  	s0 =	sand.u32 $0x7, s22  }
0xaa: {  	s30 =	sadd.s32 $0x1, s0  }
0xab: {  	_ =	swait.ge [sflag:s30], $0x800  }
0xac: {  	s31 =	sshll.u32 s0, $0xB;
	[sflag:s30] =	ssyncset.done $0x0  }
0xad: {  	s9 =	sadd.s32 $0x9, s0;
	s8 =	sadd.s32 $0x4F00, s31;
	[sflag:s30] =	ssyncadd.s32 $0xFFFFF800  }
0xae: {  	[spmem:s3] =	stream.indirect.scatter.add.f32 [tilespmem:s8], [sflag:s9], $0x10, s26, s23, $0xb8;
	[tilespmem:$0x10C80] =	vst v63  }
0xaf: {  	s13 =	simm.s32 $0x9;
	s0 =	sadd.s32 $0x11, s0  }
0xb0: {  	[spmem:s4] =	stream.indirect.scatter.add.f32 [tilespmem:s29], [sflag:s0], $0x1, s26, s23, $0xb8;
	[tilespmem:$0x10C80] =	vst v63  }
0xb1: {  	_ =	swait.ge [sflag:s13], $0x800  }
0xb2: {  	[sflag:s13] =	ssyncset.done $0x0  }
0xb3: {  	s21 =	simm.s32 $0x11;
	[sflag:s13] =	ssyncadd.s32 $0xFFFFF800  }
0xb4: {  	_ =	swait.ge [sflag:s21], $0x80  }
0xb5: {  	[sflag:s21] =	ssyncset.done $0x0  }
0xb6: {  	s22 =	simm.s32 $0xA;
	[sflag:s21] =	ssyncadd.s32 $0xFFFFFF80  }
0xb7: {  	_ =	swait.ge [sflag:s22], $0x800  }
0xb8: {  	[sflag:s22] =	ssyncset.done $0x0  }
0xb9: {  	s26 =	simm.s32 $0x12;
	[sflag:s22] =	ssyncadd.s32 $0xFFFFF800  }
0xba: {  	_ =	swait.ge [sflag:s26], $0x80  }
0xbb: {  	[sflag:s26] =	ssyncset.done $0x0  }
0xbc: {  	s30 =	simm.s32 $0xB;
	[sflag:s26] =	ssyncadd.s32 $0xFFFFFF80  }
0xbd: {  	_ =	swait.ge [sflag:s30], $0x800  }
0xbe: {  	[sflag:s30] =	ssyncset.done $0x0  }
0xbf: {  	s31 =	simm.s32 $0x13;
	[sflag:s30] =	ssyncadd.s32 $0xFFFFF800  }
0xc0: {  	_ =	swait.ge [sflag:s31], $0x80  }
0xc1: {  	[sflag:s31] =	ssyncset.done $0x0  }
0xc2: {  	s7 =	simm.s32 $0xC;
	[sflag:s31] =	ssyncadd.s32 $0xFFFFFF80  }
0xc3: {  	_ =	swait.ge [sflag:s7], $0x800  }
0xc4: {  	[sflag:s7] =	ssyncset.done $0x0  }
0xc5: {  	s8 =	simm.s32 $0x14;
	[sflag:s7] =	ssyncadd.s32 $0xFFFFF800  }
0xc6: {  	_ =	swait.ge [sflag:s8], $0x80  }
0xc7: {  	[sflag:s8] =	ssyncset.done $0x0  }
0xc8: {  	s9 =	simm.s32 $0xD;
	[sflag:s8] =	ssyncadd.s32 $0xFFFFFF80  }
0xc9: {  	_ =	swait.ge [sflag:s9], $0x800  }
0xca: {  	[sflag:s9] =	ssyncset.done $0x0  }
0xcb: {  	s13 =	simm.s32 $0x15;
	[sflag:s9] =	ssyncadd.s32 $0xFFFFF800  }
0xcc: {  	_ =	swait.ge [sflag:s13], $0x80  }
0xcd: {  	[sflag:s13] =	ssyncset.done $0x0  }
0xce: {  	[sflag:s13] =	ssyncadd.s32 $0xFFFFFF80  }
0xcf: {  	_ =	swait.ge [sflag:s15], $0x800  }
0xd0: {  	[sflag:s15] =	ssyncset.done $0x0  }
0xd1: {  	[sflag:s15] =	ssyncadd.s32 $0xFFFFF800  }
0xd2: {  	_ =	swait.ge [sflag:s24], $0x80  }
0xd3: {  	[sflag:s24] =	ssyncset.done $0x0  }
0xd4: {  	[sflag:s24] =	ssyncadd.s32 $0xFFFFFF80  }
0xd5: {  	_ =	swait.ge [sflag:s19], $0x800  }
0xd6: {  	[sflag:s19] =	ssyncset.done $0x0  }
0xd7: {  	[sflag:s19] =	ssyncadd.s32 $0xFFFFF800  }
0xd8: {  	_ =	swait.ge [sflag:s25], $0x80  }
0xd9: {  	[sflag:s25] =	ssyncset.done $0x0  }
0xda: {  	[sflag:s25] =	ssyncadd.s32 $0xFFFFFF80  }
0xdb: {  	_ =	swait.ge [sflag:s1], $0x800  }
0xdc: {  	[sflag:s1] =	ssyncset.done $0x0  }
0xdd: {  	[sflag:s1] =	ssyncadd.s32 $0xFFFFF800  }
0xde: {  	_ =	swait.ge [sflag:s5], $0x80  }
0xdf: {  	[sflag:s5] =	ssyncset.done $0x0  }
0xe0: {  	[sflag:s5] =	ssyncadd.s32 $0xFFFFFF80  }
0xe1: {  	[bflag:$0x0] =	sbarrier.arrive $0xFFFF  }
0xe2: {  	s21 =	sshrl.u32 s10, $0x3;
	s22 =	rddreg [dreg:$0x9]  }
0xe3: {  	[hbm:s22], [sflag:s18] =	dma.local [spmem:s21], $0x500  }
0xe4: {  	_ =	swait.ge [sflag:s20], $0x500  }
0xe5: {  	[sflag:s20] =	ssyncset.done $0x0  }
0xe6: {  	s26 =	sshrl.u32 s11, $0x3;
	s30 =	rddreg [dreg:$0xa];
	[sflag:s20] =	ssyncadd.s32 $0xFFFFFB00  }
0xe7: {  	[hbm:s30], [sflag:s18] =	dma.local [spmem:s26], $0x50  }
0xe8: {  	_ =	swait.ge [sflag:s20], $0x50  }
0xe9: {  	s17 =	sadd.s32 $0x1, s17;
	s31 =	rddreg [dreg:$0xb]  }
0xea: {  	p0 =	sne.s32 s17, s31  }
.Ltmp4:
0xeb: {  	_ = 	snop;
	(pc) =	sbr.rel @p0 .LBB2_1-.Ltmp4, $4  }
.Ltmp5:
0xec: {  	_ = 	snop;
	(pc) =	sbr.rel @!p0 .LBB2_10-.Ltmp5, $4  }
0xed: {  	_ = 	snop  }
0xee: {  	[sflag:s20] =	ssyncset.done $0x0  }
0xef: {  	[sflag:s20] =	ssyncadd.s32 $0xFFFFFFB0  }
0xf0: {  	_ = 	snop  }
.LBB2_4:
.Ltmp6:
0xf1: {  	(pc) =	sbr.rel .LBB2_9-.Ltmp6, $2  }
0xf2: {  	_ =	sdelay $0x2  }
0xf3: {  	_ = 	snop  }
.LBB2_6:
.Ltmp7:
0xf4: {  	(pc) =	sbr.rel .LBB2_9-.Ltmp7, $3  }
0xf5: {  	_ =	sdelay $0x1  }
0xf6: {  	s21 =	simm.s32 $0xFFFFFFB5;
	s22 =	simm.s32 $0x480;
	s13 =	simm.s32 $0x2880  }
0xf7: {  	s26 =	simm.s32 $0x2900;
	s14 =	simm.s32 $0x0;
	s28 =	simm.s32 $0x2780  }
.LBB2_10:
0xf8: {  	_ =	sfence.sel $0x180000  }
0xf9: {  	[bflag:$0x0] =	sbarrier.arrive $0xFFFF  }
0xfa: {  	_ =	strace $0x90000047  }
0xfb: {  	s0 =	stileid.u32;
	[bflag:$0x2] =	sbarrier.arrive $0xFFFF  }
0xfc: {  	p0 =	sne.s32 s0, $0x0;
	s0 =	rddreg [dreg:$0x5]  }
0xfd: {  	s0 =	sadd.s32 @!p0 $0x100000, s0  }
0xfe: {  	[sflag:s0] =	ssyncadd.tile.s32 @!p0 $0x1;
	_ =	shalt  }
.Lfunc_end2:
_tile_overlayer_lowered:
.L_overlay_start_2:
0xff: {  	(tag) =	ssettag $0x2  }
0x100: {  	s0 =	rddreg [dreg:$0x0];
	s2 =	stileid.u32  }
0x101: {  	s1 =	rddreg [dreg:$0x1];
	p0 =	sne.s32 s2, $0x0  }
0x102: {  	s3 =	rddreg [dreg:$0x2];
	[bflag:$0x3] =	sbarrier.arrive $0xFFFF;
	s2 =	simm.s32 @!p0 $0x1C1A  }
0x103: {  	[timem:s3], [sflag:s2] =	dma.local @!p0 [hbm:s0], s1  }
0x104: {  	s0 =	simm.s32 @!p0 $0x1A  }
0x105: {  	_ =	swait.ge @!p0 [sflag:s0], s1  }
0x106: {  	s1 =	ssub.s32 @!p0 $0x0, s1;
	[sflag:s0] =	ssyncset.done @!p0 $0x0  }
0x107: {  	[sflag:s0] =	ssyncadd.s32 @!p0 s1  }
0x108: {  	[bflag:$0x3] =	sbarrier.arrive $0xFFFF  }
0x109: {  	_ =	shalt  }

</sc_bundles>
